<compile_context>
chip_gen: v7x
topology: tpu7x:2x2x1
jax: 0.10.2.dev20260603
libtpu: 0.0.44.dev20260713+nightly
codegen_flags: <defaults>
</compile_context>

<pallas_src>
import functools

import jax
import jax.numpy as jnp
from jax import lax
from jax.experimental import pallas as pl
from jax.experimental.pallas import tpu as pltpu
from jax.experimental.pallas import tpu_sc as plsc

N = 10000
E = 320000
H = 128
HH = 64
L = 4
G = 64
VOCAB = 128
NFEAT = 9

NSUB = 16
NTIL = 2 * NSUB
NROWS = 10240
RPT = NROWS // NSUB
CHUNK = 128
NCHT = 80
EPAD = NTIL * NCHT * CHUNK
ECH = EPAD // CHUNK



def _deg_body(dst_hbm, degp_hbm, dst_v, cnt_v):
    cid = lax.axis_index("c")
    sid = lax.axis_index("s")
    wid = cid * NSUB + sid
    pltpu.sync_copy(dst_hbm.at[pl.ds(wid * NCHT, NCHT)], dst_v)
    zeros16 = jnp.zeros((16,), jnp.float32)
    ones16 = jnp.ones((16,), jnp.float32)

    def zbody(i, carry):
        cnt_v[pl.ds(i * 16, 16)] = zeros16
        return carry

    lax.fori_loop(0, NROWS // 16, zbody, 0)

    def body(i, carry):
        j = i // 8
        k = i % 8
        idx = dst_v[j, pl.ds(k * 16, 16)]
        plsc.addupdate_scatter(cnt_v, [idx], ones16)
        return carry

    lax.fori_loop(0, NCHT * 8, body, 0)
    pltpu.sync_copy(cnt_v, degp_hbm.at[wid])


@functools.cache
def _deg_kernel():
    return pl.kernel(
        _deg_body,
        out_type=jax.ShapeDtypeStruct((NTIL, NROWS), jnp.float32),
        mesh=plsc.VectorSubcoreMesh(core_axis_name="c", subcore_axis_name="s"),
        scratch_types=[
            pltpu.VMEM((NCHT, CHUNK), jnp.int32),
            pltpu.VMEM((NROWS,), jnp.float32),
        ],
        compiler_params=pltpu.CompilerParams(needs_layout_passes=False),
    )


def _agg_body(t_hbm, src_hbm, dst_hbm, u2_hbm,
              src_v, dst_v, dstrow_v, rows_v, acc):
    cid = lax.axis_index("c")
    sid = lax.axis_index("s")
    wid = sid * 2 + cid
    pltpu.sync_copy(src_hbm.at[pl.ds(wid * NCHT, NCHT)], src_v)
    pltpu.sync_copy(dst_hbm.at[pl.ds(wid * NCHT, NCHT)], dst_v)

    zeros16 = jnp.zeros((16,), jnp.float32)

    def zbody(i, carry):
        rows_v[i // 8, pl.ds((i % 8) * 16, 16)] = zeros16
        return carry

    lax.fori_loop(0, CHUNK * 8, zbody, 0)
    for r in range(RPT // CHUNK):
        pltpu.sync_copy(rows_v, acc.at[pl.ds(sid * RPT + r * CHUNK, CHUNK)])

    plsc.subcore_barrier()

    def body(j, carry):
        for k in range(CHUNK // 16):
            dstrow_v[pl.ds(k * 16, 16)] = dst_v[j, pl.ds(k * 16, 16)]
        pltpu.sync_copy(t_hbm.at[src_v.at[j]], rows_v)
        pltpu.sync_copy(rows_v, acc.at[dstrow_v], add=True)
        return carry

    lax.fori_loop(0, NCHT, body, 0)
    plsc.subcore_barrier()
    pltpu.sync_copy(acc.at[pl.ds(sid * RPT, RPT)],
                    u2_hbm.at[cid, pl.ds(sid * RPT, RPT)])


@functools.cache
def _agg_kernel():
    return pl.kernel(
        _agg_body,
        out_type=jax.ShapeDtypeStruct((2, NROWS, H), jnp.float32),
        mesh=plsc.VectorSubcoreMesh(core_axis_name="c", subcore_axis_name="s"),
        scratch_types=[
            pltpu.VMEM((NCHT, CHUNK), jnp.int32),
            pltpu.VMEM((NCHT, CHUNK), jnp.int32),
            pltpu.VMEM((CHUNK,), jnp.int32),
            pltpu.VMEM((CHUNK, H), jnp.float32),
            pltpu.VMEM_SHARED((NROWS, H), jnp.float32),
        ],
        compiler_params=pltpu.CompilerParams(needs_layout_passes=False),
    )



EMBBLK = 1024


def _emb_body(x_ref, emb_ref, h_ref):
    acc = jnp.zeros((EMBBLK, H), jnp.float32)
    iota = lax.broadcasted_iota(jnp.int32, (EMBBLK, VOCAB), 1)
    for f in range(NFEAT):
        xf = x_ref[:, f].reshape(EMBBLK, 1)
        onehot = jnp.where(xf == iota, 1.0, 0.0)
        acc = acc + jnp.dot(onehot, emb_ref[f],
                            preferred_element_type=jnp.float32, precision=lax.Precision.HIGHEST)
    h_ref[...] = acc


def _emb_call(x_p, atom_emb):
    return pl.pallas_call(
        _emb_body,
        grid=(NROWS // EMBBLK,),
        in_specs=[pl.BlockSpec((EMBBLK, NFEAT), lambda i: (i, 0)),
                  pl.BlockSpec((NFEAT, VOCAB, H), lambda i: (0, 0, 0))],
        out_specs=pl.BlockSpec((EMBBLK, H), lambda i: (i, 0)),
        out_shape=jax.ShapeDtypeStruct((NROWS, H), jnp.float32),
    )(x_p, atom_emb)


def _prep_body(h_ref, degp_ref, norm_ref, t_ref):
    ones_col = jnp.ones((NTIL, 1), jnp.float32)
    deg = lax.dot_general(degp_ref[...], ones_col, (((0,), (0,)), ((), ())),
                          preferred_element_type=jnp.float32, precision=lax.Precision.HIGHEST) + 1.0
    nrm2 = jnp.broadcast_to(lax.rsqrt(deg), (NROWS, H))
    norm_ref[...] = nrm2
    t_ref[...] = h_ref[...] * nrm2


def _layer_body(u2_ref, norm_ref, hprev_ref, w_ref, b_ref, g_ref,
                be_ref, h_ref, t_ref):
    nrm2 = norm_ref[...]
    u = u2_ref[0] + u2_ref[1] + hprev_ref[...] * nrm2
    s = u * nrm2
    v = jnp.dot(s, w_ref[...], preferred_element_type=jnp.float32) + b_ref[...]
    rid = lax.broadcasted_iota(jnp.int32, (NROWS, 1), 0)
    mask = rid < N
    vm = jnp.where(mask, v, 0.0)
    mean = jnp.sum(vm, axis=0, keepdims=True) * (1.0 / N)
    dv = jnp.where(mask, v - mean, 0.0)
    var = jnp.sum(dv * dv, axis=0, keepdims=True) * (1.0 / N)
    hn = jnp.maximum((v - mean) * lax.rsqrt(var + 1e-5) * g_ref[...]
                     + be_ref[...], 0.0) + hprev_ref[...]
    hn = jnp.where(mask, hn, 0.0)
    h_ref[...] = hn
    t_ref[...] = hn * nrm2


def _head_body(h_ref, bid_ref, w1_ref, b1_ref, w2_ref, b2_ref, w3_ref,
               b3_ref, out_ref):
    bid = bid_ref[...].reshape(NROWS, 1)
    gio = lax.broadcasted_iota(jnp.int32, (NROWS, G), 1)
    onehot = jnp.where(bid == gio, 1.0, 0.0)
    sums = lax.dot_general(onehot, h_ref[...], (((0,), (0,)), ((), ())),
                           preferred_element_type=jnp.float32, precision=lax.Precision.HIGHEST)
    ones_col = jnp.ones((NROWS, 1), jnp.float32)
    counts = lax.dot_general(onehot, ones_col, (((0,), (0,)), ((), ())),
                             preferred_element_type=jnp.float32, precision=lax.Precision.HIGHEST)
    pooled = sums / jnp.maximum(counts, 1.0)
    z = jnp.maximum(jnp.dot(pooled, w1_ref[...],
                            preferred_element_type=jnp.float32)
                    + b1_ref[...], 0.0)
    z = jnp.maximum(jnp.dot(z, w2_ref[...],
                            preferred_element_type=jnp.float32)
                    + b2_ref[...], 0.0)
    out_ref[...] = jnp.dot(z, w3_ref[...],
                           preferred_element_type=jnp.float32) + b3_ref[...]


def _tc(body, out_shapes):
    return pl.pallas_call(body, out_shape=out_shapes)



def kernel(x, edge_index, batch_ids, atom_emb, Ws, bs, gammas, betas,
           W1, b1, W2, b2, W3, b3):
    f32, i32 = jnp.float32, jnp.int32
    x = x.astype(i32)
    src = edge_index[0].astype(i32)
    dst = edge_index[1].astype(i32)
    npad = NROWS - N
    epad = EPAD - E
    x_p = jnp.concatenate([x, jnp.zeros((npad, NFEAT), i32)], axis=0)
    pad_dst = N + jnp.arange(epad, dtype=i32) % jnp.int32(npad)
    pad_src = jnp.arange(epad, dtype=i32) % jnp.int32(N)
    src2d = jnp.concatenate([src, pad_src]).reshape(ECH, CHUNK)
    dst2d = jnp.concatenate([dst, pad_dst]).reshape(ECH, CHUNK)
    bids_p = jnp.concatenate([batch_ids.astype(i32), jnp.full((npad,), G, i32)])

    h = _emb_call(x_p, atom_emb)
    degp = _deg_kernel()(dst2d)
    norm2, t = _tc(_prep_body, [jax.ShapeDtypeStruct((NROWS, H), f32),
                                jax.ShapeDtypeStruct((NROWS, H), f32)])(h, degp)
    layer_out = [jax.ShapeDtypeStruct((NROWS, H), f32),
                 jax.ShapeDtypeStruct((NROWS, H), f32)]
    for i in range(L):
        u2 = _agg_kernel()(t, src2d, dst2d)
        h, t = _tc(_layer_body, layer_out)(
            u2, norm2, h, Ws[i], bs[i].reshape(1, H),
            gammas[i].reshape(1, H), betas[i].reshape(1, H))
    out = _tc(_head_body, jax.ShapeDtypeStruct((G, 1), f32))(
        h, bids_p, W1, b1.reshape(1, HH), W2, b2.reshape(1, H // 4),
        W3, b3.reshape(1, 1))
    return out

# --- scband reference (transcript-rebuilt; emitter-appended) ---
"""Pipeline reference for scband-hivnet-4398046511479 (READ-ONLY COPY).

The authoritative reference and input builder live on the scoring server;
editing this copy changes nothing except your own understanding.
"""

import jax, jax.numpy as jnp
import numpy as np

N = 10000
E = 320000
H = 128
L = 4
G = 64
VOCAB = 128
NFEAT = 9

def setup_inputs(seed: int = 0):
    key = jax.random.key(seed)
    ks = jax.random.split(key, 20)
    x = jax.random.randint(ks[0], (N, NFEAT), 0, 100)
    edge_index = jax.random.randint(ks[1], (2, E), 0, N)
    batch_ids = jnp.sort(jax.random.randint(ks[2], (N,), 0, G))
    atom_emb = jax.random.normal(ks[3], (NFEAT, VOCAB, H), dtype=jnp.float32) * 0.02
    Ws = jax.random.normal(ks[4], (L, H, H), dtype=jnp.float32) * (1.0 / np.sqrt(H))
    bs = jnp.zeros((L, H), dtype=jnp.float32)
    gammas = jnp.ones((L, H), dtype=jnp.float32)
    betas = jnp.zeros((L, H), dtype=jnp.float32)
    W1 = jax.random.normal(ks[5], (H, H // 2), dtype=jnp.float32) * (1.0 / np.sqrt(H))
    b1 = jnp.zeros((H // 2,), dtype=jnp.float32)
    W2 = jax.random.normal(ks[6], (H // 2, H // 4), dtype=jnp.float32) * (1.0 / np.sqrt(H // 2))
    b2 = jnp.zeros((H // 4,), dtype=jnp.float32)
    W3 = jax.random.normal(ks[7], (H // 4, 1), dtype=jnp.float32) * (1.0 / np.sqrt(H // 4))
    b3 = jnp.zeros((1,), dtype=jnp.float32)
    return {"x": x, "edge_index": edge_index, "batch_ids": batch_ids, "atom_emb": atom_emb,
            "Ws": Ws, "bs": bs, "gammas": gammas, "betas": betas,
            "W1": W1, "b1": b1, "W2": W2, "b2": b2, "W3": W3, "b3": b3}

def reference(x, edge_index, batch_ids, atom_emb, Ws, bs, gammas, betas, W1, b1, W2, b2, W3, b3):
    # AtomEncoder: sum of per-feature embedding lookups
    h = jnp.zeros((N, H), dtype=jnp.float32)
    for f in range(NFEAT):
        h = h + atom_emb[f][x[:, f]]
    # in_feat_dropout with p=0.0 (eval) -> identity
    src = edge_index[0]
    dst = edge_index[1]
    loop = jnp.arange(N)
    src_a = jnp.concatenate([src, loop])
    dst_a = jnp.concatenate([dst, loop])
    deg = jax.ops.segment_sum(jnp.ones((E + N,), dtype=jnp.float32), dst_a, num_segments=N)
    norm = jax.lax.rsqrt(deg)
    coef = (norm[src_a] * norm[dst_a])[:, None]
    for i in range(L):
        identity = h
        # GCNConv-style message passing with symmetric normalization + self-loops
        msg = h[src_a] * coef
        agg = jax.ops.segment_sum(msg, dst_a, num_segments=N)
        h = agg @ Ws[i] + bs[i]
        # BatchNorm1d (batch statistics)
        mean = jnp.mean(h, axis=0)
        var = jnp.var(h, axis=0)
        h = (h - mean) * jax.lax.rsqrt(var + 1e-5) * gammas[i] + betas[i]
        h = jax.nn.relu(h)
        h = h + identity  # residual=True
    # global_mean_pool over graph ids
    sums = jax.ops.segment_sum(h, batch_ids, num_segments=G)
    counts = jax.ops.segment_sum(jnp.ones((N,), dtype=jnp.float32), batch_ids, num_segments=G)
    pooled = sums / jnp.maximum(counts, 1.0)[:, None]
    # MLP [128 -> 64 -> 32 -> 1] with ReLU
    z = jax.nn.relu(pooled @ W1 + b1)
    z = jax.nn.relu(z @ W2 + b2)
    out = z @ W3 + b3
    return out

if __name__ == "__main__":
    import jax
    _d = setup_inputs()
    print(jax.jit(kernel)(*tuple(_d.values())))

</pallas_src>

<mosaic_0001>
#map = affine_map<(d0, d1) -> (0, 0)>
module attributes {stable_mosaic.version = 14 : i64} {
  func.func @_deg_body(%arg0: i32, %arg1: i32, %arg2: memref<2560x128xi32, #tpu.memory_space<hbm>>, %arg3: memref<32x10240xf32, #tpu.memory_space<hbm>>, %arg4: memref<80x128xi32, #tpu.memory_space<vmem>>, %arg5: memref<10240xf32, #tpu.memory_space<vmem>>) attributes {dimension_semantics = [#tpu.dimension_semantics<core_parallel>, #tpu.dimension_semantics<subcore_parallel>], iteration_bounds = array<i64: 2, 16>, scalar_prefetch = 0 : i64, scratch_operands = 2 : i64, tpu.core_type = #tpu.core_type<sc_vector_subcore>, window_params = [{transform_indices = #map}, {transform_indices = #map}]} {
    %mul3A = arith.constant 16 : i32
    %mul3A_0 = arith.muli %arg0, %mul3A : i32
    %add3A = arith.addi %mul3A_0, %arg1 : i32
    %mul3A_1 = arith.constant 80 : i32
    %mul3A_2 = arith.muli %add3A, %mul3A_1 : i32
    "tpu.region"() ({
      %run_scoped3A = tpu.sem_alloc : memref<!tpu.dma_semaphore, #tpu.memory_space<semaphore_mem>>
      %dma_start3A = arith.constant 0 : i32
      %dma_start3A_17 = tpu.memref_slice %arg2[%mul3A_2, %dma_start3A] : memref<2560x128xi32, #tpu.memory_space<hbm>> -> memref<80x128xi32, #tpu.memory_space<hbm>>
      %dma_start3A_18 = arith.constant 0 : i32
      %dma_start3A_19 = tpu.memref_slice %arg2[%mul3A_2, %dma_start3A_18] : memref<2560x128xi32, #tpu.memory_space<hbm>> -> memref<80x128xi32, #tpu.memory_space<hbm>>
      tpu.enqueue_dma source(%dma_start3A_19 : memref<80x128xi32, #tpu.memory_space<hbm>>) target(%arg4 : memref<80x128xi32, #tpu.memory_space<vmem>>) target_semaphore(%run_scoped3A : memref<!tpu.dma_semaphore, #tpu.memory_space<semaphore_mem>>)
      %dma_wait3A = arith.constant 0 : i32
      %dma_wait3A_20 = tpu.memref_slice %arg2[%mul3A_2, %dma_wait3A] : memref<2560x128xi32, #tpu.memory_space<hbm>> -> memref<80x128xi32, #tpu.memory_space<hbm>>
      %dma_wait3A_21 = arith.constant 0 : i32
      %dma_wait3A_22 = tpu.memref_slice %arg2[%mul3A_2, %dma_wait3A_21] : memref<2560x128xi32, #tpu.memory_space<hbm>> -> memref<80x128xi32, #tpu.memory_space<hbm>>
      tpu.wait_dma2 semaphore(%run_scoped3A : memref<!tpu.dma_semaphore, #tpu.memory_space<semaphore_mem>>) src(%dma_wait3A_22 : memref<80x128xi32, #tpu.memory_space<hbm>>) dst(%arg4 : memref<80x128xi32, #tpu.memory_space<vmem>>)
      tpu.yield
    }) : () -> ()
    %broadcast_in_dim3A = arith.constant 0.000000e+00 : f32
    %broadcast_in_dim3A_3 = vector.broadcast %broadcast_in_dim3A : f32 to vector<16xf32>
    %broadcast_in_dim3A_4 = arith.constant 1.000000e+00 : f32
    %broadcast_in_dim3A_5 = vector.broadcast %broadcast_in_dim3A_4 : f32 to vector<16xf32>
    %scan3A = arith.constant 0 : i32
    %scan3A_6 = arith.constant 0 : i32
    %scan3A_7 = arith.constant 640 : i32
    %scan3A_8 = arith.addi %scan3A_6, %scan3A_7 : i32
    %scan3A_9 = arith.constant 1 : i32
    scf.for %scan3A_17 = %scan3A_6 to %scan3A_8 step %scan3A_9  : i32 {
      %mul3A_18 = arith.constant 16 : i32
      %mul3A_19 = arith.muli %scan3A_17, %mul3A_18 : i32
      %swap3A = arith.index_cast %mul3A_19 : i32 to index
      %swap3A_20 = tpu.vector_load %arg5[%swap3A] {strides = array<i32>} : memref<10240xf32, #tpu.memory_space<vmem>>, vector<16xf32>,
      tpu.vector_store %arg5[%swap3A], %broadcast_in_dim3A_3 {strides = array<i32>} : memref<10240xf32, #tpu.memory_space<vmem>>, vector<16xf32>,
    }
    %scan3A_10 = arith.constant 640 : i32
    %scan3A_11 = arith.constant 0 : i32
    %scan3A_12 = arith.constant 0 : i32
    %scan3A_13 = arith.constant 640 : i32
    %scan3A_14 = arith.addi %scan3A_12, %scan3A_13 : i32
    %scan3A_15 = arith.constant 1 : i32
    scf.for %scan3A_17 = %scan3A_12 to %scan3A_14 step %scan3A_15  : i32 {
      %jit3A = arith.constant 8 : i32
      %div3A = arith.divsi %scan3A_17, %jit3A : i32
      %sign3A = arith.constant 0 : i32
      %sign3A_18 = arith.cmpi sgt, %scan3A_17, %sign3A : i32
      %sign3A_19 = arith.extui %sign3A_18 : i1 to i32
      %sign3A_20 = arith.constant 0 : i32
      %sign3A_21 = arith.cmpi slt, %scan3A_17, %sign3A_20 : i32
      %sign3A_22 = arith.extui %sign3A_21 : i1 to i32
      %sign3A_23 = arith.subi %sign3A_19, %sign3A_22 : i32
      %sign3A_24 = arith.constant 0 : i32
      %sign3A_25 = arith.cmpi sgt, %jit3A, %sign3A_24 : i32
      %sign3A_26 = arith.extui %sign3A_25 : i1 to i32
      %sign3A_27 = arith.constant 0 : i32
      %sign3A_28 = arith.cmpi slt, %jit3A, %sign3A_27 : i32
      %sign3A_29 = arith.extui %sign3A_28 : i1 to i32
      %sign3A_30 = arith.subi %sign3A_26, %sign3A_29 : i32
      %ne3A = arith.cmpi ne, %sign3A_23, %sign3A_30 : i32
      %rem3A = arith.remsi %scan3A_17, %jit3A : i32
      %ne3A_31 = arith.constant 0 : i32
      %ne3A_32 = arith.cmpi ne, %rem3A, %ne3A_31 : i32
      %and3A = arith.andi %ne3A, %ne3A_32 : i1
      %sub3A = arith.constant 1 : i32
      %sub3A_33 = arith.subi %div3A, %sub3A : i32
      %select_n3A = arith.select %and3A, %sub3A_33, %div3A : i32
      %jit3A_34 = arith.constant 8 : i32
      %eq3A = arith.constant 0 : i32
      %eq3A_35 = arith.cmpi eq, %jit3A_34, %eq3A : i32
      %jit3A_36 = arith.constant 1 : i32
      %select_n3A_37 = arith.select %eq3A_35, %jit3A_36, %jit3A_34 : i32
      %rem3A_38 = arith.remsi %scan3A_17, %select_n3A_37 : i32
      %ne3A_39 = arith.constant 0 : i32
      %ne3A_40 = arith.cmpi ne, %rem3A_38, %ne3A_39 : i32
      %lt3A = arith.constant 0 : i32
      %lt3A_41 = arith.cmpi slt, %rem3A_38, %lt3A : i32
      %lt3A_42 = arith.constant 0 : i32
      %lt3A_43 = arith.cmpi slt, %select_n3A_37, %lt3A_42 : i32
      %ne3A_44 = arith.xori %lt3A_41, %lt3A_43 : i1
      %and3A_45 = arith.andi %ne3A_44, %ne3A_40 : i1
      %add3A_46 = arith.addi %rem3A_38, %select_n3A_37 : i32
      %select_n3A_47 = arith.select %and3A_45, %add3A_46, %rem3A_38 : i32
      %mul3A_48 = arith.constant 16 : i32
      %mul3A_49 = arith.muli %select_n3A_47, %mul3A_48 : i32
      %get3A = arith.index_cast %select_n3A : i32 to index
      %get3A_50 = arith.index_cast %mul3A_49 : i32 to index
      %get3A_51 = tpu.vector_load %arg4[%get3A, %get3A_50] {strides = array<i32>} : memref<80x128xi32, #tpu.memory_space<vmem>>, vector<16xi32>,
      tpu.vector_store_idx %arg5[%get3A_51], %broadcast_in_dim3A_5 {add = true} : memref<10240xf32, #tpu.memory_space<vmem>>[vector<16xi32>], vector<16xf32>,
    }
    %scan3A_16 = arith.constant 640 : i32
    "tpu.region"() ({
      %run_scoped3A = tpu.sem_alloc : memref<!tpu.dma_semaphore, #tpu.memory_space<semaphore_mem>>
      %dma_start3A = arith.constant 0 : i32
      %dma_start3A_17 = tpu.memref_slice %arg3[%add3A, %dma_start3A] : memref<32x10240xf32, #tpu.memory_space<hbm>> -> memref<1x10240xf32, #tpu.memory_space<hbm>>
      %dma_start3A_18 = tpu.memref_squeeze %dma_start3A_17 : memref<1x10240xf32, #tpu.memory_space<hbm>> -> memref<10240xf32, #tpu.memory_space<hbm>>
      %dma_start3A_19 = arith.constant 0 : i32
      %dma_start3A_20 = tpu.memref_slice %arg3[%add3A, %dma_start3A_19] : memref<32x10240xf32, #tpu.memory_space<hbm>> -> memref<1x10240xf32, #tpu.memory_space<hbm>>
      %dma_start3A_21 = tpu.memref_squeeze %dma_start3A_20 : memref<1x10240xf32, #tpu.memory_space<hbm>> -> memref<10240xf32, #tpu.memory_space<hbm>>
      tpu.enqueue_dma source(%arg5 : memref<10240xf32, #tpu.memory_space<vmem>>) target(%dma_start3A_21 : memref<10240xf32, #tpu.memory_space<hbm>>) target_semaphore(%run_scoped3A : memref<!tpu.dma_semaphore, #tpu.memory_space<semaphore_mem>>)
      %dma_wait3A = arith.constant 0 : i32
      %dma_wait3A_22 = tpu.memref_slice %arg3[%add3A, %dma_wait3A] : memref<32x10240xf32, #tpu.memory_space<hbm>> -> memref<1x10240xf32, #tpu.memory_space<hbm>>
      %dma_wait3A_23 = tpu.memref_squeeze %dma_wait3A_22 : memref<1x10240xf32, #tpu.memory_space<hbm>> -> memref<10240xf32, #tpu.memory_space<hbm>>
      %dma_wait3A_24 = arith.constant 0 : i32
      %dma_wait3A_25 = tpu.memref_slice %arg3[%add3A, %dma_wait3A_24] : memref<32x10240xf32, #tpu.memory_space<hbm>> -> memref<1x10240xf32, #tpu.memory_space<hbm>>
      %dma_wait3A_26 = tpu.memref_squeeze %dma_wait3A_25 : memref<1x10240xf32, #tpu.memory_space<hbm>> -> memref<10240xf32, #tpu.memory_space<hbm>>
      tpu.wait_dma2 semaphore(%run_scoped3A : memref<!tpu.dma_semaphore, #tpu.memory_space<semaphore_mem>>) src(%arg5 : memref<10240xf32, #tpu.memory_space<vmem>>) dst(%dma_wait3A_26 : memref<10240xf32, #tpu.memory_space<hbm>>)
      tpu.yield
    }) : () -> ()
    return
  }
}

#map = affine_map<(d0, d1) -> (0, 0)>
#map1 = affine_map<(d0, d1) -> (0, 0, 0)>
module attributes {stable_mosaic.version = 14 : i64} {
  func.func @_agg_body(%arg0: i32, %arg1: i32, %arg2: memref<10240x128xf32, #tpu.memory_space<hbm>>, %arg3: memref<2560x128xi32, #tpu.memory_space<hbm>>, %arg4: memref<2560x128xi32, #tpu.memory_space<hbm>>, %arg5: memref<2x10240x128xf32, #tpu.memory_space<hbm>>, %arg6: memref<80x128xi32, #tpu.memory_space<vmem>>, %arg7: memref<80x128xi32, #tpu.memory_space<vmem>>, %arg8: memref<128xi32, #tpu.memory_space<vmem>>, %arg9: memref<128x128xf32, #tpu.memory_space<vmem>>, %arg10: memref<10240x128xf32, #tpu.memory_space<vmem_shared>>) attributes {dimension_semantics = [#tpu.dimension_semantics<core_parallel>, #tpu.dimension_semantics<subcore_parallel>], iteration_bounds = array<i64: 2, 16>, scalar_prefetch = 0 : i64, scratch_operands = 5 : i64, tpu.core_type = #tpu.core_type<sc_vector_subcore>, window_params = [{transform_indices = #map}, {transform_indices = #map}, {transform_indices = #map}, {transform_indices = #map1}]} {
    %mul3A = arith.constant 2 : i32
    %mul3A_0 = arith.muli %arg1, %mul3A : i32
    %add3A = arith.addi %mul3A_0, %arg0 : i32
    %mul3A_1 = arith.constant 80 : i32
    %mul3A_2 = arith.muli %add3A, %mul3A_1 : i32
    "tpu.region"() ({
      %run_scoped3A = tpu.sem_alloc : memref<!tpu.dma_semaphore, #tpu.memory_space<semaphore_mem>>
      %dma_start3A = arith.constant 0 : i32
      %dma_start3A_42 = tpu.memref_slice %arg3[%mul3A_2, %dma_start3A] : memref<2560x128xi32, #tpu.memory_space<hbm>> -> memref<80x128xi32, #tpu.memory_space<hbm>>
      %dma_start3A_43 = arith.constant 0 : i32
      %dma_start3A_44 = tpu.memref_slice %arg3[%mul3A_2, %dma_start3A_43] : memref<2560x128xi32, #tpu.memory_space<hbm>> -> memref<80x128xi32, #tpu.memory_space<hbm>>
      tpu.enqueue_dma source(%dma_start3A_44 : memref<80x128xi32, #tpu.memory_space<hbm>>) target(%arg6 : memref<80x128xi32, #tpu.memory_space<vmem>>) target_semaphore(%run_scoped3A : memref<!tpu.dma_semaphore, #tpu.memory_space<semaphore_mem>>)
      %dma_wait3A = arith.constant 0 : i32
      %dma_wait3A_45 = tpu.memref_slice %arg3[%mul3A_2, %dma_wait3A] : memref<2560x128xi32, #tpu.memory_space<hbm>> -> memref<80x128xi32, #tpu.memory_space<hbm>>
      %dma_wait3A_46 = arith.constant 0 : i32
      %dma_wait3A_47 = tpu.memref_slice %arg3[%mul3A_2, %dma_wait3A_46] : memref<2560x128xi32, #tpu.memory_space<hbm>> -> memref<80x128xi32, #tpu.memory_space<hbm>>
      tpu.wait_dma2 semaphore(%run_scoped3A : memref<!tpu.dma_semaphore, #tpu.memory_space<semaphore_mem>>) src(%dma_wait3A_47 : memref<80x128xi32, #tpu.memory_space<hbm>>) dst(%arg6 : memref<80x128xi32, #tpu.memory_space<vmem>>)
      tpu.yield
    }) : () -> ()
    %mul3A_3 = arith.constant 80 : i32
    %mul3A_4 = arith.muli %add3A, %mul3A_3 : i32
    "tpu.region"() ({
      %run_scoped3A = tpu.sem_alloc : memref<!tpu.dma_semaphore, #tpu.memory_space<semaphore_mem>>
      %dma_start3A = arith.constant 0 : i32
      %dma_start3A_42 = tpu.memref_slice %arg4[%mul3A_4, %dma_start3A] : memref<2560x128xi32, #tpu.memory_space<hbm>> -> memref<80x128xi32, #tpu.memory_space<hbm>>
      %dma_start3A_43 = arith.constant 0 : i32
      %dma_start3A_44 = tpu.memref_slice %arg4[%mul3A_4, %dma_start3A_43] : memref<2560x128xi32, #tpu.memory_space<hbm>> -> memref<80x128xi32, #tpu.memory_space<hbm>>
      tpu.enqueue_dma source(%dma_start3A_44 : memref<80x128xi32, #tpu.memory_space<hbm>>) target(%arg7 : memref<80x128xi32, #tpu.memory_space<vmem>>) target_semaphore(%run_scoped3A : memref<!tpu.dma_semaphore, #tpu.memory_space<semaphore_mem>>)
      %dma_wait3A = arith.constant 0 : i32
      %dma_wait3A_45 = tpu.memref_slice %arg4[%mul3A_4, %dma_wait3A] : memref<2560x128xi32, #tpu.memory_space<hbm>> -> memref<80x128xi32, #tpu.memory_space<hbm>>
      %dma_wait3A_46 = arith.constant 0 : i32
      %dma_wait3A_47 = tpu.memref_slice %arg4[%mul3A_4, %dma_wait3A_46] : memref<2560x128xi32, #tpu.memory_space<hbm>> -> memref<80x128xi32, #tpu.memory_space<hbm>>
      tpu.wait_dma2 semaphore(%run_scoped3A : memref<!tpu.dma_semaphore, #tpu.memory_space<semaphore_mem>>) src(%dma_wait3A_47 : memref<80x128xi32, #tpu.memory_space<hbm>>) dst(%arg7 : memref<80x128xi32, #tpu.memory_space<vmem>>)
      tpu.yield
    }) : () -> ()
    %broadcast_in_dim3A = arith.constant 0.000000e+00 : f32
    %broadcast_in_dim3A_5 = vector.broadcast %broadcast_in_dim3A : f32 to vector<16xf32>
    %scan3A = arith.constant 0 : i32
    %scan3A_6 = arith.constant 0 : i32
    %scan3A_7 = arith.constant 1024 : i32
    %scan3A_8 = arith.addi %scan3A_6, %scan3A_7 : i32
    %scan3A_9 = arith.constant 1 : i32
    scf.for %scan3A_42 = %scan3A_6 to %scan3A_8 step %scan3A_9  : i32 {
      %jit3A = arith.constant 8 : i32
      %div3A = arith.divsi %scan3A_42, %jit3A : i32
      %sign3A = arith.constant 0 : i32
      %sign3A_43 = arith.cmpi sgt, %scan3A_42, %sign3A : i32
      %sign3A_44 = arith.extui %sign3A_43 : i1 to i32
      %sign3A_45 = arith.constant 0 : i32
      %sign3A_46 = arith.cmpi slt, %scan3A_42, %sign3A_45 : i32
      %sign3A_47 = arith.extui %sign3A_46 : i1 to i32
      %sign3A_48 = arith.subi %sign3A_44, %sign3A_47 : i32
      %sign3A_49 = arith.constant 0 : i32
      %sign3A_50 = arith.cmpi sgt, %jit3A, %sign3A_49 : i32
      %sign3A_51 = arith.extui %sign3A_50 : i1 to i32
      %sign3A_52 = arith.constant 0 : i32
      %sign3A_53 = arith.cmpi slt, %jit3A, %sign3A_52 : i32
      %sign3A_54 = arith.extui %sign3A_53 : i1 to i32
      %sign3A_55 = arith.subi %sign3A_51, %sign3A_54 : i32
      %ne3A = arith.cmpi ne, %sign3A_48, %sign3A_55 : i32
      %rem3A = arith.remsi %scan3A_42, %jit3A : i32
      %ne3A_56 = arith.constant 0 : i32
      %ne3A_57 = arith.cmpi ne, %rem3A, %ne3A_56 : i32
      %and3A = arith.andi %ne3A, %ne3A_57 : i1
      %sub3A = arith.constant 1 : i32
      %sub3A_58 = arith.subi %div3A, %sub3A : i32
      %select_n3A = arith.select %and3A, %sub3A_58, %div3A : i32
      %jit3A_59 = arith.constant 8 : i32
      %eq3A = arith.constant 0 : i32
      %eq3A_60 = arith.cmpi eq, %jit3A_59, %eq3A : i32
      %jit3A_61 = arith.constant 1 : i32
      %select_n3A_62 = arith.select %eq3A_60, %jit3A_61, %jit3A_59 : i32
      %rem3A_63 = arith.remsi %scan3A_42, %select_n3A_62 : i32
      %ne3A_64 = arith.constant 0 : i32
      %ne3A_65 = arith.cmpi ne, %rem3A_63, %ne3A_64 : i32
      %lt3A = arith.constant 0 : i32
      %lt3A_66 = arith.cmpi slt, %rem3A_63, %lt3A : i32
      %lt3A_67 = arith.constant 0 : i32
      %lt3A_68 = arith.cmpi slt, %select_n3A_62, %lt3A_67 : i32
      %ne3A_69 = arith.xori %lt3A_66, %lt3A_68 : i1
      %and3A_70 = arith.andi %ne3A_69, %ne3A_65 : i1
      %add3A_71 = arith.addi %rem3A_63, %select_n3A_62 : i32
      %select_n3A_72 = arith.select %and3A_70, %add3A_71, %rem3A_63 : i32
      %mul3A_73 = arith.constant 16 : i32
      %mul3A_74 = arith.muli %select_n3A_72, %mul3A_73 : i32
      %swap3A = arith.index_cast %select_n3A : i32 to index
      %swap3A_75 = arith.index_cast %mul3A_74 : i32 to index
      %swap3A_76 = tpu.vector_load %arg9[%swap3A, %swap3A_75] {strides = array<i32>} : memref<128x128xf32, #tpu.memory_space<vmem>>, vector<16xf32>,
      tpu.vector_store %arg9[%swap3A, %swap3A_75], %broadcast_in_dim3A_5 {strides = array<i32>} : memref<128x128xf32, #tpu.memory_space<vmem>>, vector<16xf32>,
    }
    %scan3A_10 = arith.constant 1024 : i32
    %mul3A_11 = arith.constant 640 : i32
    %mul3A_12 = arith.muli %arg1, %mul3A_11 : i32
    %add3A_13 = arith.constant 0 : i32
    %add3A_14 = arith.addi %mul3A_12, %add3A_13 : i32
    "tpu.region"() ({
      %run_scoped3A = tpu.sem_alloc : memref<!tpu.dma_semaphore, #tpu.memory_space<semaphore_mem>>
      %dma_start3A = arith.constant 0 : i32
      %dma_start3A_42 = tpu.memref_slice %arg10[%add3A_14, %dma_start3A] : memref<10240x128xf32, #tpu.memory_space<vmem_shared>> -> memref<128x128xf32, #tpu.memory_space<vmem_shared>>
      %dma_start3A_43 = arith.constant 0 : i32
      %dma_start3A_44 = tpu.memref_slice %arg10[%add3A_14, %dma_start3A_43] : memref<10240x128xf32, #tpu.memory_space<vmem_shared>> -> memref<128x128xf32, #tpu.memory_space<vmem_shared>>
      tpu.enqueue_dma source(%arg9 : memref<128x128xf32, #tpu.memory_space<vmem>>) target(%dma_start3A_44 : memref<128x128xf32, #tpu.memory_space<vmem_shared>>) target_semaphore(%run_scoped3A : memref<!tpu.dma_semaphore, #tpu.memory_space<semaphore_mem>>)
      %dma_wait3A = arith.constant 0 : i32
      %dma_wait3A_45 = tpu.memref_slice %arg10[%add3A_14, %dma_wait3A] : memref<10240x128xf32, #tpu.memory_space<vmem_shared>> -> memref<128x128xf32, #tpu.memory_space<vmem_shared>>
      %dma_wait3A_46 = arith.constant 0 : i32
      %dma_wait3A_47 = tpu.memref_slice %arg10[%add3A_14, %dma_wait3A_46] : memref<10240x128xf32, #tpu.memory_space<vmem_shared>> -> memref<128x128xf32, #tpu.memory_space<vmem_shared>>
      tpu.wait_dma2 semaphore(%run_scoped3A : memref<!tpu.dma_semaphore, #tpu.memory_space<semaphore_mem>>) src(%arg9 : memref<128x128xf32, #tpu.memory_space<vmem>>) dst(%dma_wait3A_47 : memref<128x128xf32, #tpu.memory_space<vmem_shared>>)
      tpu.yield
    }) : () -> ()
    %mul3A_15 = arith.constant 640 : i32
    %mul3A_16 = arith.muli %arg1, %mul3A_15 : i32
    %add3A_17 = arith.constant 128 : i32
    %add3A_18 = arith.addi %mul3A_16, %add3A_17 : i32
    "tpu.region"() ({
      %run_scoped3A = tpu.sem_alloc : memref<!tpu.dma_semaphore, #tpu.memory_space<semaphore_mem>>
      %dma_start3A = arith.constant 0 : i32
      %dma_start3A_42 = tpu.memref_slice %arg10[%add3A_18, %dma_start3A] : memref<10240x128xf32, #tpu.memory_space<vmem_shared>> -> memref<128x128xf32, #tpu.memory_space<vmem_shared>>
      %dma_start3A_43 = arith.constant 0 : i32
      %dma_start3A_44 = tpu.memref_slice %arg10[%add3A_18, %dma_start3A_43] : memref<10240x128xf32, #tpu.memory_space<vmem_shared>> -> memref<128x128xf32, #tpu.memory_space<vmem_shared>>
      tpu.enqueue_dma source(%arg9 : memref<128x128xf32, #tpu.memory_space<vmem>>) target(%dma_start3A_44 : memref<128x128xf32, #tpu.memory_space<vmem_shared>>) target_semaphore(%run_scoped3A : memref<!tpu.dma_semaphore, #tpu.memory_space<semaphore_mem>>)
      %dma_wait3A = arith.constant 0 : i32
      %dma_wait3A_45 = tpu.memref_slice %arg10[%add3A_18, %dma_wait3A] : memref<10240x128xf32, #tpu.memory_space<vmem_shared>> -> memref<128x128xf32, #tpu.memory_space<vmem_shared>>
      %dma_wait3A_46 = arith.constant 0 : i32
      %dma_wait3A_47 = tpu.memref_slice %arg10[%add3A_18, %dma_wait3A_46] : memref<10240x128xf32, #tpu.memory_space<vmem_shared>> -> memref<128x128xf32, #tpu.memory_space<vmem_shared>>
      tpu.wait_dma2 semaphore(%run_scoped3A : memref<!tpu.dma_semaphore, #tpu.memory_space<semaphore_mem>>) src(%arg9 : memref<128x128xf32, #tpu.memory_space<vmem>>) dst(%dma_wait3A_47 : memref<128x128xf32, #tpu.memory_space<vmem_shared>>)
      tpu.yield
    }) : () -> ()
    %mul3A_19 = arith.constant 640 : i32
    %mul3A_20 = arith.muli %arg1, %mul3A_19 : i32
    %add3A_21 = arith.constant 256 : i32
    %add3A_22 = arith.addi %mul3A_20, %add3A_21 : i32
    "tpu.region"() ({
      %run_scoped3A = tpu.sem_alloc : memref<!tpu.dma_semaphore, #tpu.memory_space<semaphore_mem>>
      %dma_start3A = arith.constant 0 : i32
      %dma_start3A_42 = tpu.memref_slice %arg10[%add3A_22, %dma_start3A] : memref<10240x128xf32, #tpu.memory_space<vmem_shared>> -> memref<128x128xf32, #tpu.memory_space<vmem_shared>>
      %dma_start3A_43 = arith.constant 0 : i32
      %dma_start3A_44 = tpu.memref_slice %arg10[%add3A_22, %dma_start3A_43] : memref<10240x128xf32, #tpu.memory_space<vmem_shared>> -> memref<128x128xf32, #tpu.memory_space<vmem_shared>>
      tpu.enqueue_dma source(%arg9 : memref<128x128xf32, #tpu.memory_space<vmem>>) target(%dma_start3A_44 : memref<128x128xf32, #tpu.memory_space<vmem_shared>>) target_semaphore(%run_scoped3A : memref<!tpu.dma_semaphore, #tpu.memory_space<semaphore_mem>>)
      %dma_wait3A = arith.constant 0 : i32
      %dma_wait3A_45 = tpu.memref_slice %arg10[%add3A_22, %dma_wait3A] : memref<10240x128xf32, #tpu.memory_space<vmem_shared>> -> memref<128x128xf32, #tpu.memory_space<vmem_shared>>
      %dma_wait3A_46 = arith.constant 0 : i32
      %dma_wait3A_47 = tpu.memref_slice %arg10[%add3A_22, %dma_wait3A_46] : memref<10240x128xf32, #tpu.memory_space<vmem_shared>> -> memref<128x128xf32, #tpu.memory_space<vmem_shared>>
      tpu.wait_dma2 semaphore(%run_scoped3A : memref<!tpu.dma_semaphore, #tpu.memory_space<semaphore_mem>>) src(%arg9 : memref<128x128xf32, #tpu.memory_space<vmem>>) dst(%dma_wait3A_47 : memref<128x128xf32, #tpu.memory_space<vmem_shared>>)
      tpu.yield
    }) : () -> ()
    %mul3A_23 = arith.constant 640 : i32
    %mul3A_24 = arith.muli %arg1, %mul3A_23 : i32
    %add3A_25 = arith.constant 384 : i32
    %add3A_26 = arith.addi %mul3A_24, %add3A_25 : i32
    "tpu.region"() ({
      %run_scoped3A = tpu.sem_alloc : memref<!tpu.dma_semaphore, #tpu.memory_space<semaphore_mem>>
      %dma_start3A = arith.constant 0 : i32
      %dma_start3A_42 = tpu.memref_slice %arg10[%add3A_26, %dma_start3A] : memref<10240x128xf32, #tpu.memory_space<vmem_shared>> -> memref<128x128xf32, #tpu.memory_space<vmem_shared>>
      %dma_start3A_43 = arith.constant 0 : i32
      %dma_start3A_44 = tpu.memref_slice %arg10[%add3A_26, %dma_start3A_43] : memref<10240x128xf32, #tpu.memory_space<vmem_shared>> -> memref<128x128xf32, #tpu.memory_space<vmem_shared>>
      tpu.enqueue_dma source(%arg9 : memref<128x128xf32, #tpu.memory_space<vmem>>) target(%dma_start3A_44 : memref<128x128xf32, #tpu.memory_space<vmem_shared>>) target_semaphore(%run_scoped3A : memref<!tpu.dma_semaphore, #tpu.memory_space<semaphore_mem>>)
      %dma_wait3A = arith.constant 0 : i32
      %dma_wait3A_45 = tpu.memref_slice %arg10[%add3A_26, %dma_wait3A] : memref<10240x128xf32, #tpu.memory_space<vmem_shared>> -> memref<128x128xf32, #tpu.memory_space<vmem_shared>>
      %dma_wait3A_46 = arith.constant 0 : i32
      %dma_wait3A_47 = tpu.memref_slice %arg10[%add3A_26, %dma_wait3A_46] : memref<10240x128xf32, #tpu.memory_space<vmem_shared>> -> memref<128x128xf32, #tpu.memory_space<vmem_shared>>
      tpu.wait_dma2 semaphore(%run_scoped3A : memref<!tpu.dma_semaphore, #tpu.memory_space<semaphore_mem>>) src(%arg9 : memref<128x128xf32, #tpu.memory_space<vmem>>) dst(%dma_wait3A_47 : memref<128x128xf32, #tpu.memory_space<vmem_shared>>)
      tpu.yield
    }) : () -> ()
    %mul3A_27 = arith.constant 640 : i32
    %mul3A_28 = arith.muli %arg1, %mul3A_27 : i32
    %add3A_29 = arith.constant 512 : i32
    %add3A_30 = arith.addi %mul3A_28, %add3A_29 : i32
    "tpu.region"() ({
      %run_scoped3A = tpu.sem_alloc : memref<!tpu.dma_semaphore, #tpu.memory_space<semaphore_mem>>
      %dma_start3A = arith.constant 0 : i32
      %dma_start3A_42 = tpu.memref_slice %arg10[%add3A_30, %dma_start3A] : memref<10240x128xf32, #tpu.memory_space<vmem_shared>> -> memref<128x128xf32, #tpu.memory_space<vmem_shared>>
      %dma_start3A_43 = arith.constant 0 : i32
      %dma_start3A_44 = tpu.memref_slice %arg10[%add3A_30, %dma_start3A_43] : memref<10240x128xf32, #tpu.memory_space<vmem_shared>> -> memref<128x128xf32, #tpu.memory_space<vmem_shared>>
      tpu.enqueue_dma source(%arg9 : memref<128x128xf32, #tpu.memory_space<vmem>>) target(%dma_start3A_44 : memref<128x128xf32, #tpu.memory_space<vmem_shared>>) target_semaphore(%run_scoped3A : memref<!tpu.dma_semaphore, #tpu.memory_space<semaphore_mem>>)
      %dma_wait3A = arith.constant 0 : i32
      %dma_wait3A_45 = tpu.memref_slice %arg10[%add3A_30, %dma_wait3A] : memref<10240x128xf32, #tpu.memory_space<vmem_shared>> -> memref<128x128xf32, #tpu.memory_space<vmem_shared>>
      %dma_wait3A_46 = arith.constant 0 : i32
      %dma_wait3A_47 = tpu.memref_slice %arg10[%add3A_30, %dma_wait3A_46] : memref<10240x128xf32, #tpu.memory_space<vmem_shared>> -> memref<128x128xf32, #tpu.memory_space<vmem_shared>>
      tpu.wait_dma2 semaphore(%run_scoped3A : memref<!tpu.dma_semaphore, #tpu.memory_space<semaphore_mem>>) src(%arg9 : memref<128x128xf32, #tpu.memory_space<vmem>>) dst(%dma_wait3A_47 : memref<128x128xf32, #tpu.memory_space<vmem_shared>>)
      tpu.yield
    }) : () -> ()
    %barrier3A = arith.constant 0 : index
    tpu.barrier barrier_id(%barrier3A)
    %scan3A_31 = arith.constant 0 : i32
    %scan3A_32 = arith.constant 0 : i32
    %scan3A_33 = arith.constant 80 : i32
    %scan3A_34 = arith.addi %scan3A_32, %scan3A_33 : i32
    %scan3A_35 = arith.constant 1 : i32
    scf.for %scan3A_42 = %scan3A_32 to %scan3A_34 step %scan3A_35  : i32 {
      %get3A = arith.index_cast %scan3A_42 : i32 to index
      %get3A_43 = arith.constant 0 : index
      %get3A_44 = tpu.vector_load %arg7[%get3A, %get3A_43] {strides = array<i32>} : memref<80x128xi32, #tpu.memory_space<vmem>>, vector<16xi32>,
      %swap3A = arith.constant 0 : index
      %swap3A_45 = tpu.vector_load %arg8[%swap3A] {strides = array<i32>} : memref<128xi32, #tpu.memory_space<vmem>>, vector<16xi32>,
      tpu.vector_store %arg8[%swap3A], %get3A_44 {strides = array<i32>} : memref<128xi32, #tpu.memory_space<vmem>>, vector<16xi32>,
      %get3A_46 = arith.index_cast %scan3A_42 : i32 to index
      %get3A_47 = arith.constant 16 : index
      %get3A_48 = tpu.vector_load %arg7[%get3A_46, %get3A_47] {strides = array<i32>} : memref<80x128xi32, #tpu.memory_space<vmem>>, vector<16xi32>,
      %swap3A_49 = arith.constant 16 : index
      %swap3A_50 = tpu.vector_load %arg8[%swap3A_49] {strides = array<i32>} : memref<128xi32, #tpu.memory_space<vmem>>, vector<16xi32>,
      tpu.vector_store %arg8[%swap3A_49], %get3A_48 {strides = array<i32>} : memref<128xi32, #tpu.memory_space<vmem>>, vector<16xi32>,
      %get3A_51 = arith.index_cast %scan3A_42 : i32 to index
      %get3A_52 = arith.constant 32 : index
      %get3A_53 = tpu.vector_load %arg7[%get3A_51, %get3A_52] {strides = array<i32>} : memref<80x128xi32, #tpu.memory_space<vmem>>, vector<16xi32>,
      %swap3A_54 = arith.constant 32 : index
      %swap3A_55 = tpu.vector_load %arg8[%swap3A_54] {strides = array<i32>} : memref<128xi32, #tpu.memory_space<vmem>>, vector<16xi32>,
      tpu.vector_store %arg8[%swap3A_54], %get3A_53 {strides = array<i32>} : memref<128xi32, #tpu.memory_space<vmem>>, vector<16xi32>,
      %get3A_56 = arith.index_cast %scan3A_42 : i32 to index
      %get3A_57 = arith.constant 48 : index
      %get3A_58 = tpu.vector_load %arg7[%get3A_56, %get3A_57] {strides = array<i32>} : memref<80x128xi32, #tpu.memory_space<vmem>>, vector<16xi32>,
      %swap3A_59 = arith.constant 48 : index
      %swap3A_60 = tpu.vector_load %arg8[%swap3A_59] {strides = array<i32>} : memref<128xi32, #tpu.memory_space<vmem>>, vector<16xi32>,
      tpu.vector_store %arg8[%swap3A_59], %get3A_58 {strides = array<i32>} : memref<128xi32, #tpu.memory_space<vmem>>, vector<16xi32>,
      %get3A_61 = arith.index_cast %scan3A_42 : i32 to index
      %get3A_62 = arith.constant 64 : index
      %get3A_63 = tpu.vector_load %arg7[%get3A_61, %get3A_62] {strides = array<i32>} : memref<80x128xi32, #tpu.memory_space<vmem>>, vector<16xi32>,
      %swap3A_64 = arith.constant 64 : index
      %swap3A_65 = tpu.vector_load %arg8[%swap3A_64] {strides = array<i32>} : memref<128xi32, #tpu.memory_space<vmem>>, vector<16xi32>,
      tpu.vector_store %arg8[%swap3A_64], %get3A_63 {strides = array<i32>} : memref<128xi32, #tpu.memory_space<vmem>>, vector<16xi32>,
      %get3A_66 = arith.index_cast %scan3A_42 : i32 to index
      %get3A_67 = arith.constant 80 : index
      %get3A_68 = tpu.vector_load %arg7[%get3A_66, %get3A_67] {strides = array<i32>} : memref<80x128xi32, #tpu.memory_space<vmem>>, vector<16xi32>,
      %swap3A_69 = arith.constant 80 : index
      %swap3A_70 = tpu.vector_load %arg8[%swap3A_69] {strides = array<i32>} : memref<128xi32, #tpu.memory_space<vmem>>, vector<16xi32>,
      tpu.vector_store %arg8[%swap3A_69], %get3A_68 {strides = array<i32>} : memref<128xi32, #tpu.memory_space<vmem>>, vector<16xi32>,
      %get3A_71 = arith.index_cast %scan3A_42 : i32 to index
      %get3A_72 = arith.constant 96 : index
      %get3A_73 = tpu.vector_load %arg7[%get3A_71, %get3A_72] {strides = array<i32>} : memref<80x128xi32, #tpu.memory_space<vmem>>, vector<16xi32>,
      %swap3A_74 = arith.constant 96 : index
      %swap3A_75 = tpu.vector_load %arg8[%swap3A_74] {strides = array<i32>} : memref<128xi32, #tpu.memory_space<vmem>>, vector<16xi32>,
      tpu.vector_store %arg8[%swap3A_74], %get3A_73 {strides = array<i32>} : memref<128xi32, #tpu.memory_space<vmem>>, vector<16xi32>,
      %get3A_76 = arith.index_cast %scan3A_42 : i32 to index
      %get3A_77 = arith.constant 112 : index
      %get3A_78 = tpu.vector_load %arg7[%get3A_76, %get3A_77] {strides = array<i32>} : memref<80x128xi32, #tpu.memory_space<vmem>>, vector<16xi32>,
      %swap3A_79 = arith.constant 112 : index
      %swap3A_80 = tpu.vector_load %arg8[%swap3A_79] {strides = array<i32>} : memref<128xi32, #tpu.memory_space<vmem>>, vector<16xi32>,
      tpu.vector_store %arg8[%swap3A_79], %get3A_78 {strides = array<i32>} : memref<128xi32, #tpu.memory_space<vmem>>, vector<16xi32>,
      "tpu.region"() ({
        %run_scoped3A = tpu.sem_alloc : memref<!tpu.dma_semaphore, #tpu.memory_space<semaphore_mem>>
        %dma_start3A = arith.constant 0 : i32
        %dma_start3A_81 = tpu.memref_slice %arg6[%scan3A_42, %dma_start3A] : memref<80x128xi32, #tpu.memory_space<vmem>> -> memref<1x128xi32, #tpu.memory_space<vmem>>
        %dma_start3A_82 = tpu.memref_squeeze %dma_start3A_81 : memref<1x128xi32, #tpu.memory_space<vmem>> -> memref<128xi32, #tpu.memory_space<vmem>>
        %dma_start3A_83 = arith.constant 0 : i32
        %dma_start3A_84 = arith.constant 0 : i32
        %dma_start3A_85 = tpu.memref_slice %arg2[%dma_start3A_83, %dma_start3A_84] : memref<10240x128xf32, #tpu.memory_space<hbm>> -> memref<10240x128xf32, #tpu.memory_space<hbm>>
        tpu.enqueue_indirect_dma source(%dma_start3A_85 : memref<10240x128xf32, #tpu.memory_space<hbm>>) target(%arg9 : memref<128x128xf32, #tpu.memory_space<vmem>>) offsets(%dma_start3A_82 : memref<128xi32, #tpu.memory_space<vmem>>) semaphore(%run_scoped3A : memref<!tpu.dma_semaphore, #tpu.memory_space<semaphore_mem>>)
        %dma_wait3A = arith.constant 0 : i32
        %dma_wait3A_86 = tpu.memref_slice %arg6[%scan3A_42, %dma_wait3A] : memref<80x128xi32, #tpu.memory_space<vmem>> -> memref<1x128xi32, #tpu.memory_space<vmem>>
        %dma_wait3A_87 = tpu.memref_squeeze %dma_wait3A_86 : memref<1x128xi32, #tpu.memory_space<vmem>> -> memref<128xi32, #tpu.memory_space<vmem>>
        %dma_wait3A_88 = arith.constant 0 : i32
        %dma_wait3A_89 = arith.constant 0 : i32
        %dma_wait3A_90 = tpu.memref_slice %arg2[%dma_wait3A_88, %dma_wait3A_89] : memref<10240x128xf32, #tpu.memory_space<hbm>> -> memref<10240x128xf32, #tpu.memory_space<hbm>>
        tpu.wait_indirect_dma semaphore(%run_scoped3A : memref<!tpu.dma_semaphore, #tpu.memory_space<semaphore_mem>>) src(%dma_wait3A_90 : memref<10240x128xf32, #tpu.memory_space<hbm>>) dst(%arg9 : memref<128x128xf32, #tpu.memory_space<vmem>>)
        tpu.yield
      }) : () -> ()
      "tpu.region"() ({
        %run_scoped3A = tpu.sem_alloc : memref<!tpu.dma_semaphore, #tpu.memory_space<semaphore_mem>>
        %dma_start3A = arith.constant 0 : i32
        %dma_start3A_81 = arith.constant 0 : i32
        %dma_start3A_82 = tpu.memref_slice %arg10[%dma_start3A, %dma_start3A_81] : memref<10240x128xf32, #tpu.memory_space<vmem_shared>> -> memref<10240x128xf32, #tpu.memory_space<vmem_shared>>
        tpu.enqueue_indirect_dma source(%arg9 : memref<128x128xf32, #tpu.memory_space<vmem>>) target(%dma_start3A_82 : memref<10240x128xf32, #tpu.memory_space<vmem_shared>>) offsets(%arg8 : memref<128xi32, #tpu.memory_space<vmem>>) semaphore(%run_scoped3A : memref<!tpu.dma_semaphore, #tpu.memory_space<semaphore_mem>>) {add = true}
        %dma_wait3A = arith.constant 0 : i32
        %dma_wait3A_83 = arith.constant 0 : i32
        %dma_wait3A_84 = tpu.memref_slice %arg10[%dma_wait3A, %dma_wait3A_83] : memref<10240x128xf32, #tpu.memory_space<vmem_shared>> -> memref<10240x128xf32, #tpu.memory_space<vmem_shared>>
        tpu.wait_indirect_dma semaphore(%run_scoped3A : memref<!tpu.dma_semaphore, #tpu.memory_space<semaphore_mem>>) src(%arg9 : memref<128x128xf32, #tpu.memory_space<vmem>>) dst(%dma_wait3A_84 : memref<10240x128xf32, #tpu.memory_space<vmem_shared>>)
        tpu.yield
      }) : () -> ()
    }
    %scan3A_36 = arith.constant 80 : i32
    %barrier3A_37 = arith.constant 0 : index
    tpu.barrier barrier_id(%barrier3A_37)
    %mul3A_38 = arith.constant 640 : i32
    %mul3A_39 = arith.muli %arg1, %mul3A_38 : i32
    %mul3A_40 = arith.constant 640 : i32
    %mul3A_41 = arith.muli %arg1, %mul3A_40 : i32
    "tpu.region"() ({
      %run_scoped3A = tpu.sem_alloc : memref<!tpu.dma_semaphore, #tpu.memory_space<semaphore_mem>>
      %dma_start3A = arith.constant 0 : i32
      %dma_start3A_42 = tpu.memref_slice %arg5[%arg0, %mul3A_41, %dma_start3A] : memref<2x10240x128xf32, #tpu.memory_space<hbm>> -> memref<1x640x128xf32, #tpu.memory_space<hbm>>
      %dma_start3A_43 = tpu.memref_squeeze %dma_start3A_42 : memref<1x640x128xf32, #tpu.memory_space<hbm>> -> memref<640x128xf32, #tpu.memory_space<hbm>>
      %dma_start3A_44 = arith.constant 0 : i32
      %dma_start3A_45 = tpu.memref_slice %arg10[%mul3A_39, %dma_start3A_44] : memref<10240x128xf32, #tpu.memory_space<vmem_shared>> -> memref<640x128xf32, #tpu.memory_space<vmem_shared>>
      tpu.enqueue_dma source(%dma_start3A_45 : memref<640x128xf32, #tpu.memory_space<vmem_shared>>) target(%dma_start3A_43 : memref<640x128xf32, #tpu.memory_space<hbm>>) target_semaphore(%run_scoped3A : memref<!tpu.dma_semaphore, #tpu.memory_space<semaphore_mem>>)
      %dma_wait3A = arith.constant 0 : i32
      %dma_wait3A_46 = tpu.memref_slice %arg5[%arg0, %mul3A_41, %dma_wait3A] : memref<2x10240x128xf32, #tpu.memory_space<hbm>> -> memref<1x640x128xf32, #tpu.memory_space<hbm>>
      %dma_wait3A_47 = tpu.memref_squeeze %dma_wait3A_46 : memref<1x640x128xf32, #tpu.memory_space<hbm>> -> memref<640x128xf32, #tpu.memory_space<hbm>>
      %dma_wait3A_48 = arith.constant 0 : i32
      %dma_wait3A_49 = tpu.memref_slice %arg10[%mul3A_39, %dma_wait3A_48] : memref<10240x128xf32, #tpu.memory_space<vmem_shared>> -> memref<640x128xf32, #tpu.memory_space<vmem_shared>>
      tpu.wait_dma2 semaphore(%run_scoped3A : memref<!tpu.dma_semaphore, #tpu.memory_space<semaphore_mem>>) src(%dma_wait3A_49 : memref<640x128xf32, #tpu.memory_space<vmem_shared>>) dst(%dma_wait3A_47 : memref<640x128xf32, #tpu.memory_space<hbm>>)
      tpu.yield
    }) : () -> ()
    return
  }
}

#map = affine_map<(d0, d1) -> (0, 0)>
#map1 = affine_map<(d0, d1) -> (0, 0, 0)>
module attributes {stable_mosaic.version = 14 : i64} {
  func.func @_agg_body(%arg0: i32, %arg1: i32, %arg2: memref<10240x128xf32, #tpu.memory_space<hbm>>, %arg3: memref<2560x128xi32, #tpu.memory_space<hbm>>, %arg4: memref<2560x128xi32, #tpu.memory_space<hbm>>, %arg5: memref<2x10240x128xf32, #tpu.memory_space<hbm>>, %arg6: memref<80x128xi32, #tpu.memory_space<vmem>>, %arg7: memref<80x128xi32, #tpu.memory_space<vmem>>, %arg8: memref<128xi32, #tpu.memory_space<vmem>>, %arg9: memref<128x128xf32, #tpu.memory_space<vmem>>, %arg10: memref<10240x128xf32, #tpu.memory_space<vmem_shared>>) attributes {dimension_semantics = [#tpu.dimension_semantics<core_parallel>, #tpu.dimension_semantics<subcore_parallel>], iteration_bounds = array<i64: 2, 16>, scalar_prefetch = 0 : i64, scratch_operands = 5 : i64, tpu.core_type = #tpu.core_type<sc_vector_subcore>, window_params = [{transform_indices = #map}, {transform_indices = #map}, {transform_indices = #map}, {transform_indices = #map1}]} {
    %mul3A = arith.constant 2 : i32
    %mul3A_0 = arith.muli %arg1, %mul3A : i32
    %add3A = arith.addi %mul3A_0, %arg0 : i32
    %mul3A_1 = arith.constant 80 : i32
    %mul3A_2 = arith.muli %add3A, %mul3A_1 : i32
    "tpu.region"() ({
      %run_scoped3A = tpu.sem_alloc : memref<!tpu.dma_semaphore, #tpu.memory_space<semaphore_mem>>
      %dma_start3A = arith.constant 0 : i32
      %dma_start3A_42 = tpu.memref_slice %arg3[%mul3A_2, %dma_start3A] : memref<2560x128xi32, #tpu.memory_space<hbm>> -> memref<80x128xi32, #tpu.memory_space<hbm>>
      %dma_start3A_43 = arith.constant 0 : i32
      %dma_start3A_44 = tpu.memref_slice %arg3[%mul3A_2, %dma_start3A_43] : memref<2560x128xi32, #tpu.memory_space<hbm>> -> memref<80x128xi32, #tpu.memory_space<hbm>>
      tpu.enqueue_dma source(%dma_start3A_44 : memref<80x128xi32, #tpu.memory_space<hbm>>) target(%arg6 : memref<80x128xi32, #tpu.memory_space<vmem>>) target_semaphore(%run_scoped3A : memref<!tpu.dma_semaphore, #tpu.memory_space<semaphore_mem>>)
      %dma_wait3A = arith.constant 0 : i32
      %dma_wait3A_45 = tpu.memref_slice %arg3[%mul3A_2, %dma_wait3A] : memref<2560x128xi32, #tpu.memory_space<hbm>> -> memref<80x128xi32, #tpu.memory_space<hbm>>
      %dma_wait3A_46 = arith.constant 0 : i32
      %dma_wait3A_47 = tpu.memref_slice %arg3[%mul3A_2, %dma_wait3A_46] : memref<2560x128xi32, #tpu.memory_space<hbm>> -> memref<80x128xi32, #tpu.memory_space<hbm>>
      tpu.wait_dma2 semaphore(%run_scoped3A : memref<!tpu.dma_semaphore, #tpu.memory_space<semaphore_mem>>) src(%dma_wait3A_47 : memref<80x128xi32, #tpu.memory_space<hbm>>) dst(%arg6 : memref<80x128xi32, #tpu.memory_space<vmem>>)
      tpu.yield
    }) : () -> ()
    %mul3A_3 = arith.constant 80 : i32
    %mul3A_4 = arith.muli %add3A, %mul3A_3 : i32
    "tpu.region"() ({
      %run_scoped3A = tpu.sem_alloc : memref<!tpu.dma_semaphore, #tpu.memory_space<semaphore_mem>>
      %dma_start3A = arith.constant 0 : i32
      %dma_start3A_42 = tpu.memref_slice %arg4[%mul3A_4, %dma_start3A] : memref<2560x128xi32, #tpu.memory_space<hbm>> -> memref<80x128xi32, #tpu.memory_space<hbm>>
      %dma_start3A_43 = arith.constant 0 : i32
      %dma_start3A_44 = tpu.memref_slice %arg4[%mul3A_4, %dma_start3A_43] : memref<2560x128xi32, #tpu.memory_space<hbm>> -> memref<80x128xi32, #tpu.memory_space<hbm>>
      tpu.enqueue_dma source(%dma_start3A_44 : memref<80x128xi32, #tpu.memory_space<hbm>>) target(%arg7 : memref<80x128xi32, #tpu.memory_space<vmem>>) target_semaphore(%run_scoped3A : memref<!tpu.dma_semaphore, #tpu.memory_space<semaphore_mem>>)
      %dma_wait3A = arith.constant 0 : i32
      %dma_wait3A_45 = tpu.memref_slice %arg4[%mul3A_4, %dma_wait3A] : memref<2560x128xi32, #tpu.memory_space<hbm>> -> memref<80x128xi32, #tpu.memory_space<hbm>>
      %dma_wait3A_46 = arith.constant 0 : i32
      %dma_wait3A_47 = tpu.memref_slice %arg4[%mul3A_4, %dma_wait3A_46] : memref<2560x128xi32, #tpu.memory_space<hbm>> -> memref<80x128xi32, #tpu.memory_space<hbm>>
      tpu.wait_dma2 semaphore(%run_scoped3A : memref<!tpu.dma_semaphore, #tpu.memory_space<semaphore_mem>>) src(%dma_wait3A_47 : memref<80x128xi32, #tpu.memory_space<hbm>>) dst(%arg7 : memref<80x128xi32, #tpu.memory_space<vmem>>)
      tpu.yield
    }) : () -> ()
    %broadcast_in_dim3A = arith.constant 0.000000e+00 : f32
    %broadcast_in_dim3A_5 = vector.broadcast %broadcast_in_dim3A : f32 to vector<16xf32>
    %scan3A = arith.constant 0 : i32
    %scan3A_6 = arith.constant 0 : i32
    %scan3A_7 = arith.constant 1024 : i32
    %scan3A_8 = arith.addi %scan3A_6, %scan3A_7 : i32
    %scan3A_9 = arith.constant 1 : i32
    scf.for %scan3A_42 = %scan3A_6 to %scan3A_8 step %scan3A_9  : i32 {
      %jit3A = arith.constant 8 : i32
      %div3A = arith.divsi %scan3A_42, %jit3A : i32
      %sign3A = arith.constant 0 : i32
      %sign3A_43 = arith.cmpi sgt, %scan3A_42, %sign3A : i32
      %sign3A_44 = arith.extui %sign3A_43 : i1 to i32
      %sign3A_45 = arith.constant 0 : i32
      %sign3A_46 = arith.cmpi slt, %scan3A_42, %sign3A_45 : i32
      %sign3A_47 = arith.extui %sign3A_46 : i1 to i32
      %sign3A_48 = arith.subi %sign3A_44, %sign3A_47 : i32
      %sign3A_49 = arith.constant 0 : i32
      %sign3A_50 = arith.cmpi sgt, %jit3A, %sign3A_49 : i32
      %sign3A_51 = arith.extui %sign3A_50 : i1 to i32
      %sign3A_52 = arith.constant 0 : i32
      %sign3A_53 = arith.cmpi slt, %jit3A, %sign3A_52 : i32
      %sign3A_54 = arith.extui %sign3A_53 : i1 to i32
      %sign3A_55 = arith.subi %sign3A_51, %sign3A_54 : i32
      %ne3A = arith.cmpi ne, %sign3A_48, %sign3A_55 : i32
      %rem3A = arith.remsi %scan3A_42, %jit3A : i32
      %ne3A_56 = arith.constant 0 : i32
      %ne3A_57 = arith.cmpi ne, %rem3A, %ne3A_56 : i32
      %and3A = arith.andi %ne3A, %ne3A_57 : i1
      %sub3A = arith.constant 1 : i32
      %sub3A_58 = arith.subi %div3A, %sub3A : i32
      %select_n3A = arith.select %and3A, %sub3A_58, %div3A : i32
      %jit3A_59 = arith.constant 8 : i32
      %eq3A = arith.constant 0 : i32
      %eq3A_60 = arith.cmpi eq, %jit3A_59, %eq3A : i32
      %jit3A_61 = arith.constant 1 : i32
      %select_n3A_62 = arith.select %eq3A_60, %jit3A_61, %jit3A_59 : i32
      %rem3A_63 = arith.remsi %scan3A_42, %select_n3A_62 : i32
      %ne3A_64 = arith.constant 0 : i32
      %ne3A_65 = arith.cmpi ne, %rem3A_63, %ne3A_64 : i32
      %lt3A = arith.constant 0 : i32
      %lt3A_66 = arith.cmpi slt, %rem3A_63, %lt3A : i32
      %lt3A_67 = arith.constant 0 : i32
      %lt3A_68 = arith.cmpi slt, %select_n3A_62, %lt3A_67 : i32
      %ne3A_69 = arith.xori %lt3A_66, %lt3A_68 : i1
      %and3A_70 = arith.andi %ne3A_69, %ne3A_65 : i1
      %add3A_71 = arith.addi %rem3A_63, %select_n3A_62 : i32
      %select_n3A_72 = arith.select %and3A_70, %add3A_71, %rem3A_63 : i32
      %mul3A_73 = arith.constant 16 : i32
      %mul3A_74 = arith.muli %select_n3A_72, %mul3A_73 : i32
      %swap3A = arith.index_cast %select_n3A : i32 to index
      %swap3A_75 = arith.index_cast %mul3A_74 : i32 to index
      %swap3A_76 = tpu.vector_load %arg9[%swap3A, %swap3A_75] {strides = array<i32>} : memref<128x128xf32, #tpu.memory_space<vmem>>, vector<16xf32>,
      tpu.vector_store %arg9[%swap3A, %swap3A_75], %broadcast_in_dim3A_5 {strides = array<i32>} : memref<128x128xf32, #tpu.memory_space<vmem>>, vector<16xf32>,
    }
    %scan3A_10 = arith.constant 1024 : i32
    %mul3A_11 = arith.constant 640 : i32
    %mul3A_12 = arith.muli %arg1, %mul3A_11 : i32
    %add3A_13 = arith.constant 0 : i32
    %add3A_14 = arith.addi %mul3A_12, %add3A_13 : i32
    "tpu.region"() ({
      %run_scoped3A = tpu.sem_alloc : memref<!tpu.dma_semaphore, #tpu.memory_space<semaphore_mem>>
      %dma_start3A = arith.constant 0 : i32
      %dma_start3A_42 = tpu.memref_slice %arg10[%add3A_14, %dma_start3A] : memref<10240x128xf32, #tpu.memory_space<vmem_shared>> -> memref<128x128xf32, #tpu.memory_space<vmem_shared>>
      %dma_start3A_43 = arith.constant 0 : i32
      %dma_start3A_44 = tpu.memref_slice %arg10[%add3A_14, %dma_start3A_43] : memref<10240x128xf32, #tpu.memory_space<vmem_shared>> -> memref<128x128xf32, #tpu.memory_space<vmem_shared>>
      tpu.enqueue_dma source(%arg9 : memref<128x128xf32, #tpu.memory_space<vmem>>) target(%dma_start3A_44 : memref<128x128xf32, #tpu.memory_space<vmem_shared>>) target_semaphore(%run_scoped3A : memref<!tpu.dma_semaphore, #tpu.memory_space<semaphore_mem>>)
      %dma_wait3A = arith.constant 0 : i32
      %dma_wait3A_45 = tpu.memref_slice %arg10[%add3A_14, %dma_wait3A] : memref<10240x128xf32, #tpu.memory_space<vmem_shared>> -> memref<128x128xf32, #tpu.memory_space<vmem_shared>>
      %dma_wait3A_46 = arith.constant 0 : i32
      %dma_wait3A_47 = tpu.memref_slice %arg10[%add3A_14, %dma_wait3A_46] : memref<10240x128xf32, #tpu.memory_space<vmem_shared>> -> memref<128x128xf32, #tpu.memory_space<vmem_shared>>
      tpu.wait_dma2 semaphore(%run_scoped3A : memref<!tpu.dma_semaphore, #tpu.memory_space<semaphore_mem>>) src(%arg9 : memref<128x128xf32, #tpu.memory_space<vmem>>) dst(%dma_wait3A_47 : memref<128x128xf32, #tpu.memory_space<vmem_shared>>)
      tpu.yield
    }) : () -> ()
    %mul3A_15 = arith.constant 640 : i32
    %mul3A_16 = arith.muli %arg1, %mul3A_15 : i32
    %add3A_17 = arith.constant 128 : i32
    %add3A_18 = arith.addi %mul3A_16, %add3A_17 : i32
    "tpu.region"() ({
      %run_scoped3A = tpu.sem_alloc : memref<!tpu.dma_semaphore, #tpu.memory_space<semaphore_mem>>
      %dma_start3A = arith.constant 0 : i32
      %dma_start3A_42 = tpu.memref_slice %arg10[%add3A_18, %dma_start3A] : memref<10240x128xf32, #tpu.memory_space<vmem_shared>> -> memref<128x128xf32, #tpu.memory_space<vmem_shared>>
      %dma_start3A_43 = arith.constant 0 : i32
      %dma_start3A_44 = tpu.memref_slice %arg10[%add3A_18, %dma_start3A_43] : memref<10240x128xf32, #tpu.memory_space<vmem_shared>> -> memref<128x128xf32, #tpu.memory_space<vmem_shared>>
      tpu.enqueue_dma source(%arg9 : memref<128x128xf32, #tpu.memory_space<vmem>>) target(%dma_start3A_44 : memref<128x128xf32, #tpu.memory_space<vmem_shared>>) target_semaphore(%run_scoped3A : memref<!tpu.dma_semaphore, #tpu.memory_space<semaphore_mem>>)
      %dma_wait3A = arith.constant 0 : i32
      %dma_wait3A_45 = tpu.memref_slice %arg10[%add3A_18, %dma_wait3A] : memref<10240x128xf32, #tpu.memory_space<vmem_shared>> -> memref<128x128xf32, #tpu.memory_space<vmem_shared>>
      %dma_wait3A_46 = arith.constant 0 : i32
      %dma_wait3A_47 = tpu.memref_slice %arg10[%add3A_18, %dma_wait3A_46] : memref<10240x128xf32, #tpu.memory_space<vmem_shared>> -> memref<128x128xf32, #tpu.memory_space<vmem_shared>>
      tpu.wait_dma2 semaphore(%run_scoped3A : memref<!tpu.dma_semaphore, #tpu.memory_space<semaphore_mem>>) src(%arg9 : memref<128x128xf32, #tpu.memory_space<vmem>>) dst(%dma_wait3A_47 : memref<128x128xf32, #tpu.memory_space<vmem_shared>>)
      tpu.yield
    }) : () -> ()
    %mul3A_19 = arith.constant 640 : i32
    %mul3A_20 = arith.muli %arg1, %mul3A_19 : i32
    %add3A_21 = arith.constant 256 : i32
    %add3A_22 = arith.addi %mul3A_20, %add3A_21 : i32
    "tpu.region"() ({
      %run_scoped3A = tpu.sem_alloc : memref<!tpu.dma_semaphore, #tpu.memory_space<semaphore_mem>>
      %dma_start3A = arith.constant 0 : i32
      %dma_start3A_42 = tpu.memref_slice %arg10[%add3A_22, %dma_start3A] : memref<10240x128xf32, #tpu.memory_space<vmem_shared>> -> memref<128x128xf32, #tpu.memory_space<vmem_shared>>
      %dma_start3A_43 = arith.constant 0 : i32
      %dma_start3A_44 = tpu.memref_slice %arg10[%add3A_22, %dma_start3A_43] : memref<10240x128xf32, #tpu.memory_space<vmem_shared>> -> memref<128x128xf32, #tpu.memory_space<vmem_shared>>
      tpu.enqueue_dma source(%arg9 : memref<128x128xf32, #tpu.memory_space<vmem>>) target(%dma_start3A_44 : memref<128x128xf32, #tpu.memory_space<vmem_shared>>) target_semaphore(%run_scoped3A : memref<!tpu.dma_semaphore, #tpu.memory_space<semaphore_mem>>)
      %dma_wait3A = arith.constant 0 : i32
      %dma_wait3A_45 = tpu.memref_slice %arg10[%add3A_22, %dma_wait3A] : memref<10240x128xf32, #tpu.memory_space<vmem_shared>> -> memref<128x128xf32, #tpu.memory_space<vmem_shared>>
      %dma_wait3A_46 = arith.constant 0 : i32
      %dma_wait3A_47 = tpu.memref_slice %arg10[%add3A_22, %dma_wait3A_46] : memref<10240x128xf32, #tpu.memory_space<vmem_shared>> -> memref<128x128xf32, #tpu.memory_space<vmem_shared>>
      tpu.wait_dma2 semaphore(%run_scoped3A : memref<!tpu.dma_semaphore, #tpu.memory_space<semaphore_mem>>) src(%arg9 : memref<128x128xf32, #tpu.memory_space<vmem>>) dst(%dma_wait3A_47 : memref<128x128xf32, #tpu.memory_space<vmem_shared>>)
      tpu.yield
    }) : () -> ()
    %mul3A_23 = arith.constant 640 : i32
    %mul3A_24 = arith.muli %arg1, %mul3A_23 : i32
    %add3A_25 = arith.constant 384 : i32
    %add3A_26 = arith.addi %mul3A_24, %add3A_25 : i32
    "tpu.region"() ({
      %run_scoped3A = tpu.sem_alloc : memref<!tpu.dma_semaphore, #tpu.memory_space<semaphore_mem>>
      %dma_start3A = arith.constant 0 : i32
      %dma_start3A_42 = tpu.memref_slice %arg10[%add3A_26, %dma_start3A] : memref<10240x128xf32, #tpu.memory_space<vmem_shared>> -> memref<128x128xf32, #tpu.memory_space<vmem_shared>>
      %dma_start3A_43 = arith.constant 0 : i32
      %dma_start3A_44 = tpu.memref_slice %arg10[%add3A_26, %dma_start3A_43] : memref<10240x128xf32, #tpu.memory_space<vmem_shared>> -> memref<128x128xf32, #tpu.memory_space<vmem_shared>>
      tpu.enqueue_dma source(%arg9 : memref<128x128xf32, #tpu.memory_space<vmem>>) target(%dma_start3A_44 : memref<128x128xf32, #tpu.memory_space<vmem_shared>>) target_semaphore(%run_scoped3A : memref<!tpu.dma_semaphore, #tpu.memory_space<semaphore_mem>>)
      %dma_wait3A = arith.constant 0 : i32
      %dma_wait3A_45 = tpu.memref_slice %arg10[%add3A_26, %dma_wait3A] : memref<10240x128xf32, #tpu.memory_space<vmem_shared>> -> memref<128x128xf32, #tpu.memory_space<vmem_shared>>
      %dma_wait3A_46 = arith.constant 0 : i32
      %dma_wait3A_47 = tpu.memref_slice %arg10[%add3A_26, %dma_wait3A_46] : memref<10240x128xf32, #tpu.memory_space<vmem_shared>> -> memref<128x128xf32, #tpu.memory_space<vmem_shared>>
      tpu.wait_dma2 semaphore(%run_scoped3A : memref<!tpu.dma_semaphore, #tpu.memory_space<semaphore_mem>>) src(%arg9 : memref<128x128xf32, #tpu.memory_space<vmem>>) dst(%dma_wait3A_47 : memref<128x128xf32, #tpu.memory_space<vmem_shared>>)
      tpu.yield
    }) : () -> ()
    %mul3A_27 = arith.constant 640 : i32
    %mul3A_28 = arith.muli %arg1, %mul3A_27 : i32
    %add3A_29 = arith.constant 512 : i32
    %add3A_30 = arith.addi %mul3A_28, %add3A_29 : i32
    "tpu.region"() ({
      %run_scoped3A = tpu.sem_alloc : memref<!tpu.dma_semaphore, #tpu.memory_space<semaphore_mem>>
      %dma_start3A = arith.constant 0 : i32
      %dma_start3A_42 = tpu.memref_slice %arg10[%add3A_30, %dma_start3A] : memref<10240x128xf32, #tpu.memory_space<vmem_shared>> -> memref<128x128xf32, #tpu.memory_space<vmem_shared>>
      %dma_start3A_43 = arith.constant 0 : i32
      %dma_start3A_44 = tpu.memref_slice %arg10[%add3A_30, %dma_start3A_43] : memref<10240x128xf32, #tpu.memory_space<vmem_shared>> -> memref<128x128xf32, #tpu.memory_space<vmem_shared>>
      tpu.enqueue_dma source(%arg9 : memref<128x128xf32, #tpu.memory_space<vmem>>) target(%dma_start3A_44 : memref<128x128xf32, #tpu.memory_space<vmem_shared>>) target_semaphore(%run_scoped3A : memref<!tpu.dma_semaphore, #tpu.memory_space<semaphore_mem>>)
      %dma_wait3A = arith.constant 0 : i32
      %dma_wait3A_45 = tpu.memref_slice %arg10[%add3A_30, %dma_wait3A] : memref<10240x128xf32, #tpu.memory_space<vmem_shared>> -> memref<128x128xf32, #tpu.memory_space<vmem_shared>>
      %dma_wait3A_46 = arith.constant 0 : i32
      %dma_wait3A_47 = tpu.memref_slice %arg10[%add3A_30, %dma_wait3A_46] : memref<10240x128xf32, #tpu.memory_space<vmem_shared>> -> memref<128x128xf32, #tpu.memory_space<vmem_shared>>
      tpu.wait_dma2 semaphore(%run_scoped3A : memref<!tpu.dma_semaphore, #tpu.memory_space<semaphore_mem>>) src(%arg9 : memref<128x128xf32, #tpu.memory_space<vmem>>) dst(%dma_wait3A_47 : memref<128x128xf32, #tpu.memory_space<vmem_shared>>)
      tpu.yield
    }) : () -> ()
    %barrier3A = arith.constant 0 : index
    tpu.barrier barrier_id(%barrier3A)
    %scan3A_31 = arith.constant 0 : i32
    %scan3A_32 = arith.constant 0 : i32
    %scan3A_33 = arith.constant 80 : i32
    %scan3A_34 = arith.addi %scan3A_32, %scan3A_33 : i32
    %scan3A_35 = arith.constant 1 : i32
    scf.for %scan3A_42 = %scan3A_32 to %scan3A_34 step %scan3A_35  : i32 {
      %get3A = arith.index_cast %scan3A_42 : i32 to index
      %get3A_43 = arith.constant 0 : index
      %get3A_44 = tpu.vector_load %arg7[%get3A, %get3A_43] {strides = array<i32>} : memref<80x128xi32, #tpu.memory_space<vmem>>, vector<16xi32>,
      %swap3A = arith.constant 0 : index
      %swap3A_45 = tpu.vector_load %arg8[%swap3A] {strides = array<i32>} : memref<128xi32, #tpu.memory_space<vmem>>, vector<16xi32>,
      tpu.vector_store %arg8[%swap3A], %get3A_44 {strides = array<i32>} : memref<128xi32, #tpu.memory_space<vmem>>, vector<16xi32>,
      %get3A_46 = arith.index_cast %scan3A_42 : i32 to index
      %get3A_47 = arith.constant 16 : index
      %get3A_48 = tpu.vector_load %arg7[%get3A_46, %get3A_47] {strides = array<i32>} : memref<80x128xi32, #tpu.memory_space<vmem>>, vector<16xi32>,
      %swap3A_49 = arith.constant 16 : index
      %swap3A_50 = tpu.vector_load %arg8[%swap3A_49] {strides = array<i32>} : memref<128xi32, #tpu.memory_space<vmem>>, vector<16xi32>,
      tpu.vector_store %arg8[%swap3A_49], %get3A_48 {strides = array<i32>} : memref<128xi32, #tpu.memory_space<vmem>>, vector<16xi32>,
      %get3A_51 = arith.index_cast %scan3A_42 : i32 to index
      %get3A_52 = arith.constant 32 : index
      %get3A_53 = tpu.vector_load %arg7[%get3A_51, %get3A_52] {strides = array<i32>} : memref<80x128xi32, #tpu.memory_space<vmem>>, vector<16xi32>,
      %swap3A_54 = arith.constant 32 : index
      %swap3A_55 = tpu.vector_load %arg8[%swap3A_54] {strides = array<i32>} : memref<128xi32, #tpu.memory_space<vmem>>, vector<16xi32>,
      tpu.vector_store %arg8[%swap3A_54], %get3A_53 {strides = array<i32>} : memref<128xi32, #tpu.memory_space<vmem>>, vector<16xi32>,
      %get3A_56 = arith.index_cast %scan3A_42 : i32 to index
      %get3A_57 = arith.constant 48 : index
      %get3A_58 = tpu.vector_load %arg7[%get3A_56, %get3A_57] {strides = array<i32>} : memref<80x128xi32, #tpu.memory_space<vmem>>, vector<16xi32>,
      %swap3A_59 = arith.constant 48 : index
      %swap3A_60 = tpu.vector_load %arg8[%swap3A_59] {strides = array<i32>} : memref<128xi32, #tpu.memory_space<vmem>>, vector<16xi32>,
      tpu.vector_store %arg8[%swap3A_59], %get3A_58 {strides = array<i32>} : memref<128xi32, #tpu.memory_space<vmem>>, vector<16xi32>,
      %get3A_61 = arith.index_cast %scan3A_42 : i32 to index
      %get3A_62 = arith.constant 64 : index
      %get3A_63 = tpu.vector_load %arg7[%get3A_61, %get3A_62] {strides = array<i32>} : memref<80x128xi32, #tpu.memory_space<vmem>>, vector<16xi32>,
      %swap3A_64 = arith.constant 64 : index
      %swap3A_65 = tpu.vector_load %arg8[%swap3A_64] {strides = array<i32>} : memref<128xi32, #tpu.memory_space<vmem>>, vector<16xi32>,
      tpu.vector_store %arg8[%swap3A_64], %get3A_63 {strides = array<i32>} : memref<128xi32, #tpu.memory_space<vmem>>, vector<16xi32>,
      %get3A_66 = arith.index_cast %scan3A_42 : i32 to index
      %get3A_67 = arith.constant 80 : index
      %get3A_68 = tpu.vector_load %arg7[%get3A_66, %get3A_67] {strides = array<i32>} : memref<80x128xi32, #tpu.memory_space<vmem>>, vector<16xi32>,
      %swap3A_69 = arith.constant 80 : index
      %swap3A_70 = tpu.vector_load %arg8[%swap3A_69] {strides = array<i32>} : memref<128xi32, #tpu.memory_space<vmem>>, vector<16xi32>,
      tpu.vector_store %arg8[%swap3A_69], %get3A_68 {strides = array<i32>} : memref<128xi32, #tpu.memory_space<vmem>>, vector<16xi32>,
      %get3A_71 = arith.index_cast %scan3A_42 : i32 to index
      %get3A_72 = arith.constant 96 : index
      %get3A_73 = tpu.vector_load %arg7[%get3A_71, %get3A_72] {strides = array<i32>} : memref<80x128xi32, #tpu.memory_space<vmem>>, vector<16xi32>,
      %swap3A_74 = arith.constant 96 : index
      %swap3A_75 = tpu.vector_load %arg8[%swap3A_74] {strides = array<i32>} : memref<128xi32, #tpu.memory_space<vmem>>, vector<16xi32>,
      tpu.vector_store %arg8[%swap3A_74], %get3A_73 {strides = array<i32>} : memref<128xi32, #tpu.memory_space<vmem>>, vector<16xi32>,
      %get3A_76 = arith.index_cast %scan3A_42 : i32 to index
      %get3A_77 = arith.constant 112 : index
      %get3A_78 = tpu.vector_load %arg7[%get3A_76, %get3A_77] {strides = array<i32>} : memref<80x128xi32, #tpu.memory_space<vmem>>, vector<16xi32>,
      %swap3A_79 = arith.constant 112 : index
      %swap3A_80 = tpu.vector_load %arg8[%swap3A_79] {strides = array<i32>} : memref<128xi32, #tpu.memory_space<vmem>>, vector<16xi32>,
      tpu.vector_store %arg8[%swap3A_79], %get3A_78 {strides = array<i32>} : memref<128xi32, #tpu.memory_space<vmem>>, vector<16xi32>,
      "tpu.region"() ({
        %run_scoped3A = tpu.sem_alloc : memref<!tpu.dma_semaphore, #tpu.memory_space<semaphore_mem>>
        %dma_start3A = arith.constant 0 : i32
        %dma_start3A_81 = tpu.memref_slice %arg6[%scan3A_42, %dma_start3A] : memref<80x128xi32, #tpu.memory_space<vmem>> -> memref<1x128xi32, #tpu.memory_space<vmem>>
        %dma_start3A_82 = tpu.memref_squeeze %dma_start3A_81 : memref<1x128xi32, #tpu.memory_space<vmem>> -> memref<128xi32, #tpu.memory_space<vmem>>
        %dma_start3A_83 = arith.constant 0 : i32
        %dma_start3A_84 = arith.constant 0 : i32
        %dma_start3A_85 = tpu.memref_slice %arg2[%dma_start3A_83, %dma_start3A_84] : memref<10240x128xf32, #tpu.memory_space<hbm>> -> memref<10240x128xf32, #tpu.memory_space<hbm>>
        tpu.enqueue_indirect_dma source(%dma_start3A_85 : memref<10240x128xf32, #tpu.memory_space<hbm>>) target(%arg9 : memref<128x128xf32, #tpu.memory_space<vmem>>) offsets(%dma_start3A_82 : memref<128xi32, #tpu.memory_space<vmem>>) semaphore(%run_scoped3A : memref<!tpu.dma_semaphore, #tpu.memory_space<semaphore_mem>>)
        %dma_wait3A = arith.constant 0 : i32
        %dma_wait3A_86 = tpu.memref_slice %arg6[%scan3A_42, %dma_wait3A] : memref<80x128xi32, #tpu.memory_space<vmem>> -> memref<1x128xi32, #tpu.memory_space<vmem>>
        %dma_wait3A_87 = tpu.memref_squeeze %dma_wait3A_86 : memref<1x128xi32, #tpu.memory_space<vmem>> -> memref<128xi32, #tpu.memory_space<vmem>>
        %dma_wait3A_88 = arith.constant 0 : i32
        %dma_wait3A_89 = arith.constant 0 : i32
        %dma_wait3A_90 = tpu.memref_slice %arg2[%dma_wait3A_88, %dma_wait3A_89] : memref<10240x128xf32, #tpu.memory_space<hbm>> -> memref<10240x128xf32, #tpu.memory_space<hbm>>
        tpu.wait_indirect_dma semaphore(%run_scoped3A : memref<!tpu.dma_semaphore, #tpu.memory_space<semaphore_mem>>) src(%dma_wait3A_90 : memref<10240x128xf32, #tpu.memory_space<hbm>>) dst(%arg9 : memref<128x128xf32, #tpu.memory_space<vmem>>)
        tpu.yield
      }) : () -> ()
      "tpu.region"() ({
        %run_scoped3A = tpu.sem_alloc : memref<!tpu.dma_semaphore, #tpu.memory_space<semaphore_mem>>
        %dma_start3A = arith.constant 0 : i32
        %dma_start3A_81 = arith.constant 0 : i32
        %dma_start3A_82 = tpu.memref_slice %arg10[%dma_start3A, %dma_start3A_81] : memref<10240x128xf32, #tpu.memory_space<vmem_shared>> -> memref<10240x128xf32, #tpu.memory_space<vmem_shared>>
        tpu.enqueue_indirect_dma source(%arg9 : memref<128x128xf32, #tpu.memory_space<vmem>>) target(%dma_start3A_82 : memref<10240x128xf32, #tpu.memory_space<vmem_shared>>) offsets(%arg8 : memref<128xi32, #tpu.memory_space<vmem>>) semaphore(%run_scoped3A : memref<!tpu.dma_semaphore, #tpu.memory_space<semaphore_mem>>) {add = true}
        %dma_wait3A = arith.constant 0 : i32
        %dma_wait3A_83 = arith.constant 0 : i32
        %dma_wait3A_84 = tpu.memref_slice %arg10[%dma_wait3A, %dma_wait3A_83] : memref<10240x128xf32, #tpu.memory_space<vmem_shared>> -> memref<10240x128xf32, #tpu.memory_space<vmem_shared>>
        tpu.wait_indirect_dma semaphore(%run_scoped3A : memref<!tpu.dma_semaphore, #tpu.memory_space<semaphore_mem>>) src(%arg9 : memref<128x128xf32, #tpu.memory_space<vmem>>) dst(%dma_wait3A_84 : memref<10240x128xf32, #tpu.memory_space<vmem_shared>>)
        tpu.yield
      }) : () -> ()
    }
    %scan3A_36 = arith.constant 80 : i32
    %barrier3A_37 = arith.constant 0 : index
    tpu.barrier barrier_id(%barrier3A_37)
    %mul3A_38 = arith.constant 640 : i32
    %mul3A_39 = arith.muli %arg1, %mul3A_38 : i32
    %mul3A_40 = arith.constant 640 : i32
    %mul3A_41 = arith.muli %arg1, %mul3A_40 : i32
    "tpu.region"() ({
      %run_scoped3A = tpu.sem_alloc : memref<!tpu.dma_semaphore, #tpu.memory_space<semaphore_mem>>
      %dma_start3A = arith.constant 0 : i32
      %dma_start3A_42 = tpu.memref_slice %arg5[%arg0, %mul3A_41, %dma_start3A] : memref<2x10240x128xf32, #tpu.memory_space<hbm>> -> memref<1x640x128xf32, #tpu.memory_space<hbm>>
      %dma_start3A_43 = tpu.memref_squeeze %dma_start3A_42 : memref<1x640x128xf32, #tpu.memory_space<hbm>> -> memref<640x128xf32, #tpu.memory_space<hbm>>
      %dma_start3A_44 = arith.constant 0 : i32
      %dma_start3A_45 = tpu.memref_slice %arg10[%mul3A_39, %dma_start3A_44] : memref<10240x128xf32, #tpu.memory_space<vmem_shared>> -> memref<640x128xf32, #tpu.memory_space<vmem_shared>>
      tpu.enqueue_dma source(%dma_start3A_45 : memref<640x128xf32, #tpu.memory_space<vmem_shared>>) target(%dma_start3A_43 : memref<640x128xf32, #tpu.memory_space<hbm>>) target_semaphore(%run_scoped3A : memref<!tpu.dma_semaphore, #tpu.memory_space<semaphore_mem>>)
      %dma_wait3A = arith.constant 0 : i32
      %dma_wait3A_46 = tpu.memref_slice %arg5[%arg0, %mul3A_41, %dma_wait3A] : memref<2x10240x128xf32, #tpu.memory_space<hbm>> -> memref<1x640x128xf32, #tpu.memory_space<hbm>>
      %dma_wait3A_47 = tpu.memref_squeeze %dma_wait3A_46 : memref<1x640x128xf32, #tpu.memory_space<hbm>> -> memref<640x128xf32, #tpu.memory_space<hbm>>
      %dma_wait3A_48 = arith.constant 0 : i32
      %dma_wait3A_49 = tpu.memref_slice %arg10[%mul3A_39, %dma_wait3A_48] : memref<10240x128xf32, #tpu.memory_space<vmem_shared>> -> memref<640x128xf32, #tpu.memory_space<vmem_shared>>
      tpu.wait_dma2 semaphore(%run_scoped3A : memref<!tpu.dma_semaphore, #tpu.memory_space<semaphore_mem>>) src(%dma_wait3A_49 : memref<640x128xf32, #tpu.memory_space<vmem_shared>>) dst(%dma_wait3A_47 : memref<640x128xf32, #tpu.memory_space<hbm>>)
      tpu.yield
    }) : () -> ()
    return
  }
}

#map = affine_map<(d0, d1) -> (0, 0)>
#map1 = affine_map<(d0, d1) -> (0, 0, 0)>
module attributes {stable_mosaic.version = 14 : i64} {
  func.func @_agg_body(%arg0: i32, %arg1: i32, %arg2: memref<10240x128xf32, #tpu.memory_space<hbm>>, %arg3: memref<2560x128xi32, #tpu.memory_space<hbm>>, %arg4: memref<2560x128xi32, #tpu.memory_space<hbm>>, %arg5: memref<2x10240x128xf32, #tpu.memory_space<hbm>>, %arg6: memref<80x128xi32, #tpu.memory_space<vmem>>, %arg7: memref<80x128xi32, #tpu.memory_space<vmem>>, %arg8: memref<128xi32, #tpu.memory_space<vmem>>, %arg9: memref<128x128xf32, #tpu.memory_space<vmem>>, %arg10: memref<10240x128xf32, #tpu.memory_space<vmem_shared>>) attributes {dimension_semantics = [#tpu.dimension_semantics<core_parallel>, #tpu.dimension_semantics<subcore_parallel>], iteration_bounds = array<i64: 2, 16>, scalar_prefetch = 0 : i64, scratch_operands = 5 : i64, tpu.core_type = #tpu.core_type<sc_vector_subcore>, window_params = [{transform_indices = #map}, {transform_indices = #map}, {transform_indices = #map}, {transform_indices = #map1}]} {
    %mul3A = arith.constant 2 : i32
    %mul3A_0 = arith.muli %arg1, %mul3A : i32
    %add3A = arith.addi %mul3A_0, %arg0 : i32
    %mul3A_1 = arith.constant 80 : i32
    %mul3A_2 = arith.muli %add3A, %mul3A_1 : i32
    "tpu.region"() ({
      %run_scoped3A = tpu.sem_alloc : memref<!tpu.dma_semaphore, #tpu.memory_space<semaphore_mem>>
      %dma_start3A = arith.constant 0 : i32
      %dma_start3A_42 = tpu.memref_slice %arg3[%mul3A_2, %dma_start3A] : memref<2560x128xi32, #tpu.memory_space<hbm>> -> memref<80x128xi32, #tpu.memory_space<hbm>>
      %dma_start3A_43 = arith.constant 0 : i32
      %dma_start3A_44 = tpu.memref_slice %arg3[%mul3A_2, %dma_start3A_43] : memref<2560x128xi32, #tpu.memory_space<hbm>> -> memref<80x128xi32, #tpu.memory_space<hbm>>
      tpu.enqueue_dma source(%dma_start3A_44 : memref<80x128xi32, #tpu.memory_space<hbm>>) target(%arg6 : memref<80x128xi32, #tpu.memory_space<vmem>>) target_semaphore(%run_scoped3A : memref<!tpu.dma_semaphore, #tpu.memory_space<semaphore_mem>>)
      %dma_wait3A = arith.constant 0 : i32
      %dma_wait3A_45 = tpu.memref_slice %arg3[%mul3A_2, %dma_wait3A] : memref<2560x128xi32, #tpu.memory_space<hbm>> -> memref<80x128xi32, #tpu.memory_space<hbm>>
      %dma_wait3A_46 = arith.constant 0 : i32
      %dma_wait3A_47 = tpu.memref_slice %arg3[%mul3A_2, %dma_wait3A_46] : memref<2560x128xi32, #tpu.memory_space<hbm>> -> memref<80x128xi32, #tpu.memory_space<hbm>>
      tpu.wait_dma2 semaphore(%run_scoped3A : memref<!tpu.dma_semaphore, #tpu.memory_space<semaphore_mem>>) src(%dma_wait3A_47 : memref<80x128xi32, #tpu.memory_space<hbm>>) dst(%arg6 : memref<80x128xi32, #tpu.memory_space<vmem>>)
      tpu.yield
    }) : () -> ()
    %mul3A_3 = arith.constant 80 : i32
    %mul3A_4 = arith.muli %add3A, %mul3A_3 : i32
    "tpu.region"() ({
      %run_scoped3A = tpu.sem_alloc : memref<!tpu.dma_semaphore, #tpu.memory_space<semaphore_mem>>
      %dma_start3A = arith.constant 0 : i32
      %dma_start3A_42 = tpu.memref_slice %arg4[%mul3A_4, %dma_start3A] : memref<2560x128xi32, #tpu.memory_space<hbm>> -> memref<80x128xi32, #tpu.memory_space<hbm>>
      %dma_start3A_43 = arith.constant 0 : i32
      %dma_start3A_44 = tpu.memref_slice %arg4[%mul3A_4, %dma_start3A_43] : memref<2560x128xi32, #tpu.memory_space<hbm>> -> memref<80x128xi32, #tpu.memory_space<hbm>>
      tpu.enqueue_dma source(%dma_start3A_44 : memref<80x128xi32, #tpu.memory_space<hbm>>) target(%arg7 : memref<80x128xi32, #tpu.memory_space<vmem>>) target_semaphore(%run_scoped3A : memref<!tpu.dma_semaphore, #tpu.memory_space<semaphore_mem>>)
      %dma_wait3A = arith.constant 0 : i32
      %dma_wait3A_45 = tpu.memref_slice %arg4[%mul3A_4, %dma_wait3A] : memref<2560x128xi32, #tpu.memory_space<hbm>> -> memref<80x128xi32, #tpu.memory_space<hbm>>
      %dma_wait3A_46 = arith.constant 0 : i32
      %dma_wait3A_47 = tpu.memref_slice %arg4[%mul3A_4, %dma_wait3A_46] : memref<2560x128xi32, #tpu.memory_space<hbm>> -> memref<80x128xi32, #tpu.memory_space<hbm>>
      tpu.wait_dma2 semaphore(%run_scoped3A : memref<!tpu.dma_semaphore, #tpu.memory_space<semaphore_mem>>) src(%dma_wait3A_47 : memref<80x128xi32, #tpu.memory_space<hbm>>) dst(%arg7 : memref<80x128xi32, #tpu.memory_space<vmem>>)
      tpu.yield
    }) : () -> ()
    %broadcast_in_dim3A = arith.constant 0.000000e+00 : f32
    %broadcast_in_dim3A_5 = vector.broadcast %broadcast_in_dim3A : f32 to vector<16xf32>
    %scan3A = arith.constant 0 : i32
    %scan3A_6 = arith.constant 0 : i32
    %scan3A_7 = arith.constant 1024 : i32
    %scan3A_8 = arith.addi %scan3A_6, %scan3A_7 : i32
    %scan3A_9 = arith.constant 1 : i32
    scf.for %scan3A_42 = %scan3A_6 to %scan3A_8 step %scan3A_9  : i32 {
      %jit3A = arith.constant 8 : i32
      %div3A = arith.divsi %scan3A_42, %jit3A : i32
      %sign3A = arith.constant 0 : i32
      %sign3A_43 = arith.cmpi sgt, %scan3A_42, %sign3A : i32
      %sign3A_44 = arith.extui %sign3A_43 : i1 to i32
      %sign3A_45 = arith.constant 0 : i32
      %sign3A_46 = arith.cmpi slt, %scan3A_42, %sign3A_45 : i32
      %sign3A_47 = arith.extui %sign3A_46 : i1 to i32
      %sign3A_48 = arith.subi %sign3A_44, %sign3A_47 : i32
      %sign3A_49 = arith.constant 0 : i32
      %sign3A_50 = arith.cmpi sgt, %jit3A, %sign3A_49 : i32
      %sign3A_51 = arith.extui %sign3A_50 : i1 to i32
      %sign3A_52 = arith.constant 0 : i32
      %sign3A_53 = arith.cmpi slt, %jit3A, %sign3A_52 : i32
      %sign3A_54 = arith.extui %sign3A_53 : i1 to i32
      %sign3A_55 = arith.subi %sign3A_51, %sign3A_54 : i32
      %ne3A = arith.cmpi ne, %sign3A_48, %sign3A_55 : i32
      %rem3A = arith.remsi %scan3A_42, %jit3A : i32
      %ne3A_56 = arith.constant 0 : i32
      %ne3A_57 = arith.cmpi ne, %rem3A, %ne3A_56 : i32
      %and3A = arith.andi %ne3A, %ne3A_57 : i1
      %sub3A = arith.constant 1 : i32
      %sub3A_58 = arith.subi %div3A, %sub3A : i32
      %select_n3A = arith.select %and3A, %sub3A_58, %div3A : i32
      %jit3A_59 = arith.constant 8 : i32
      %eq3A = arith.constant 0 : i32
      %eq3A_60 = arith.cmpi eq, %jit3A_59, %eq3A : i32
      %jit3A_61 = arith.constant 1 : i32
      %select_n3A_62 = arith.select %eq3A_60, %jit3A_61, %jit3A_59 : i32
      %rem3A_63 = arith.remsi %scan3A_42, %select_n3A_62 : i32
      %ne3A_64 = arith.constant 0 : i32
      %ne3A_65 = arith.cmpi ne, %rem3A_63, %ne3A_64 : i32
      %lt3A = arith.constant 0 : i32
      %lt3A_66 = arith.cmpi slt, %rem3A_63, %lt3A : i32
      %lt3A_67 = arith.constant 0 : i32
      %lt3A_68 = arith.cmpi slt, %select_n3A_62, %lt3A_67 : i32
      %ne3A_69 = arith.xori %lt3A_66, %lt3A_68 : i1
      %and3A_70 = arith.andi %ne3A_69, %ne3A_65 : i1
      %add3A_71 = arith.addi %rem3A_63, %select_n3A_62 : i32
      %select_n3A_72 = arith.select %and3A_70, %add3A_71, %rem3A_63 : i32
      %mul3A_73 = arith.constant 16 : i32
      %mul3A_74 = arith.muli %select_n3A_72, %mul3A_73 : i32
      %swap3A = arith.index_cast %select_n3A : i32 to index
      %swap3A_75 = arith.index_cast %mul3A_74 : i32 to index
      %swap3A_76 = tpu.vector_load %arg9[%swap3A, %swap3A_75] {strides = array<i32>} : memref<128x128xf32, #tpu.memory_space<vmem>>, vector<16xf32>,
      tpu.vector_store %arg9[%swap3A, %swap3A_75], %broadcast_in_dim3A_5 {strides = array<i32>} : memref<128x128xf32, #tpu.memory_space<vmem>>, vector<16xf32>,
    }
    %scan3A_10 = arith.constant 1024 : i32
    %mul3A_11 = arith.constant 640 : i32
    %mul3A_12 = arith.muli %arg1, %mul3A_11 : i32
    %add3A_13 = arith.constant 0 : i32
    %add3A_14 = arith.addi %mul3A_12, %add3A_13 : i32
    "tpu.region"() ({
      %run_scoped3A = tpu.sem_alloc : memref<!tpu.dma_semaphore, #tpu.memory_space<semaphore_mem>>
      %dma_start3A = arith.constant 0 : i32
      %dma_start3A_42 = tpu.memref_slice %arg10[%add3A_14, %dma_start3A] : memref<10240x128xf32, #tpu.memory_space<vmem_shared>> -> memref<128x128xf32, #tpu.memory_space<vmem_shared>>
      %dma_start3A_43 = arith.constant 0 : i32
      %dma_start3A_44 = tpu.memref_slice %arg10[%add3A_14, %dma_start3A_43] : memref<10240x128xf32, #tpu.memory_space<vmem_shared>> -> memref<128x128xf32, #tpu.memory_space<vmem_shared>>
      tpu.enqueue_dma source(%arg9 : memref<128x128xf32, #tpu.memory_space<vmem>>) target(%dma_start3A_44 : memref<128x128xf32, #tpu.memory_space<vmem_shared>>) target_semaphore(%run_scoped3A : memref<!tpu.dma_semaphore, #tpu.memory_space<semaphore_mem>>)
      %dma_wait3A = arith.constant 0 : i32
      %dma_wait3A_45 = tpu.memref_slice %arg10[%add3A_14, %dma_wait3A] : memref<10240x128xf32, #tpu.memory_space<vmem_shared>> -> memref<128x128xf32, #tpu.memory_space<vmem_shared>>
      %dma_wait3A_46 = arith.constant 0 : i32
      %dma_wait3A_47 = tpu.memref_slice %arg10[%add3A_14, %dma_wait3A_46] : memref<10240x128xf32, #tpu.memory_space<vmem_shared>> -> memref<128x128xf32, #tpu.memory_space<vmem_shared>>
      tpu.wait_dma2 semaphore(%run_scoped3A : memref<!tpu.dma_semaphore, #tpu.memory_space<semaphore_mem>>) src(%arg9 : memref<128x128xf32, #tpu.memory_space<vmem>>) dst(%dma_wait3A_47 : memref<128x128xf32, #tpu.memory_space<vmem_shared>>)
      tpu.yield
    }) : () -> ()
    %mul3A_15 = arith.constant 640 : i32
    %mul3A_16 = arith.muli %arg1, %mul3A_15 : i32
    %add3A_17 = arith.constant 128 : i32
    %add3A_18 = arith.addi %mul3A_16, %add3A_17 : i32
    "tpu.region"() ({
      %run_scoped3A = tpu.sem_alloc : memref<!tpu.dma_semaphore, #tpu.memory_space<semaphore_mem>>
      %dma_start3A = arith.constant 0 : i32
      %dma_start3A_42 = tpu.memref_slice %arg10[%add3A_18, %dma_start3A] : memref<10240x128xf32, #tpu.memory_space<vmem_shared>> -> memref<128x128xf32, #tpu.memory_space<vmem_shared>>
      %dma_start3A_43 = arith.constant 0 : i32
      %dma_start3A_44 = tpu.memref_slice %arg10[%add3A_18, %dma_start3A_43] : memref<10240x128xf32, #tpu.memory_space<vmem_shared>> -> memref<128x128xf32, #tpu.memory_space<vmem_shared>>
      tpu.enqueue_dma source(%arg9 : memref<128x128xf32, #tpu.memory_space<vmem>>) target(%dma_start3A_44 : memref<128x128xf32, #tpu.memory_space<vmem_shared>>) target_semaphore(%run_scoped3A : memref<!tpu.dma_semaphore, #tpu.memory_space<semaphore_mem>>)
      %dma_wait3A = arith.constant 0 : i32
      %dma_wait3A_45 = tpu.memref_slice %arg10[%add3A_18, %dma_wait3A] : memref<10240x128xf32, #tpu.memory_space<vmem_shared>> -> memref<128x128xf32, #tpu.memory_space<vmem_shared>>
      %dma_wait3A_46 = arith.constant 0 : i32
      %dma_wait3A_47 = tpu.memref_slice %arg10[%add3A_18, %dma_wait3A_46] : memref<10240x128xf32, #tpu.memory_space<vmem_shared>> -> memref<128x128xf32, #tpu.memory_space<vmem_shared>>
      tpu.wait_dma2 semaphore(%run_scoped3A : memref<!tpu.dma_semaphore, #tpu.memory_space<semaphore_mem>>) src(%arg9 : memref<128x128xf32, #tpu.memory_space<vmem>>) dst(%dma_wait3A_47 : memref<128x128xf32, #tpu.memory_space<vmem_shared>>)
      tpu.yield
    }) : () -> ()
    %mul3A_19 = arith.constant 640 : i32
    %mul3A_20 = arith.muli %arg1, %mul3A_19 : i32
    %add3A_21 = arith.constant 256 : i32
    %add3A_22 = arith.addi %mul3A_20, %add3A_21 : i32
    "tpu.region"() ({
      %run_scoped3A = tpu.sem_alloc : memref<!tpu.dma_semaphore, #tpu.memory_space<semaphore_mem>>
      %dma_start3A = arith.constant 0 : i32
      %dma_start3A_42 = tpu.memref_slice %arg10[%add3A_22, %dma_start3A] : memref<10240x128xf32, #tpu.memory_space<vmem_shared>> -> memref<128x128xf32, #tpu.memory_space<vmem_shared>>
      %dma_start3A_43 = arith.constant 0 : i32
      %dma_start3A_44 = tpu.memref_slice %arg10[%add3A_22, %dma_start3A_43] : memref<10240x128xf32, #tpu.memory_space<vmem_shared>> -> memref<128x128xf32, #tpu.memory_space<vmem_shared>>
      tpu.enqueue_dma source(%arg9 : memref<128x128xf32, #tpu.memory_space<vmem>>) target(%dma_start3A_44 : memref<128x128xf32, #tpu.memory_space<vmem_shared>>) target_semaphore(%run_scoped3A : memref<!tpu.dma_semaphore, #tpu.memory_space<semaphore_mem>>)
      %dma_wait3A = arith.constant 0 : i32
      %dma_wait3A_45 = tpu.memref_slice %arg10[%add3A_22, %dma_wait3A] : memref<10240x128xf32, #tpu.memory_space<vmem_shared>> -> memref<128x128xf32, #tpu.memory_space<vmem_shared>>
      %dma_wait3A_46 = arith.constant 0 : i32
      %dma_wait3A_47 = tpu.memref_slice %arg10[%add3A_22, %dma_wait3A_46] : memref<10240x128xf32, #tpu.memory_space<vmem_shared>> -> memref<128x128xf32, #tpu.memory_space<vmem_shared>>
      tpu.wait_dma2 semaphore(%run_scoped3A : memref<!tpu.dma_semaphore, #tpu.memory_space<semaphore_mem>>) src(%arg9 : memref<128x128xf32, #tpu.memory_space<vmem>>) dst(%dma_wait3A_47 : memref<128x128xf32, #tpu.memory_space<vmem_shared>>)
      tpu.yield
    }) : () -> ()
    %mul3A_23 = arith.constant 640 : i32
    %mul3A_24 = arith.muli %arg1, %mul3A_23 : i32
    %add3A_25 = arith.constant 384 : i32
    %add3A_26 = arith.addi %mul3A_24, %add3A_25 : i32
    "tpu.region"() ({
      %run_scoped3A = tpu.sem_alloc : memref<!tpu.dma_semaphore, #tpu.memory_space<semaphore_mem>>
      %dma_start3A = arith.constant 0 : i32
      %dma_start3A_42 = tpu.memref_slice %arg10[%add3A_26, %dma_start3A] : memref<10240x128xf32, #tpu.memory_space<vmem_shared>> -> memref<128x128xf32, #tpu.memory_space<vmem_shared>>
      %dma_start3A_43 = arith.constant 0 : i32
      %dma_start3A_44 = tpu.memref_slice %arg10[%add3A_26, %dma_start3A_43] : memref<10240x128xf32, #tpu.memory_space<vmem_shared>> -> memref<128x128xf32, #tpu.memory_space<vmem_shared>>
      tpu.enqueue_dma source(%arg9 : memref<128x128xf32, #tpu.memory_space<vmem>>) target(%dma_start3A_44 : memref<128x128xf32, #tpu.memory_space<vmem_shared>>) target_semaphore(%run_scoped3A : memref<!tpu.dma_semaphore, #tpu.memory_space<semaphore_mem>>)
      %dma_wait3A = arith.constant 0 : i32
      %dma_wait3A_45 = tpu.memref_slice %arg10[%add3A_26, %dma_wait3A] : memref<10240x128xf32, #tpu.memory_space<vmem_shared>> -> memref<128x128xf32, #tpu.memory_space<vmem_shared>>
      %dma_wait3A_46 = arith.constant 0 : i32
      %dma_wait3A_47 = tpu.memref_slice %arg10[%add3A_26, %dma_wait3A_46] : memref<10240x128xf32, #tpu.memory_space<vmem_shared>> -> memref<128x128xf32, #tpu.memory_space<vmem_shared>>
      tpu.wait_dma2 semaphore(%run_scoped3A : memref<!tpu.dma_semaphore, #tpu.memory_space<semaphore_mem>>) src(%arg9 : memref<128x128xf32, #tpu.memory_space<vmem>>) dst(%dma_wait3A_47 : memref<128x128xf32, #tpu.memory_space<vmem_shared>>)
      tpu.yield
    }) : () -> ()
    %mul3A_27 = arith.constant 640 : i32
    %mul3A_28 = arith.muli %arg1, %mul3A_27 : i32
    %add3A_29 = arith.constant 512 : i32
    %add3A_30 = arith.addi %mul3A_28, %add3A_29 : i32
    "tpu.region"() ({
      %run_scoped3A = tpu.sem_alloc : memref<!tpu.dma_semaphore, #tpu.memory_space<semaphore_mem>>
      %dma_start3A = arith.constant 0 : i32
      %dma_start3A_42 = tpu.memref_slice %arg10[%add3A_30, %dma_start3A] : memref<10240x128xf32, #tpu.memory_space<vmem_shared>> -> memref<128x128xf32, #tpu.memory_space<vmem_shared>>
      %dma_start3A_43 = arith.constant 0 : i32
      %dma_start3A_44 = tpu.memref_slice %arg10[%add3A_30, %dma_start3A_43] : memref<10240x128xf32, #tpu.memory_space<vmem_shared>> -> memref<128x128xf32, #tpu.memory_space<vmem_shared>>
      tpu.enqueue_dma source(%arg9 : memref<128x128xf32, #tpu.memory_space<vmem>>) target(%dma_start3A_44 : memref<128x128xf32, #tpu.memory_space<vmem_shared>>) target_semaphore(%run_scoped3A : memref<!tpu.dma_semaphore, #tpu.memory_space<semaphore_mem>>)
      %dma_wait3A = arith.constant 0 : i32
      %dma_wait3A_45 = tpu.memref_slice %arg10[%add3A_30, %dma_wait3A] : memref<10240x128xf32, #tpu.memory_space<vmem_shared>> -> memref<128x128xf32, #tpu.memory_space<vmem_shared>>
      %dma_wait3A_46 = arith.constant 0 : i32
      %dma_wait3A_47 = tpu.memref_slice %arg10[%add3A_30, %dma_wait3A_46] : memref<10240x128xf32, #tpu.memory_space<vmem_shared>> -> memref<128x128xf32, #tpu.memory_space<vmem_shared>>
      tpu.wait_dma2 semaphore(%run_scoped3A : memref<!tpu.dma_semaphore, #tpu.memory_space<semaphore_mem>>) src(%arg9 : memref<128x128xf32, #tpu.memory_space<vmem>>) dst(%dma_wait3A_47 : memref<128x128xf32, #tpu.memory_space<vmem_shared>>)
      tpu.yield
    }) : () -> ()
    %barrier3A = arith.constant 0 : index
    tpu.barrier barrier_id(%barrier3A)
    %scan3A_31 = arith.constant 0 : i32
    %scan3A_32 = arith.constant 0 : i32
    %scan3A_33 = arith.constant 80 : i32
    %scan3A_34 = arith.addi %scan3A_32, %scan3A_33 : i32
    %scan3A_35 = arith.constant 1 : i32
    scf.for %scan3A_42 = %scan3A_32 to %scan3A_34 step %scan3A_35  : i32 {
      %get3A = arith.index_cast %scan3A_42 : i32 to index
      %get3A_43 = arith.constant 0 : index
      %get3A_44 = tpu.vector_load %arg7[%get3A, %get3A_43] {strides = array<i32>} : memref<80x128xi32, #tpu.memory_space<vmem>>, vector<16xi32>,
      %swap3A = arith.constant 0 : index
      %swap3A_45 = tpu.vector_load %arg8[%swap3A] {strides = array<i32>} : memref<128xi32, #tpu.memory_space<vmem>>, vector<16xi32>,
      tpu.vector_store %arg8[%swap3A], %get3A_44 {strides = array<i32>} : memref<128xi32, #tpu.memory_space<vmem>>, vector<16xi32>,
      %get3A_46 = arith.index_cast %scan3A_42 : i32 to index
      %get3A_47 = arith.constant 16 : index
      %get3A_48 = tpu.vector_load %arg7[%get3A_46, %get3A_47] {strides = array<i32>} : memref<80x128xi32, #tpu.memory_space<vmem>>, vector<16xi32>,
      %swap3A_49 = arith.constant 16 : index
      %swap3A_50 = tpu.vector_load %arg8[%swap3A_49] {strides = array<i32>} : memref<128xi32, #tpu.memory_space<vmem>>, vector<16xi32>,
      tpu.vector_store %arg8[%swap3A_49], %get3A_48 {strides = array<i32>} : memref<128xi32, #tpu.memory_space<vmem>>, vector<16xi32>,
      %get3A_51 = arith.index_cast %scan3A_42 : i32 to index
      %get3A_52 = arith.constant 32 : index
      %get3A_53 = tpu.vector_load %arg7[%get3A_51, %get3A_52] {strides = array<i32>} : memref<80x128xi32, #tpu.memory_space<vmem>>, vector<16xi32>,
      %swap3A_54 = arith.constant 32 : index
      %swap3A_55 = tpu.vector_load %arg8[%swap3A_54] {strides = array<i32>} : memref<128xi32, #tpu.memory_space<vmem>>, vector<16xi32>,
      tpu.vector_store %arg8[%swap3A_54], %get3A_53 {strides = array<i32>} : memref<128xi32, #tpu.memory_space<vmem>>, vector<16xi32>,
      %get3A_56 = arith.index_cast %scan3A_42 : i32 to index
      %get3A_57 = arith.constant 48 : index
      %get3A_58 = tpu.vector_load %arg7[%get3A_56, %get3A_57] {strides = array<i32>} : memref<80x128xi32, #tpu.memory_space<vmem>>, vector<16xi32>,
      %swap3A_59 = arith.constant 48 : index
      %swap3A_60 = tpu.vector_load %arg8[%swap3A_59] {strides = array<i32>} : memref<128xi32, #tpu.memory_space<vmem>>, vector<16xi32>,
      tpu.vector_store %arg8[%swap3A_59], %get3A_58 {strides = array<i32>} : memref<128xi32, #tpu.memory_space<vmem>>, vector<16xi32>,
      %get3A_61 = arith.index_cast %scan3A_42 : i32 to index
      %get3A_62 = arith.constant 64 : index
      %get3A_63 = tpu.vector_load %arg7[%get3A_61, %get3A_62] {strides = array<i32>} : memref<80x128xi32, #tpu.memory_space<vmem>>, vector<16xi32>,
      %swap3A_64 = arith.constant 64 : index
      %swap3A_65 = tpu.vector_load %arg8[%swap3A_64] {strides = array<i32>} : memref<128xi32, #tpu.memory_space<vmem>>, vector<16xi32>,
      tpu.vector_store %arg8[%swap3A_64], %get3A_63 {strides = array<i32>} : memref<128xi32, #tpu.memory_space<vmem>>, vector<16xi32>,
      %get3A_66 = arith.index_cast %scan3A_42 : i32 to index
      %get3A_67 = arith.constant 80 : index
      %get3A_68 = tpu.vector_load %arg7[%get3A_66, %get3A_67] {strides = array<i32>} : memref<80x128xi32, #tpu.memory_space<vmem>>, vector<16xi32>,
      %swap3A_69 = arith.constant 80 : index
      %swap3A_70 = tpu.vector_load %arg8[%swap3A_69] {strides = array<i32>} : memref<128xi32, #tpu.memory_space<vmem>>, vector<16xi32>,
      tpu.vector_store %arg8[%swap3A_69], %get3A_68 {strides = array<i32>} : memref<128xi32, #tpu.memory_space<vmem>>, vector<16xi32>,
      %get3A_71 = arith.index_cast %scan3A_42 : i32 to index
      %get3A_72 = arith.constant 96 : index
      %get3A_73 = tpu.vector_load %arg7[%get3A_71, %get3A_72] {strides = array<i32>} : memref<80x128xi32, #tpu.memory_space<vmem>>, vector<16xi32>,
      %swap3A_74 = arith.constant 96 : index
      %swap3A_75 = tpu.vector_load %arg8[%swap3A_74] {strides = array<i32>} : memref<128xi32, #tpu.memory_space<vmem>>, vector<16xi32>,
      tpu.vector_store %arg8[%swap3A_74], %get3A_73 {strides = array<i32>} : memref<128xi32, #tpu.memory_space<vmem>>, vector<16xi32>,
      %get3A_76 = arith.index_cast %scan3A_42 : i32 to index
      %get3A_77 = arith.constant 112 : index
      %get3A_78 = tpu.vector_load %arg7[%get3A_76, %get3A_77] {strides = array<i32>} : memref<80x128xi32, #tpu.memory_space<vmem>>, vector<16xi32>,
      %swap3A_79 = arith.constant 112 : index
      %swap3A_80 = tpu.vector_load %arg8[%swap3A_79] {strides = array<i32>} : memref<128xi32, #tpu.memory_space<vmem>>, vector<16xi32>,
      tpu.vector_store %arg8[%swap3A_79], %get3A_78 {strides = array<i32>} : memref<128xi32, #tpu.memory_space<vmem>>, vector<16xi32>,
      "tpu.region"() ({
        %run_scoped3A = tpu.sem_alloc : memref<!tpu.dma_semaphore, #tpu.memory_space<semaphore_mem>>
        %dma_start3A = arith.constant 0 : i32
        %dma_start3A_81 = tpu.memref_slice %arg6[%scan3A_42, %dma_start3A] : memref<80x128xi32, #tpu.memory_space<vmem>> -> memref<1x128xi32, #tpu.memory_space<vmem>>
        %dma_start3A_82 = tpu.memref_squeeze %dma_start3A_81 : memref<1x128xi32, #tpu.memory_space<vmem>> -> memref<128xi32, #tpu.memory_space<vmem>>
        %dma_start3A_83 = arith.constant 0 : i32
        %dma_start3A_84 = arith.constant 0 : i32
        %dma_start3A_85 = tpu.memref_slice %arg2[%dma_start3A_83, %dma_start3A_84] : memref<10240x128xf32, #tpu.memory_space<hbm>> -> memref<10240x128xf32, #tpu.memory_space<hbm>>
        tpu.enqueue_indirect_dma source(%dma_start3A_85 : memref<10240x128xf32, #tpu.memory_space<hbm>>) target(%arg9 : memref<128x128xf32, #tpu.memory_space<vmem>>) offsets(%dma_start3A_82 : memref<128xi32, #tpu.memory_space<vmem>>) semaphore(%run_scoped3A : memref<!tpu.dma_semaphore, #tpu.memory_space<semaphore_mem>>)
        %dma_wait3A = arith.constant 0 : i32
        %dma_wait3A_86 = tpu.memref_slice %arg6[%scan3A_42, %dma_wait3A] : memref<80x128xi32, #tpu.memory_space<vmem>> -> memref<1x128xi32, #tpu.memory_space<vmem>>
        %dma_wait3A_87 = tpu.memref_squeeze %dma_wait3A_86 : memref<1x128xi32, #tpu.memory_space<vmem>> -> memref<128xi32, #tpu.memory_space<vmem>>
        %dma_wait3A_88 = arith.constant 0 : i32
        %dma_wait3A_89 = arith.constant 0 : i32
        %dma_wait3A_90 = tpu.memref_slice %arg2[%dma_wait3A_88, %dma_wait3A_89] : memref<10240x128xf32, #tpu.memory_space<hbm>> -> memref<10240x128xf32, #tpu.memory_space<hbm>>
        tpu.wait_indirect_dma semaphore(%run_scoped3A : memref<!tpu.dma_semaphore, #tpu.memory_space<semaphore_mem>>) src(%dma_wait3A_90 : memref<10240x128xf32, #tpu.memory_space<hbm>>) dst(%arg9 : memref<128x128xf32, #tpu.memory_space<vmem>>)
        tpu.yield
      }) : () -> ()
      "tpu.region"() ({
        %run_scoped3A = tpu.sem_alloc : memref<!tpu.dma_semaphore, #tpu.memory_space<semaphore_mem>>
        %dma_start3A = arith.constant 0 : i32
        %dma_start3A_81 = arith.constant 0 : i32
        %dma_start3A_82 = tpu.memref_slice %arg10[%dma_start3A, %dma_start3A_81] : memref<10240x128xf32, #tpu.memory_space<vmem_shared>> -> memref<10240x128xf32, #tpu.memory_space<vmem_shared>>
        tpu.enqueue_indirect_dma source(%arg9 : memref<128x128xf32, #tpu.memory_space<vmem>>) target(%dma_start3A_82 : memref<10240x128xf32, #tpu.memory_space<vmem_shared>>) offsets(%arg8 : memref<128xi32, #tpu.memory_space<vmem>>) semaphore(%run_scoped3A : memref<!tpu.dma_semaphore, #tpu.memory_space<semaphore_mem>>) {add = true}
        %dma_wait3A = arith.constant 0 : i32
        %dma_wait3A_83 = arith.constant 0 : i32
        %dma_wait3A_84 = tpu.memref_slice %arg10[%dma_wait3A, %dma_wait3A_83] : memref<10240x128xf32, #tpu.memory_space<vmem_shared>> -> memref<10240x128xf32, #tpu.memory_space<vmem_shared>>
        tpu.wait_indirect_dma semaphore(%run_scoped3A : memref<!tpu.dma_semaphore, #tpu.memory_space<semaphore_mem>>) src(%arg9 : memref<128x128xf32, #tpu.memory_space<vmem>>) dst(%dma_wait3A_84 : memref<10240x128xf32, #tpu.memory_space<vmem_shared>>)
        tpu.yield
      }) : () -> ()
    }
    %scan3A_36 = arith.constant 80 : i32
    %barrier3A_37 = arith.constant 0 : index
    tpu.barrier barrier_id(%barrier3A_37)
    %mul3A_38 = arith.constant 640 : i32
    %mul3A_39 = arith.muli %arg1, %mul3A_38 : i32
    %mul3A_40 = arith.constant 640 : i32
    %mul3A_41 = arith.muli %arg1, %mul3A_40 : i32
    "tpu.region"() ({
      %run_scoped3A = tpu.sem_alloc : memref<!tpu.dma_semaphore, #tpu.memory_space<semaphore_mem>>
      %dma_start3A = arith.constant 0 : i32
      %dma_start3A_42 = tpu.memref_slice %arg5[%arg0, %mul3A_41, %dma_start3A] : memref<2x10240x128xf32, #tpu.memory_space<hbm>> -> memref<1x640x128xf32, #tpu.memory_space<hbm>>
      %dma_start3A_43 = tpu.memref_squeeze %dma_start3A_42 : memref<1x640x128xf32, #tpu.memory_space<hbm>> -> memref<640x128xf32, #tpu.memory_space<hbm>>
      %dma_start3A_44 = arith.constant 0 : i32
      %dma_start3A_45 = tpu.memref_slice %arg10[%mul3A_39, %dma_start3A_44] : memref<10240x128xf32, #tpu.memory_space<vmem_shared>> -> memref<640x128xf32, #tpu.memory_space<vmem_shared>>
      tpu.enqueue_dma source(%dma_start3A_45 : memref<640x128xf32, #tpu.memory_space<vmem_shared>>) target(%dma_start3A_43 : memref<640x128xf32, #tpu.memory_space<hbm>>) target_semaphore(%run_scoped3A : memref<!tpu.dma_semaphore, #tpu.memory_space<semaphore_mem>>)
      %dma_wait3A = arith.constant 0 : i32
      %dma_wait3A_46 = tpu.memref_slice %arg5[%arg0, %mul3A_41, %dma_wait3A] : memref<2x10240x128xf32, #tpu.memory_space<hbm>> -> memref<1x640x128xf32, #tpu.memory_space<hbm>>
      %dma_wait3A_47 = tpu.memref_squeeze %dma_wait3A_46 : memref<1x640x128xf32, #tpu.memory_space<hbm>> -> memref<640x128xf32, #tpu.memory_space<hbm>>
      %dma_wait3A_48 = arith.constant 0 : i32
      %dma_wait3A_49 = tpu.memref_slice %arg10[%mul3A_39, %dma_wait3A_48] : memref<10240x128xf32, #tpu.memory_space<vmem_shared>> -> memref<640x128xf32, #tpu.memory_space<vmem_shared>>
      tpu.wait_dma2 semaphore(%run_scoped3A : memref<!tpu.dma_semaphore, #tpu.memory_space<semaphore_mem>>) src(%dma_wait3A_49 : memref<640x128xf32, #tpu.memory_space<vmem_shared>>) dst(%dma_wait3A_47 : memref<640x128xf32, #tpu.memory_space<hbm>>)
      tpu.yield
    }) : () -> ()
    return
  }
}

#map = affine_map<(d0, d1) -> (0, 0)>
#map1 = affine_map<(d0, d1) -> (0, 0, 0)>
module attributes {stable_mosaic.version = 14 : i64} {
  func.func @_agg_body(%arg0: i32, %arg1: i32, %arg2: memref<10240x128xf32, #tpu.memory_space<hbm>>, %arg3: memref<2560x128xi32, #tpu.memory_space<hbm>>, %arg4: memref<2560x128xi32, #tpu.memory_space<hbm>>, %arg5: memref<2x10240x128xf32, #tpu.memory_space<hbm>>, %arg6: memref<80x128xi32, #tpu.memory_space<vmem>>, %arg7: memref<80x128xi32, #tpu.memory_space<vmem>>, %arg8: memref<128xi32, #tpu.memory_space<vmem>>, %arg9: memref<128x128xf32, #tpu.memory_space<vmem>>, %arg10: memref<10240x128xf32, #tpu.memory_space<vmem_shared>>) attributes {dimension_semantics = [#tpu.dimension_semantics<core_parallel>, #tpu.dimension_semantics<subcore_parallel>], iteration_bounds = array<i64: 2, 16>, scalar_prefetch = 0 : i64, scratch_operands = 5 : i64, tpu.core_type = #tpu.core_type<sc_vector_subcore>, window_params = [{transform_indices = #map}, {transform_indices = #map}, {transform_indices = #map}, {transform_indices = #map1}]} {
    %mul3A = arith.constant 2 : i32
    %mul3A_0 = arith.muli %arg1, %mul3A : i32
    %add3A = arith.addi %mul3A_0, %arg0 : i32
    %mul3A_1 = arith.constant 80 : i32
    %mul3A_2 = arith.muli %add3A, %mul3A_1 : i32
    "tpu.region"() ({
      %run_scoped3A = tpu.sem_alloc : memref<!tpu.dma_semaphore, #tpu.memory_space<semaphore_mem>>
      %dma_start3A = arith.constant 0 : i32
      %dma_start3A_42 = tpu.memref_slice %arg3[%mul3A_2, %dma_start3A] : memref<2560x128xi32, #tpu.memory_space<hbm>> -> memref<80x128xi32, #tpu.memory_space<hbm>>
      %dma_start3A_43 = arith.constant 0 : i32
      %dma_start3A_44 = tpu.memref_slice %arg3[%mul3A_2, %dma_start3A_43] : memref<2560x128xi32, #tpu.memory_space<hbm>> -> memref<80x128xi32, #tpu.memory_space<hbm>>
      tpu.enqueue_dma source(%dma_start3A_44 : memref<80x128xi32, #tpu.memory_space<hbm>>) target(%arg6 : memref<80x128xi32, #tpu.memory_space<vmem>>) target_semaphore(%run_scoped3A : memref<!tpu.dma_semaphore, #tpu.memory_space<semaphore_mem>>)
      %dma_wait3A = arith.constant 0 : i32
      %dma_wait3A_45 = tpu.memref_slice %arg3[%mul3A_2, %dma_wait3A] : memref<2560x128xi32, #tpu.memory_space<hbm>> -> memref<80x128xi32, #tpu.memory_space<hbm>>
      %dma_wait3A_46 = arith.constant 0 : i32
      %dma_wait3A_47 = tpu.memref_slice %arg3[%mul3A_2, %dma_wait3A_46] : memref<2560x128xi32, #tpu.memory_space<hbm>> -> memref<80x128xi32, #tpu.memory_space<hbm>>
      tpu.wait_dma2 semaphore(%run_scoped3A : memref<!tpu.dma_semaphore, #tpu.memory_space<semaphore_mem>>) src(%dma_wait3A_47 : memref<80x128xi32, #tpu.memory_space<hbm>>) dst(%arg6 : memref<80x128xi32, #tpu.memory_space<vmem>>)
      tpu.yield
    }) : () -> ()
    %mul3A_3 = arith.constant 80 : i32
    %mul3A_4 = arith.muli %add3A, %mul3A_3 : i32
    "tpu.region"() ({
      %run_scoped3A = tpu.sem_alloc : memref<!tpu.dma_semaphore, #tpu.memory_space<semaphore_mem>>
      %dma_start3A = arith.constant 0 : i32
      %dma_start3A_42 = tpu.memref_slice %arg4[%mul3A_4, %dma_start3A] : memref<2560x128xi32, #tpu.memory_space<hbm>> -> memref<80x128xi32, #tpu.memory_space<hbm>>
      %dma_start3A_43 = arith.constant 0 : i32
      %dma_start3A_44 = tpu.memref_slice %arg4[%mul3A_4, %dma_start3A_43] : memref<2560x128xi32, #tpu.memory_space<hbm>> -> memref<80x128xi32, #tpu.memory_space<hbm>>
      tpu.enqueue_dma source(%dma_start3A_44 : memref<80x128xi32, #tpu.memory_space<hbm>>) target(%arg7 : memref<80x128xi32, #tpu.memory_space<vmem>>) target_semaphore(%run_scoped3A : memref<!tpu.dma_semaphore, #tpu.memory_space<semaphore_mem>>)
      %dma_wait3A = arith.constant 0 : i32
      %dma_wait3A_45 = tpu.memref_slice %arg4[%mul3A_4, %dma_wait3A] : memref<2560x128xi32, #tpu.memory_space<hbm>> -> memref<80x128xi32, #tpu.memory_space<hbm>>
      %dma_wait3A_46 = arith.constant 0 : i32
      %dma_wait3A_47 = tpu.memref_slice %arg4[%mul3A_4, %dma_wait3A_46] : memref<2560x128xi32, #tpu.memory_space<hbm>> -> memref<80x128xi32, #tpu.memory_space<hbm>>
      tpu.wait_dma2 semaphore(%run_scoped3A : memref<!tpu.dma_semaphore, #tpu.memory_space<semaphore_mem>>) src(%dma_wait3A_47 : memref<80x128xi32, #tpu.memory_space<hbm>>) dst(%arg7 : memref<80x128xi32, #tpu.memory_space<vmem>>)
      tpu.yield
    }) : () -> ()
    %broadcast_in_dim3A = arith.constant 0.000000e+00 : f32
    %broadcast_in_dim3A_5 = vector.broadcast %broadcast_in_dim3A : f32 to vector<16xf32>
    %scan3A = arith.constant 0 : i32
    %scan3A_6 = arith.constant 0 : i32
    %scan3A_7 = arith.constant 1024 : i32
    %scan3A_8 = arith.addi %scan3A_6, %scan3A_7 : i32
    %scan3A_9 = arith.constant 1 : i32
    scf.for %scan3A_42 = %scan3A_6 to %scan3A_8 step %scan3A_9  : i32 {
      %jit3A = arith.constant 8 : i32
      %div3A = arith.divsi %scan3A_42, %jit3A : i32
      %sign3A = arith.constant 0 : i32
      %sign3A_43 = arith.cmpi sgt, %scan3A_42, %sign3A : i32
      %sign3A_44 = arith.extui %sign3A_43 : i1 to i32
      %sign3A_45 = arith.constant 0 : i32
      %sign3A_46 = arith.cmpi slt, %scan3A_42, %sign3A_45 : i32
      %sign3A_47 = arith.extui %sign3A_46 : i1 to i32
      %sign3A_48 = arith.subi %sign3A_44, %sign3A_47 : i32
      %sign3A_49 = arith.constant 0 : i32
      %sign3A_50 = arith.cmpi sgt, %jit3A, %sign3A_49 : i32
      %sign3A_51 = arith.extui %sign3A_50 : i1 to i32
      %sign3A_52 = arith.constant 0 : i32
      %sign3A_53 = arith.cmpi slt, %jit3A, %sign3A_52 : i32
      %sign3A_54 = arith.extui %sign3A_53 : i1 to i32
      %sign3A_55 = arith.subi %sign3A_51, %sign3A_54 : i32
      %ne3A = arith.cmpi ne, %sign3A_48, %sign3A_55 : i32
      %rem3A = arith.remsi %scan3A_42, %jit3A : i32
      %ne3A_56 = arith.constant 0 : i32
      %ne3A_57 = arith.cmpi ne, %rem3A, %ne3A_56 : i32
      %and3A = arith.andi %ne3A, %ne3A_57 : i1
      %sub3A = arith.constant 1 : i32
      %sub3A_58 = arith.subi %div3A, %sub3A : i32
      %select_n3A = arith.select %and3A, %sub3A_58, %div3A : i32
      %jit3A_59 = arith.constant 8 : i32
      %eq3A = arith.constant 0 : i32
      %eq3A_60 = arith.cmpi eq, %jit3A_59, %eq3A : i32
      %jit3A_61 = arith.constant 1 : i32
      %select_n3A_62 = arith.select %eq3A_60, %jit3A_61, %jit3A_59 : i32
      %rem3A_63 = arith.remsi %scan3A_42, %select_n3A_62 : i32
      %ne3A_64 = arith.constant 0 : i32
      %ne3A_65 = arith.cmpi ne, %rem3A_63, %ne3A_64 : i32
      %lt3A = arith.constant 0 : i32
      %lt3A_66 = arith.cmpi slt, %rem3A_63, %lt3A : i32
      %lt3A_67 = arith.constant 0 : i32
      %lt3A_68 = arith.cmpi slt, %select_n3A_62, %lt3A_67 : i32
      %ne3A_69 = arith.xori %lt3A_66, %lt3A_68 : i1
      %and3A_70 = arith.andi %ne3A_69, %ne3A_65 : i1
      %add3A_71 = arith.addi %rem3A_63, %select_n3A_62 : i32
      %select_n3A_72 = arith.select %and3A_70, %add3A_71, %rem3A_63 : i32
      %mul3A_73 = arith.constant 16 : i32
      %mul3A_74 = arith.muli %select_n3A_72, %mul3A_73 : i32
      %swap3A = arith.index_cast %select_n3A : i32 to index
      %swap3A_75 = arith.index_cast %mul3A_74 : i32 to index
      %swap3A_76 = tpu.vector_load %arg9[%swap3A, %swap3A_75] {strides = array<i32>} : memref<128x128xf32, #tpu.memory_space<vmem>>, vector<16xf32>,
      tpu.vector_store %arg9[%swap3A, %swap3A_75], %broadcast_in_dim3A_5 {strides = array<i32>} : memref<128x128xf32, #tpu.memory_space<vmem>>, vector<16xf32>,
    }
    %scan3A_10 = arith.constant 1024 : i32
    %mul3A_11 = arith.constant 640 : i32
    %mul3A_12 = arith.muli %arg1, %mul3A_11 : i32
    %add3A_13 = arith.constant 0 : i32
    %add3A_14 = arith.addi %mul3A_12, %add3A_13 : i32
    "tpu.region"() ({
      %run_scoped3A = tpu.sem_alloc : memref<!tpu.dma_semaphore, #tpu.memory_space<semaphore_mem>>
      %dma_start3A = arith.constant 0 : i32
      %dma_start3A_42 = tpu.memref_slice %arg10[%add3A_14, %dma_start3A] : memref<10240x128xf32, #tpu.memory_space<vmem_shared>> -> memref<128x128xf32, #tpu.memory_space<vmem_shared>>
      %dma_start3A_43 = arith.constant 0 : i32
      %dma_start3A_44 = tpu.memref_slice %arg10[%add3A_14, %dma_start3A_43] : memref<10240x128xf32, #tpu.memory_space<vmem_shared>> -> memref<128x128xf32, #tpu.memory_space<vmem_shared>>
      tpu.enqueue_dma source(%arg9 : memref<128x128xf32, #tpu.memory_space<vmem>>) target(%dma_start3A_44 : memref<128x128xf32, #tpu.memory_space<vmem_shared>>) target_semaphore(%run_scoped3A : memref<!tpu.dma_semaphore, #tpu.memory_space<semaphore_mem>>)
      %dma_wait3A = arith.constant 0 : i32
      %dma_wait3A_45 = tpu.memref_slice %arg10[%add3A_14, %dma_wait3A] : memref<10240x128xf32, #tpu.memory_space<vmem_shared>> -> memref<128x128xf32, #tpu.memory_space<vmem_shared>>
      %dma_wait3A_46 = arith.constant 0 : i32
      %dma_wait3A_47 = tpu.memref_slice %arg10[%add3A_14, %dma_wait3A_46] : memref<10240x128xf32, #tpu.memory_space<vmem_shared>> -> memref<128x128xf32, #tpu.memory_space<vmem_shared>>
      tpu.wait_dma2 semaphore(%run_scoped3A : memref<!tpu.dma_semaphore, #tpu.memory_space<semaphore_mem>>) src(%arg9 : memref<128x128xf32, #tpu.memory_space<vmem>>) dst(%dma_wait3A_47 : memref<128x128xf32, #tpu.memory_space<vmem_shared>>)
      tpu.yield
    }) : () -> ()
    %mul3A_15 = arith.constant 640 : i32
    %mul3A_16 = arith.muli %arg1, %mul3A_15 : i32
    %add3A_17 = arith.constant 128 : i32
    %add3A_18 = arith.addi %mul3A_16, %add3A_17 : i32
    "tpu.region"() ({
      %run_scoped3A = tpu.sem_alloc : memref<!tpu.dma_semaphore, #tpu.memory_space<semaphore_mem>>
      %dma_start3A = arith.constant 0 : i32
      %dma_start3A_42 = tpu.memref_slice %arg10[%add3A_18, %dma_start3A] : memref<10240x128xf32, #tpu.memory_space<vmem_shared>> -> memref<128x128xf32, #tpu.memory_space<vmem_shared>>
      %dma_start3A_43 = arith.constant 0 : i32
      %dma_start3A_44 = tpu.memref_slice %arg10[%add3A_18, %dma_start3A_43] : memref<10240x128xf32, #tpu.memory_space<vmem_shared>> -> memref<128x128xf32, #tpu.memory_space<vmem_shared>>
      tpu.enqueue_dma source(%arg9 : memref<128x128xf32, #tpu.memory_space<vmem>>) target(%dma_start3A_44 : memref<128x128xf32, #tpu.memory_space<vmem_shared>>) target_semaphore(%run_scoped3A : memref<!tpu.dma_semaphore, #tpu.memory_space<semaphore_mem>>)
      %dma_wait3A = arith.constant 0 : i32
      %dma_wait3A_45 = tpu.memref_slice %arg10[%add3A_18, %dma_wait3A] : memref<10240x128xf32, #tpu.memory_space<vmem_shared>> -> memref<128x128xf32, #tpu.memory_space<vmem_shared>>
      %dma_wait3A_46 = arith.constant 0 : i32
      %dma_wait3A_47 = tpu.memref_slice %arg10[%add3A_18, %dma_wait3A_46] : memref<10240x128xf32, #tpu.memory_space<vmem_shared>> -> memref<128x128xf32, #tpu.memory_space<vmem_shared>>
      tpu.wait_dma2 semaphore(%run_scoped3A : memref<!tpu.dma_semaphore, #tpu.memory_space<semaphore_mem>>) src(%arg9 : memref<128x128xf32, #tpu.memory_space<vmem>>) dst(%dma_wait3A_47 : memref<128x128xf32, #tpu.memory_space<vmem_shared>>)
      tpu.yield
    }) : () -> ()
    %mul3A_19 = arith.constant 640 : i32
    %mul3A_20 = arith.muli %arg1, %mul3A_19 : i32
    %add3A_21 = arith.constant 256 : i32
    %add3A_22 = arith.addi %mul3A_20, %add3A_21 : i32
    "tpu.region"() ({
      %run_scoped3A = tpu.sem_alloc : memref<!tpu.dma_semaphore, #tpu.memory_space<semaphore_mem>>
      %dma_start3A = arith.constant 0 : i32
      %dma_start3A_42 = tpu.memref_slice %arg10[%add3A_22, %dma_start3A] : memref<10240x128xf32, #tpu.memory_space<vmem_shared>> -> memref<128x128xf32, #tpu.memory_space<vmem_shared>>
      %dma_start3A_43 = arith.constant 0 : i32
      %dma_start3A_44 = tpu.memref_slice %arg10[%add3A_22, %dma_start3A_43] : memref<10240x128xf32, #tpu.memory_space<vmem_shared>> -> memref<128x128xf32, #tpu.memory_space<vmem_shared>>
      tpu.enqueue_dma source(%arg9 : memref<128x128xf32, #tpu.memory_space<vmem>>) target(%dma_start3A_44 : memref<128x128xf32, #tpu.memory_space<vmem_shared>>) target_semaphore(%run_scoped3A : memref<!tpu.dma_semaphore, #tpu.memory_space<semaphore_mem>>)
      %dma_wait3A = arith.constant 0 : i32
      %dma_wait3A_45 = tpu.memref_slice %arg10[%add3A_22, %dma_wait3A] : memref<10240x128xf32, #tpu.memory_space<vmem_shared>> -> memref<128x128xf32, #tpu.memory_space<vmem_shared>>
      %dma_wait3A_46 = arith.constant 0 : i32
      %dma_wait3A_47 = tpu.memref_slice %arg10[%add3A_22, %dma_wait3A_46] : memref<10240x128xf32, #tpu.memory_space<vmem_shared>> -> memref<128x128xf32, #tpu.memory_space<vmem_shared>>
      tpu.wait_dma2 semaphore(%run_scoped3A : memref<!tpu.dma_semaphore, #tpu.memory_space<semaphore_mem>>) src(%arg9 : memref<128x128xf32, #tpu.memory_space<vmem>>) dst(%dma_wait3A_47 : memref<128x128xf32, #tpu.memory_space<vmem_shared>>)
      tpu.yield
    }) : () -> ()
    %mul3A_23 = arith.constant 640 : i32
    %mul3A_24 = arith.muli %arg1, %mul3A_23 : i32
    %add3A_25 = arith.constant 384 : i32
    %add3A_26 = arith.addi %mul3A_24, %add3A_25 : i32
    "tpu.region"() ({
      %run_scoped3A = tpu.sem_alloc : memref<!tpu.dma_semaphore, #tpu.memory_space<semaphore_mem>>
      %dma_start3A = arith.constant 0 : i32
      %dma_start3A_42 = tpu.memref_slice %arg10[%add3A_26, %dma_start3A] : memref<10240x128xf32, #tpu.memory_space<vmem_shared>> -> memref<128x128xf32, #tpu.memory_space<vmem_shared>>
      %dma_start3A_43 = arith.constant 0 : i32
      %dma_start3A_44 = tpu.memref_slice %arg10[%add3A_26, %dma_start3A_43] : memref<10240x128xf32, #tpu.memory_space<vmem_shared>> -> memref<128x128xf32, #tpu.memory_space<vmem_shared>>
      tpu.enqueue_dma source(%arg9 : memref<128x128xf32, #tpu.memory_space<vmem>>) target(%dma_start3A_44 : memref<128x128xf32, #tpu.memory_space<vmem_shared>>) target_semaphore(%run_scoped3A : memref<!tpu.dma_semaphore, #tpu.memory_space<semaphore_mem>>)
      %dma_wait3A = arith.constant 0 : i32
      %dma_wait3A_45 = tpu.memref_slice %arg10[%add3A_26, %dma_wait3A] : memref<10240x128xf32, #tpu.memory_space<vmem_shared>> -> memref<128x128xf32, #tpu.memory_space<vmem_shared>>
      %dma_wait3A_46 = arith.constant 0 : i32
      %dma_wait3A_47 = tpu.memref_slice %arg10[%add3A_26, %dma_wait3A_46] : memref<10240x128xf32, #tpu.memory_space<vmem_shared>> -> memref<128x128xf32, #tpu.memory_space<vmem_shared>>
      tpu.wait_dma2 semaphore(%run_scoped3A : memref<!tpu.dma_semaphore, #tpu.memory_space<semaphore_mem>>) src(%arg9 : memref<128x128xf32, #tpu.memory_space<vmem>>) dst(%dma_wait3A_47 : memref<128x128xf32, #tpu.memory_space<vmem_shared>>)
      tpu.yield
    }) : () -> ()
    %mul3A_27 = arith.constant 640 : i32
    %mul3A_28 = arith.muli %arg1, %mul3A_27 : i32
    %add3A_29 = arith.constant 512 : i32
    %add3A_30 = arith.addi %mul3A_28, %add3A_29 : i32
    "tpu.region"() ({
      %run_scoped3A = tpu.sem_alloc : memref<!tpu.dma_semaphore, #tpu.memory_space<semaphore_mem>>
      %dma_start3A = arith.constant 0 : i32
      %dma_start3A_42 = tpu.memref_slice %arg10[%add3A_30, %dma_start3A] : memref<10240x128xf32, #tpu.memory_space<vmem_shared>> -> memref<128x128xf32, #tpu.memory_space<vmem_shared>>
      %dma_start3A_43 = arith.constant 0 : i32
      %dma_start3A_44 = tpu.memref_slice %arg10[%add3A_30, %dma_start3A_43] : memref<10240x128xf32, #tpu.memory_space<vmem_shared>> -> memref<128x128xf32, #tpu.memory_space<vmem_shared>>
      tpu.enqueue_dma source(%arg9 : memref<128x128xf32, #tpu.memory_space<vmem>>) target(%dma_start3A_44 : memref<128x128xf32, #tpu.memory_space<vmem_shared>>) target_semaphore(%run_scoped3A : memref<!tpu.dma_semaphore, #tpu.memory_space<semaphore_mem>>)
      %dma_wait3A = arith.constant 0 : i32
      %dma_wait3A_45 = tpu.memref_slice %arg10[%add3A_30, %dma_wait3A] : memref<10240x128xf32, #tpu.memory_space<vmem_shared>> -> memref<128x128xf32, #tpu.memory_space<vmem_shared>>
      %dma_wait3A_46 = arith.constant 0 : i32
      %dma_wait3A_47 = tpu.memref_slice %arg10[%add3A_30, %dma_wait3A_46] : memref<10240x128xf32, #tpu.memory_space<vmem_shared>> -> memref<128x128xf32, #tpu.memory_space<vmem_shared>>
      tpu.wait_dma2 semaphore(%run_scoped3A : memref<!tpu.dma_semaphore, #tpu.memory_space<semaphore_mem>>) src(%arg9 : memref<128x128xf32, #tpu.memory_space<vmem>>) dst(%dma_wait3A_47 : memref<128x128xf32, #tpu.memory_space<vmem_shared>>)
      tpu.yield
    }) : () -> ()
    %barrier3A = arith.constant 0 : index
    tpu.barrier barrier_id(%barrier3A)
    %scan3A_31 = arith.constant 0 : i32
    %scan3A_32 = arith.constant 0 : i32
    %scan3A_33 = arith.constant 80 : i32
    %scan3A_34 = arith.addi %scan3A_32, %scan3A_33 : i32
    %scan3A_35 = arith.constant 1 : i32
    scf.for %scan3A_42 = %scan3A_32 to %scan3A_34 step %scan3A_35  : i32 {
      %get3A = arith.index_cast %scan3A_42 : i32 to index
      %get3A_43 = arith.constant 0 : index
      %get3A_44 = tpu.vector_load %arg7[%get3A, %get3A_43] {strides = array<i32>} : memref<80x128xi32, #tpu.memory_space<vmem>>, vector<16xi32>,
      %swap3A = arith.constant 0 : index
      %swap3A_45 = tpu.vector_load %arg8[%swap3A] {strides = array<i32>} : memref<128xi32, #tpu.memory_space<vmem>>, vector<16xi32>,
      tpu.vector_store %arg8[%swap3A], %get3A_44 {strides = array<i32>} : memref<128xi32, #tpu.memory_space<vmem>>, vector<16xi32>,
      %get3A_46 = arith.index_cast %scan3A_42 : i32 to index
      %get3A_47 = arith.constant 16 : index
      %get3A_48 = tpu.vector_load %arg7[%get3A_46, %get3A_47] {strides = array<i32>} : memref<80x128xi32, #tpu.memory_space<vmem>>, vector<16xi32>,
      %swap3A_49 = arith.constant 16 : index
      %swap3A_50 = tpu.vector_load %arg8[%swap3A_49] {strides = array<i32>} : memref<128xi32, #tpu.memory_space<vmem>>, vector<16xi32>,
      tpu.vector_store %arg8[%swap3A_49], %get3A_48 {strides = array<i32>} : memref<128xi32, #tpu.memory_space<vmem>>, vector<16xi32>,
      %get3A_51 = arith.index_cast %scan3A_42 : i32 to index
      %get3A_52 = arith.constant 32 : index
      %get3A_53 = tpu.vector_load %arg7[%get3A_51, %get3A_52] {strides = array<i32>} : memref<80x128xi32, #tpu.memory_space<vmem>>, vector<16xi32>,
      %swap3A_54 = arith.constant 32 : index
      %swap3A_55 = tpu.vector_load %arg8[%swap3A_54] {strides = array<i32>} : memref<128xi32, #tpu.memory_space<vmem>>, vector<16xi32>,
      tpu.vector_store %arg8[%swap3A_54], %get3A_53 {strides = array<i32>} : memref<128xi32, #tpu.memory_space<vmem>>, vector<16xi32>,
      %get3A_56 = arith.index_cast %scan3A_42 : i32 to index
      %get3A_57 = arith.constant 48 : index
      %get3A_58 = tpu.vector_load %arg7[%get3A_56, %get3A_57] {strides = array<i32>} : memref<80x128xi32, #tpu.memory_space<vmem>>, vector<16xi32>,
      %swap3A_59 = arith.constant 48 : index
      %swap3A_60 = tpu.vector_load %arg8[%swap3A_59] {strides = array<i32>} : memref<128xi32, #tpu.memory_space<vmem>>, vector<16xi32>,
      tpu.vector_store %arg8[%swap3A_59], %get3A_58 {strides = array<i32>} : memref<128xi32, #tpu.memory_space<vmem>>, vector<16xi32>,
      %get3A_61 = arith.index_cast %scan3A_42 : i32 to index
      %get3A_62 = arith.constant 64 : index
      %get3A_63 = tpu.vector_load %arg7[%get3A_61, %get3A_62] {strides = array<i32>} : memref<80x128xi32, #tpu.memory_space<vmem>>, vector<16xi32>,
      %swap3A_64 = arith.constant 64 : index
      %swap3A_65 = tpu.vector_load %arg8[%swap3A_64] {strides = array<i32>} : memref<128xi32, #tpu.memory_space<vmem>>, vector<16xi32>,
      tpu.vector_store %arg8[%swap3A_64], %get3A_63 {strides = array<i32>} : memref<128xi32, #tpu.memory_space<vmem>>, vector<16xi32>,
      %get3A_66 = arith.index_cast %scan3A_42 : i32 to index
      %get3A_67 = arith.constant 80 : index
      %get3A_68 = tpu.vector_load %arg7[%get3A_66, %get3A_67] {strides = array<i32>} : memref<80x128xi32, #tpu.memory_space<vmem>>, vector<16xi32>,
      %swap3A_69 = arith.constant 80 : index
      %swap3A_70 = tpu.vector_load %arg8[%swap3A_69] {strides = array<i32>} : memref<128xi32, #tpu.memory_space<vmem>>, vector<16xi32>,
      tpu.vector_store %arg8[%swap3A_69], %get3A_68 {strides = array<i32>} : memref<128xi32, #tpu.memory_space<vmem>>, vector<16xi32>,
      %get3A_71 = arith.index_cast %scan3A_42 : i32 to index
      %get3A_72 = arith.constant 96 : index
      %get3A_73 = tpu.vector_load %arg7[%get3A_71, %get3A_72] {strides = array<i32>} : memref<80x128xi32, #tpu.memory_space<vmem>>, vector<16xi32>,
      %swap3A_74 = arith.constant 96 : index
      %swap3A_75 = tpu.vector_load %arg8[%swap3A_74] {strides = array<i32>} : memref<128xi32, #tpu.memory_space<vmem>>, vector<16xi32>,
      tpu.vector_store %arg8[%swap3A_74], %get3A_73 {strides = array<i32>} : memref<128xi32, #tpu.memory_space<vmem>>, vector<16xi32>,
      %get3A_76 = arith.index_cast %scan3A_42 : i32 to index
      %get3A_77 = arith.constant 112 : index
      %get3A_78 = tpu.vector_load %arg7[%get3A_76, %get3A_77] {strides = array<i32>} : memref<80x128xi32, #tpu.memory_space<vmem>>, vector<16xi32>,
      %swap3A_79 = arith.constant 112 : index
      %swap3A_80 = tpu.vector_load %arg8[%swap3A_79] {strides = array<i32>} : memref<128xi32, #tpu.memory_space<vmem>>, vector<16xi32>,
      tpu.vector_store %arg8[%swap3A_79], %get3A_78 {strides = array<i32>} : memref<128xi32, #tpu.memory_space<vmem>>, vector<16xi32>,
      "tpu.region"() ({
        %run_scoped3A = tpu.sem_alloc : memref<!tpu.dma_semaphore, #tpu.memory_space<semaphore_mem>>
        %dma_start3A = arith.constant 0 : i32
        %dma_start3A_81 = tpu.memref_slice %arg6[%scan3A_42, %dma_start3A] : memref<80x128xi32, #tpu.memory_space<vmem>> -> memref<1x128xi32, #tpu.memory_space<vmem>>
        %dma_start3A_82 = tpu.memref_squeeze %dma_start3A_81 : memref<1x128xi32, #tpu.memory_space<vmem>> -> memref<128xi32, #tpu.memory_space<vmem>>
        %dma_start3A_83 = arith.constant 0 : i32
        %dma_start3A_84 = arith.constant 0 : i32
        %dma_start3A_85 = tpu.memref_slice %arg2[%dma_start3A_83, %dma_start3A_84] : memref<10240x128xf32, #tpu.memory_space<hbm>> -> memref<10240x128xf32, #tpu.memory_space<hbm>>
        tpu.enqueue_indirect_dma source(%dma_start3A_85 : memref<10240x128xf32, #tpu.memory_space<hbm>>) target(%arg9 : memref<128x128xf32, #tpu.memory_space<vmem>>) offsets(%dma_start3A_82 : memref<128xi32, #tpu.memory_space<vmem>>) semaphore(%run_scoped3A : memref<!tpu.dma_semaphore, #tpu.memory_space<semaphore_mem>>)
        %dma_wait3A = arith.constant 0 : i32
        %dma_wait3A_86 = tpu.memref_slice %arg6[%scan3A_42, %dma_wait3A] : memref<80x128xi32, #tpu.memory_space<vmem>> -> memref<1x128xi32, #tpu.memory_space<vmem>>
        %dma_wait3A_87 = tpu.memref_squeeze %dma_wait3A_86 : memref<1x128xi32, #tpu.memory_space<vmem>> -> memref<128xi32, #tpu.memory_space<vmem>>
        %dma_wait3A_88 = arith.constant 0 : i32
        %dma_wait3A_89 = arith.constant 0 : i32
        %dma_wait3A_90 = tpu.memref_slice %arg2[%dma_wait3A_88, %dma_wait3A_89] : memref<10240x128xf32, #tpu.memory_space<hbm>> -> memref<10240x128xf32, #tpu.memory_space<hbm>>
        tpu.wait_indirect_dma semaphore(%run_scoped3A : memref<!tpu.dma_semaphore, #tpu.memory_space<semaphore_mem>>) src(%dma_wait3A_90 : memref<10240x128xf32, #tpu.memory_space<hbm>>) dst(%arg9 : memref<128x128xf32, #tpu.memory_space<vmem>>)
        tpu.yield
      }) : () -> ()
      "tpu.region"() ({
        %run_scoped3A = tpu.sem_alloc : memref<!tpu.dma_semaphore, #tpu.memory_space<semaphore_mem>>
        %dma_start3A = arith.constant 0 : i32
        %dma_start3A_81 = arith.constant 0 : i32
        %dma_start3A_82 = tpu.memref_slice %arg10[%dma_start3A, %dma_start3A_81] : memref<10240x128xf32, #tpu.memory_space<vmem_shared>> -> memref<10240x128xf32, #tpu.memory_space<vmem_shared>>
        tpu.enqueue_indirect_dma source(%arg9 : memref<128x128xf32, #tpu.memory_space<vmem>>) target(%dma_start3A_82 : memref<10240x128xf32, #tpu.memory_space<vmem_shared>>) offsets(%arg8 : memref<128xi32, #tpu.memory_space<vmem>>) semaphore(%run_scoped3A : memref<!tpu.dma_semaphore, #tpu.memory_space<semaphore_mem>>) {add = true}
        %dma_wait3A = arith.constant 0 : i32
        %dma_wait3A_83 = arith.constant 0 : i32
        %dma_wait3A_84 = tpu.memref_slice %arg10[%dma_wait3A, %dma_wait3A_83] : memref<10240x128xf32, #tpu.memory_space<vmem_shared>> -> memref<10240x128xf32, #tpu.memory_space<vmem_shared>>
        tpu.wait_indirect_dma semaphore(%run_scoped3A : memref<!tpu.dma_semaphore, #tpu.memory_space<semaphore_mem>>) src(%arg9 : memref<128x128xf32, #tpu.memory_space<vmem>>) dst(%dma_wait3A_84 : memref<10240x128xf32, #tpu.memory_space<vmem_shared>>)
        tpu.yield
      }) : () -> ()
    }
    %scan3A_36 = arith.constant 80 : i32
    %barrier3A_37 = arith.constant 0 : index
    tpu.barrier barrier_id(%barrier3A_37)
    %mul3A_38 = arith.constant 640 : i32
    %mul3A_39 = arith.muli %arg1, %mul3A_38 : i32
    %mul3A_40 = arith.constant 640 : i32
    %mul3A_41 = arith.muli %arg1, %mul3A_40 : i32
    "tpu.region"() ({
      %run_scoped3A = tpu.sem_alloc : memref<!tpu.dma_semaphore, #tpu.memory_space<semaphore_mem>>
      %dma_start3A = arith.constant 0 : i32
      %dma_start3A_42 = tpu.memref_slice %arg5[%arg0, %mul3A_41, %dma_start3A] : memref<2x10240x128xf32, #tpu.memory_space<hbm>> -> memref<1x640x128xf32, #tpu.memory_space<hbm>>
      %dma_start3A_43 = tpu.memref_squeeze %dma_start3A_42 : memref<1x640x128xf32, #tpu.memory_space<hbm>> -> memref<640x128xf32, #tpu.memory_space<hbm>>
      %dma_start3A_44 = arith.constant 0 : i32
      %dma_start3A_45 = tpu.memref_slice %arg10[%mul3A_39, %dma_start3A_44] : memref<10240x128xf32, #tpu.memory_space<vmem_shared>> -> memref<640x128xf32, #tpu.memory_space<vmem_shared>>
      tpu.enqueue_dma source(%dma_start3A_45 : memref<640x128xf32, #tpu.memory_space<vmem_shared>>) target(%dma_start3A_43 : memref<640x128xf32, #tpu.memory_space<hbm>>) target_semaphore(%run_scoped3A : memref<!tpu.dma_semaphore, #tpu.memory_space<semaphore_mem>>)
      %dma_wait3A = arith.constant 0 : i32
      %dma_wait3A_46 = tpu.memref_slice %arg5[%arg0, %mul3A_41, %dma_wait3A] : memref<2x10240x128xf32, #tpu.memory_space<hbm>> -> memref<1x640x128xf32, #tpu.memory_space<hbm>>
      %dma_wait3A_47 = tpu.memref_squeeze %dma_wait3A_46 : memref<1x640x128xf32, #tpu.memory_space<hbm>> -> memref<640x128xf32, #tpu.memory_space<hbm>>
      %dma_wait3A_48 = arith.constant 0 : i32
      %dma_wait3A_49 = tpu.memref_slice %arg10[%mul3A_39, %dma_wait3A_48] : memref<10240x128xf32, #tpu.memory_space<vmem_shared>> -> memref<640x128xf32, #tpu.memory_space<vmem_shared>>
      tpu.wait_dma2 semaphore(%run_scoped3A : memref<!tpu.dma_semaphore, #tpu.memory_space<semaphore_mem>>) src(%dma_wait3A_49 : memref<640x128xf32, #tpu.memory_space<vmem_shared>>) dst(%dma_wait3A_47 : memref<640x128xf32, #tpu.memory_space<hbm>>)
      tpu.yield
    }) : () -> ()
    return
  }
}

module attributes {stable_mosaic.version = 14 : i64} {
  func.func @_emb_body(%arg0: i32, %arg1: memref<1024x9xi32, #tpu.memory_space<vmem>>, %arg2: memref<9x128x128xf32, #tpu.memory_space<vmem>>, %arg3: memref<1024x128xf32, #tpu.memory_space<vmem>>) attributes {dimension_semantics = [#tpu.dimension_semantics<arbitrary>], iteration_bounds = array<i64: 10>, scalar_prefetch = 0 : i64, scratch_operands = 0 : i64, tpu.core_type = #tpu.core_type<tc>, window_params = [{transform_indices = @transform_0, window_bounds = array<i64: 1024, 9>}, {pipeline_mode = #tpu.pipeline_mode<synchronous>, transform_indices = @transform_1, window_bounds = array<i64: 9, 128, 128>}, {transform_indices = @transform_2, window_bounds = array<i64: 1024, 128>}]} {
    %broadcast_in_dim3A = arith.constant 0.000000e+00 : f32
    %broadcast_in_dim3A_0 = vector.broadcast %broadcast_in_dim3A : f32 to vector<1024x128xf32>
    %iota3A = tpu.iota {dimensions = array<i32: 1>} : vector<1024x128xi32>
    %get3A = arith.constant 0 : index
    %get3A_1 = arith.constant 0 : index
    %get3A_2 = vector.load %arg1[%get3A, %get3A_1] : memref<1024x9xi32, #tpu.memory_space<vmem>>, vector<1024x1xi32>
    %get3A_3 = vector.shape_cast %get3A_2 : vector<1024x1xi32> to vector<1024xi32>
    %reshape3A = vector.shape_cast %get3A_3 : vector<1024xi32> to vector<1024x1xi32>
    %eq3A = vector.broadcast %reshape3A : vector<1024x1xi32> to vector<1024x128xi32>
    %eq3A_4 = arith.cmpi eq, %eq3A, %iota3A : vector<1024x128xi32>
    %jit3A = arith.constant 1.000000e+00 : f32
    %jit3A_5 = arith.constant 0.000000e+00 : f32
    %broadcast_in_dim3A_6 = vector.broadcast %jit3A : f32 to vector<1024x128xf32>
    %broadcast_in_dim3A_7 = vector.broadcast %jit3A_5 : f32 to vector<1024x128xf32>
    %select_n3A = arith.select %eq3A_4, %broadcast_in_dim3A_6, %broadcast_in_dim3A_7 : vector<1024x128xi1>, vector<1024x128xf32>
    %get3A_8 = arith.constant 0 : index
    %get3A_9 = arith.constant 0 : index
    %get3A_10 = arith.constant 0 : index
    %get3A_11 = vector.load %arg2[%get3A_8, %get3A_9, %get3A_10] : memref<9x128x128xf32, #tpu.memory_space<vmem>>, vector<1x128x128xf32>
    %get3A_12 = vector.shape_cast %get3A_11 : vector<1x128x128xf32> to vector<128x128xf32>
    %dot_general3A = arith.constant dense<0.000000e+00> : vector<1024x128xf32>
    %dot_general3A_13 = tpu.matmul %select_n3A, %get3A_12, %dot_general3A {dimension_numbers = #tpu.dot_dimension_numbers<[1], [0], [0], [1], [0, 0, 1, 1], [], []>, precision = #tpu.contract_precision<fp32>, transpose_lhs_hint = false} : vector<1024x128xf32>, vector<128x128xf32>, vector<1024x128xf32> -> vector<1024x128xf32>
    %add3A = arith.addf %broadcast_in_dim3A_0, %dot_general3A_13 : vector<1024x128xf32>
    %get3A_14 = arith.constant 0 : index
    %get3A_15 = arith.constant 1 : index
    %get3A_16 = vector.load %arg1[%get3A_14, %get3A_15] : memref<1024x9xi32, #tpu.memory_space<vmem>>, vector<1024x1xi32>
    %get3A_17 = vector.shape_cast %get3A_16 : vector<1024x1xi32> to vector<1024xi32>
    %reshape3A_18 = vector.shape_cast %get3A_17 : vector<1024xi32> to vector<1024x1xi32>
    %eq3A_19 = vector.broadcast %reshape3A_18 : vector<1024x1xi32> to vector<1024x128xi32>
    %eq3A_20 = arith.cmpi eq, %eq3A_19, %iota3A : vector<1024x128xi32>
    %jit3A_21 = arith.constant 1.000000e+00 : f32
    %jit3A_22 = arith.constant 0.000000e+00 : f32
    %broadcast_in_dim3A_23 = vector.broadcast %jit3A_21 : f32 to vector<1024x128xf32>
    %broadcast_in_dim3A_24 = vector.broadcast %jit3A_22 : f32 to vector<1024x128xf32>
    %select_n3A_25 = arith.select %eq3A_20, %broadcast_in_dim3A_23, %broadcast_in_dim3A_24 : vector<1024x128xi1>, vector<1024x128xf32>
    %get3A_26 = arith.constant 1 : index
    %get3A_27 = arith.constant 0 : index
    %get3A_28 = arith.constant 0 : index
    %get3A_29 = vector.load %arg2[%get3A_26, %get3A_27, %get3A_28] : memref<9x128x128xf32, #tpu.memory_space<vmem>>, vector<1x128x128xf32>
    %get3A_30 = vector.shape_cast %get3A_29 : vector<1x128x128xf32> to vector<128x128xf32>
    %dot_general3A_31 = arith.constant dense<0.000000e+00> : vector<1024x128xf32>
    %dot_general3A_32 = tpu.matmul %select_n3A_25, %get3A_30, %dot_general3A_31 {dimension_numbers = #tpu.dot_dimension_numbers<[1], [0], [0], [1], [0, 0, 1, 1], [], []>, precision = #tpu.contract_precision<fp32>, transpose_lhs_hint = false} : vector<1024x128xf32>, vector<128x128xf32>, vector<1024x128xf32> -> vector<1024x128xf32>
    %add3A_33 = arith.addf %add3A, %dot_general3A_32 : vector<1024x128xf32>
    %get3A_34 = arith.constant 0 : index
    %get3A_35 = arith.constant 2 : index
    %get3A_36 = vector.load %arg1[%get3A_34, %get3A_35] : memref<1024x9xi32, #tpu.memory_space<vmem>>, vector<1024x1xi32>
    %get3A_37 = vector.shape_cast %get3A_36 : vector<1024x1xi32> to vector<1024xi32>
    %reshape3A_38 = vector.shape_cast %get3A_37 : vector<1024xi32> to vector<1024x1xi32>
    %eq3A_39 = vector.broadcast %reshape3A_38 : vector<1024x1xi32> to vector<1024x128xi32>
    %eq3A_40 = arith.cmpi eq, %eq3A_39, %iota3A : vector<1024x128xi32>
    %jit3A_41 = arith.constant 1.000000e+00 : f32
    %jit3A_42 = arith.constant 0.000000e+00 : f32
    %broadcast_in_dim3A_43 = vector.broadcast %jit3A_41 : f32 to vector<1024x128xf32>
    %broadcast_in_dim3A_44 = vector.broadcast %jit3A_42 : f32 to vector<1024x128xf32>
    %select_n3A_45 = arith.select %eq3A_40, %broadcast_in_dim3A_43, %broadcast_in_dim3A_44 : vector<1024x128xi1>, vector<1024x128xf32>
    %get3A_46 = arith.constant 2 : index
    %get3A_47 = arith.constant 0 : index
    %get3A_48 = arith.constant 0 : index
    %get3A_49 = vector.load %arg2[%get3A_46, %get3A_47, %get3A_48] : memref<9x128x128xf32, #tpu.memory_space<vmem>>, vector<1x128x128xf32>
    %get3A_50 = vector.shape_cast %get3A_49 : vector<1x128x128xf32> to vector<128x128xf32>
    %dot_general3A_51 = arith.constant dense<0.000000e+00> : vector<1024x128xf32>
    %dot_general3A_52 = tpu.matmul %select_n3A_45, %get3A_50, %dot_general3A_51 {dimension_numbers = #tpu.dot_dimension_numbers<[1], [0], [0], [1], [0, 0, 1, 1], [], []>, precision = #tpu.contract_precision<fp32>, transpose_lhs_hint = false} : vector<1024x128xf32>, vector<128x128xf32>, vector<1024x128xf32> -> vector<1024x128xf32>
    %add3A_53 = arith.addf %add3A_33, %dot_general3A_52 : vector<1024x128xf32>
    %get3A_54 = arith.constant 0 : index
    %get3A_55 = arith.constant 3 : index
    %get3A_56 = vector.load %arg1[%get3A_54, %get3A_55] : memref<1024x9xi32, #tpu.memory_space<vmem>>, vector<1024x1xi32>
    %get3A_57 = vector.shape_cast %get3A_56 : vector<1024x1xi32> to vector<1024xi32>
    %reshape3A_58 = vector.shape_cast %get3A_57 : vector<1024xi32> to vector<1024x1xi32>
    %eq3A_59 = vector.broadcast %reshape3A_58 : vector<1024x1xi32> to vector<1024x128xi32>
    %eq3A_60 = arith.cmpi eq, %eq3A_59, %iota3A : vector<1024x128xi32>
    %jit3A_61 = arith.constant 1.000000e+00 : f32
    %jit3A_62 = arith.constant 0.000000e+00 : f32
    %broadcast_in_dim3A_63 = vector.broadcast %jit3A_61 : f32 to vector<1024x128xf32>
    %broadcast_in_dim3A_64 = vector.broadcast %jit3A_62 : f32 to vector<1024x128xf32>
    %select_n3A_65 = arith.select %eq3A_60, %broadcast_in_dim3A_63, %broadcast_in_dim3A_64 : vector<1024x128xi1>, vector<1024x128xf32>
    %get3A_66 = arith.constant 3 : index
    %get3A_67 = arith.constant 0 : index
    %get3A_68 = arith.constant 0 : index
    %get3A_69 = vector.load %arg2[%get3A_66, %get3A_67, %get3A_68] : memref<9x128x128xf32, #tpu.memory_space<vmem>>, vector<1x128x128xf32>
    %get3A_70 = vector.shape_cast %get3A_69 : vector<1x128x128xf32> to vector<128x128xf32>
    %dot_general3A_71 = arith.constant dense<0.000000e+00> : vector<1024x128xf32>
    %dot_general3A_72 = tpu.matmul %select_n3A_65, %get3A_70, %dot_general3A_71 {dimension_numbers = #tpu.dot_dimension_numbers<[1], [0], [0], [1], [0, 0, 1, 1], [], []>, precision = #tpu.contract_precision<fp32>, transpose_lhs_hint = false} : vector<1024x128xf32>, vector<128x128xf32>, vector<1024x128xf32> -> vector<1024x128xf32>
    %add3A_73 = arith.addf %add3A_53, %dot_general3A_72 : vector<1024x128xf32>
    %get3A_74 = arith.constant 0 : index
    %get3A_75 = arith.constant 4 : index
    %get3A_76 = vector.load %arg1[%get3A_74, %get3A_75] : memref<1024x9xi32, #tpu.memory_space<vmem>>, vector<1024x1xi32>
    %get3A_77 = vector.shape_cast %get3A_76 : vector<1024x1xi32> to vector<1024xi32>
    %reshape3A_78 = vector.shape_cast %get3A_77 : vector<1024xi32> to vector<1024x1xi32>
    %eq3A_79 = vector.broadcast %reshape3A_78 : vector<1024x1xi32> to vector<1024x128xi32>
    %eq3A_80 = arith.cmpi eq, %eq3A_79, %iota3A : vector<1024x128xi32>
    %jit3A_81 = arith.constant 1.000000e+00 : f32
    %jit3A_82 = arith.constant 0.000000e+00 : f32
    %broadcast_in_dim3A_83 = vector.broadcast %jit3A_81 : f32 to vector<1024x128xf32>
    %broadcast_in_dim3A_84 = vector.broadcast %jit3A_82 : f32 to vector<1024x128xf32>
    %select_n3A_85 = arith.select %eq3A_80, %broadcast_in_dim3A_83, %broadcast_in_dim3A_84 : vector<1024x128xi1>, vector<1024x128xf32>
    %get3A_86 = arith.constant 4 : index
    %get3A_87 = arith.constant 0 : index
    %get3A_88 = arith.constant 0 : index
    %get3A_89 = vector.load %arg2[%get3A_86, %get3A_87, %get3A_88] : memref<9x128x128xf32, #tpu.memory_space<vmem>>, vector<1x128x128xf32>
    %get3A_90 = vector.shape_cast %get3A_89 : vector<1x128x128xf32> to vector<128x128xf32>
    %dot_general3A_91 = arith.constant dense<0.000000e+00> : vector<1024x128xf32>
    %dot_general3A_92 = tpu.matmul %select_n3A_85, %get3A_90, %dot_general3A_91 {dimension_numbers = #tpu.dot_dimension_numbers<[1], [0], [0], [1], [0, 0, 1, 1], [], []>, precision = #tpu.contract_precision<fp32>, transpose_lhs_hint = false} : vector<1024x128xf32>, vector<128x128xf32>, vector<1024x128xf32> -> vector<1024x128xf32>
    %add3A_93 = arith.addf %add3A_73, %dot_general3A_92 : vector<1024x128xf32>
    %get3A_94 = arith.constant 0 : index
    %get3A_95 = arith.constant 5 : index
    %get3A_96 = vector.load %arg1[%get3A_94, %get3A_95] : memref<1024x9xi32, #tpu.memory_space<vmem>>, vector<1024x1xi32>
    %get3A_97 = vector.shape_cast %get3A_96 : vector<1024x1xi32> to vector<1024xi32>
    %reshape3A_98 = vector.shape_cast %get3A_97 : vector<1024xi32> to vector<1024x1xi32>
    %eq3A_99 = vector.broadcast %reshape3A_98 : vector<1024x1xi32> to vector<1024x128xi32>
    %eq3A_100 = arith.cmpi eq, %eq3A_99, %iota3A : vector<1024x128xi32>
    %jit3A_101 = arith.constant 1.000000e+00 : f32
    %jit3A_102 = arith.constant 0.000000e+00 : f32
    %broadcast_in_dim3A_103 = vector.broadcast %jit3A_101 : f32 to vector<1024x128xf32>
    %broadcast_in_dim3A_104 = vector.broadcast %jit3A_102 : f32 to vector<1024x128xf32>
    %select_n3A_105 = arith.select %eq3A_100, %broadcast_in_dim3A_103, %broadcast_in_dim3A_104 : vector<1024x128xi1>, vector<1024x128xf32>
    %get3A_106 = arith.constant 5 : index
    %get3A_107 = arith.constant 0 : index
    %get3A_108 = arith.constant 0 : index
    %get3A_109 = vector.load %arg2[%get3A_106, %get3A_107, %get3A_108] : memref<9x128x128xf32, #tpu.memory_space<vmem>>, vector<1x128x128xf32>
    %get3A_110 = vector.shape_cast %get3A_109 : vector<1x128x128xf32> to vector<128x128xf32>
    %dot_general3A_111 = arith.constant dense<0.000000e+00> : vector<1024x128xf32>
    %dot_general3A_112 = tpu.matmul %select_n3A_105, %get3A_110, %dot_general3A_111 {dimension_numbers = #tpu.dot_dimension_numbers<[1], [0], [0], [1], [0, 0, 1, 1], [], []>, precision = #tpu.contract_precision<fp32>, transpose_lhs_hint = false} : vector<1024x128xf32>, vector<128x128xf32>, vector<1024x128xf32> -> vector<1024x128xf32>
    %add3A_113 = arith.addf %add3A_93, %dot_general3A_112 : vector<1024x128xf32>
    %get3A_114 = arith.constant 0 : index
    %get3A_115 = arith.constant 6 : index
    %get3A_116 = vector.load %arg1[%get3A_114, %get3A_115] : memref<1024x9xi32, #tpu.memory_space<vmem>>, vector<1024x1xi32>
    %get3A_117 = vector.shape_cast %get3A_116 : vector<1024x1xi32> to vector<1024xi32>
    %reshape3A_118 = vector.shape_cast %get3A_117 : vector<1024xi32> to vector<1024x1xi32>
    %eq3A_119 = vector.broadcast %reshape3A_118 : vector<1024x1xi32> to vector<1024x128xi32>
    %eq3A_120 = arith.cmpi eq, %eq3A_119, %iota3A : vector<1024x128xi32>
    %jit3A_121 = arith.constant 1.000000e+00 : f32
    %jit3A_122 = arith.constant 0.000000e+00 : f32
    %broadcast_in_dim3A_123 = vector.broadcast %jit3A_121 : f32 to vector<1024x128xf32>
    %broadcast_in_dim3A_124 = vector.broadcast %jit3A_122 : f32 to vector<1024x128xf32>
    %select_n3A_125 = arith.select %eq3A_120, %broadcast_in_dim3A_123, %broadcast_in_dim3A_124 : vector<1024x128xi1>, vector<1024x128xf32>
    %get3A_126 = arith.constant 6 : index
    %get3A_127 = arith.constant 0 : index
    %get3A_128 = arith.constant 0 : index
    %get3A_129 = vector.load %arg2[%get3A_126, %get3A_127, %get3A_128] : memref<9x128x128xf32, #tpu.memory_space<vmem>>, vector<1x128x128xf32>
    %get3A_130 = vector.shape_cast %get3A_129 : vector<1x128x128xf32> to vector<128x128xf32>
    %dot_general3A_131 = arith.constant dense<0.000000e+00> : vector<1024x128xf32>
    %dot_general3A_132 = tpu.matmul %select_n3A_125, %get3A_130, %dot_general3A_131 {dimension_numbers = #tpu.dot_dimension_numbers<[1], [0], [0], [1], [0, 0, 1, 1], [], []>, precision = #tpu.contract_precision<fp32>, transpose_lhs_hint = false} : vector<1024x128xf32>, vector<128x128xf32>, vector<1024x128xf32> -> vector<1024x128xf32>
    %add3A_133 = arith.addf %add3A_113, %dot_general3A_132 : vector<1024x128xf32>
    %get3A_134 = arith.constant 0 : index
    %get3A_135 = arith.constant 7 : index
    %get3A_136 = vector.load %arg1[%get3A_134, %get3A_135] : memref<1024x9xi32, #tpu.memory_space<vmem>>, vector<1024x1xi32>
    %get3A_137 = vector.shape_cast %get3A_136 : vector<1024x1xi32> to vector<1024xi32>
    %reshape3A_138 = vector.shape_cast %get3A_137 : vector<1024xi32> to vector<1024x1xi32>
    %eq3A_139 = vector.broadcast %reshape3A_138 : vector<1024x1xi32> to vector<1024x128xi32>
    %eq3A_140 = arith.cmpi eq, %eq3A_139, %iota3A : vector<1024x128xi32>
    %jit3A_141 = arith.constant 1.000000e+00 : f32
    %jit3A_142 = arith.constant 0.000000e+00 : f32
    %broadcast_in_dim3A_143 = vector.broadcast %jit3A_141 : f32 to vector<1024x128xf32>
    %broadcast_in_dim3A_144 = vector.broadcast %jit3A_142 : f32 to vector<1024x128xf32>
    %select_n3A_145 = arith.select %eq3A_140, %broadcast_in_dim3A_143, %broadcast_in_dim3A_144 : vector<1024x128xi1>, vector<1024x128xf32>
    %get3A_146 = arith.constant 7 : index
    %get3A_147 = arith.constant 0 : index
    %get3A_148 = arith.constant 0 : index
    %get3A_149 = vector.load %arg2[%get3A_146, %get3A_147, %get3A_148] : memref<9x128x128xf32, #tpu.memory_space<vmem>>, vector<1x128x128xf32>
    %get3A_150 = vector.shape_cast %get3A_149 : vector<1x128x128xf32> to vector<128x128xf32>
    %dot_general3A_151 = arith.constant dense<0.000000e+00> : vector<1024x128xf32>
    %dot_general3A_152 = tpu.matmul %select_n3A_145, %get3A_150, %dot_general3A_151 {dimension_numbers = #tpu.dot_dimension_numbers<[1], [0], [0], [1], [0, 0, 1, 1], [], []>, precision = #tpu.contract_precision<fp32>, transpose_lhs_hint = false} : vector<1024x128xf32>, vector<128x128xf32>, vector<1024x128xf32> -> vector<1024x128xf32>
    %add3A_153 = arith.addf %add3A_133, %dot_general3A_152 : vector<1024x128xf32>
    %get3A_154 = arith.constant 0 : index
    %get3A_155 = arith.constant 8 : index
    %get3A_156 = vector.load %arg1[%get3A_154, %get3A_155] : memref<1024x9xi32, #tpu.memory_space<vmem>>, vector<1024x1xi32>
    %get3A_157 = vector.shape_cast %get3A_156 : vector<1024x1xi32> to vector<1024xi32>
    %reshape3A_158 = vector.shape_cast %get3A_157 : vector<1024xi32> to vector<1024x1xi32>
    %eq3A_159 = vector.broadcast %reshape3A_158 : vector<1024x1xi32> to vector<1024x128xi32>
    %eq3A_160 = arith.cmpi eq, %eq3A_159, %iota3A : vector<1024x128xi32>
    %jit3A_161 = arith.constant 1.000000e+00 : f32
    %jit3A_162 = arith.constant 0.000000e+00 : f32
    %broadcast_in_dim3A_163 = vector.broadcast %jit3A_161 : f32 to vector<1024x128xf32>
    %broadcast_in_dim3A_164 = vector.broadcast %jit3A_162 : f32 to vector<1024x128xf32>
    %select_n3A_165 = arith.select %eq3A_160, %broadcast_in_dim3A_163, %broadcast_in_dim3A_164 : vector<1024x128xi1>, vector<1024x128xf32>
    %get3A_166 = arith.constant 8 : index
    %get3A_167 = arith.constant 0 : index
    %get3A_168 = arith.constant 0 : index
    %get3A_169 = vector.load %arg2[%get3A_166, %get3A_167, %get3A_168] : memref<9x128x128xf32, #tpu.memory_space<vmem>>, vector<1x128x128xf32>
    %get3A_170 = vector.shape_cast %get3A_169 : vector<1x128x128xf32> to vector<128x128xf32>
    %dot_general3A_171 = arith.constant dense<0.000000e+00> : vector<1024x128xf32>
    %dot_general3A_172 = tpu.matmul %select_n3A_165, %get3A_170, %dot_general3A_171 {dimension_numbers = #tpu.dot_dimension_numbers<[1], [0], [0], [1], [0, 0, 1, 1], [], []>, precision = #tpu.contract_precision<fp32>, transpose_lhs_hint = false} : vector<1024x128xf32>, vector<128x128xf32>, vector<1024x128xf32> -> vector<1024x128xf32>
    %add3A_173 = arith.addf %add3A_153, %dot_general3A_172 : vector<1024x128xf32>
    %swap3A = arith.constant 0 : index
    %swap3A_174 = arith.constant 0 : index
    %swap3A_175 = vector.load %arg3[%swap3A, %swap3A_174] : memref<1024x128xf32, #tpu.memory_space<vmem>>, vector<1024x128xf32>
    tpu.vector_store %arg3[%swap3A, %swap3A_174], %add3A_173 {strides = array<i32>} : memref<1024x128xf32, #tpu.memory_space<vmem>>, vector<1024x128xf32>,
    return
  }
  func.func @transform_0(%arg0: i32) -> (i32, i32) {
    %c0_i32 = arith.constant 0 : i32
    %c0_i32_0 = arith.constant 0 : i32
    return %arg0, %c0_i32 : i32, i32
  }
  func.func @transform_1(%arg0: i32) -> (i32, i32, i32) {
    %c0_i32 = arith.constant 0 : i32
    %c0_i32_0 = arith.constant 0 : i32
    %c0_i32_1 = arith.constant 0 : i32
    %c0_i32_2 = arith.constant 0 : i32
    return %c0_i32, %c0_i32_0, %c0_i32_1 : i32, i32, i32
  }
  func.func @transform_2(%arg0: i32) -> (i32, i32) {
    %c0_i32 = arith.constant 0 : i32
    %c0_i32_0 = arith.constant 0 : i32
    return %arg0, %c0_i32 : i32, i32
  }
}

module attributes {stable_mosaic.version = 14 : i64} {
  func.func @_prep_body(%arg0: memref<10240x128xf32, #tpu.memory_space<vmem>>, %arg1: memref<32x10240xf32, #tpu.memory_space<vmem>>, %arg2: memref<10240x128xf32, #tpu.memory_space<vmem>>, %arg3: memref<10240x128xf32, #tpu.memory_space<vmem>>) attributes {dimension_semantics = [], scalar_prefetch = 0 : i64, scratch_operands = 0 : i64, tpu.core_type = #tpu.core_type<tc>} {
    %broadcast_in_dim3A = arith.constant 1.000000e+00 : f32
    %broadcast_in_dim3A_0 = vector.broadcast %broadcast_in_dim3A : f32 to vector<32x1xf32>
    %get3A = arith.constant 0 : index
    %get3A_1 = arith.constant 0 : index
    %get3A_2 = vector.load %arg1[%get3A, %get3A_1] : memref<32x10240xf32, #tpu.memory_space<vmem>>, vector<32x10240xf32>
    %dot_general3A = arith.constant dense<0.000000e+00> : vector<10240x1xf32>
    %dot_general3A_3 = tpu.matmul %get3A_2, %broadcast_in_dim3A_0, %dot_general3A {dimension_numbers = #tpu.dot_dimension_numbers<[0], [0], [1], [1], [0, 1, 1, 1], [], []>, precision = #tpu.contract_precision<fp32>, transpose_lhs_hint = false} : vector<32x10240xf32>, vector<32x1xf32>, vector<10240x1xf32> -> vector<10240x1xf32>
    %add3A = arith.constant 1.000000e+00 : f32
    %add3A_4 = vector.broadcast %add3A : f32 to vector<10240x1xf32>
    %add3A_5 = arith.addf %dot_general3A_3, %add3A_4 : vector<10240x1xf32>
    %rsqrt3A = math.rsqrt %add3A_5 : vector<10240x1xf32>
    %broadcast_in_dim3A_6 = vector.shape_cast %rsqrt3A : vector<10240x1xf32> to vector<10240x1xf32>
    %broadcast_in_dim3A_7 = vector.broadcast %broadcast_in_dim3A_6 : vector<10240x1xf32> to vector<10240x128xf32>
    %swap3A = arith.constant 0 : index
    %swap3A_8 = arith.constant 0 : index
    %swap3A_9 = vector.load %arg2[%swap3A, %swap3A_8] : memref<10240x128xf32, #tpu.memory_space<vmem>>, vector<10240x128xf32>
    tpu.vector_store %arg2[%swap3A, %swap3A_8], %broadcast_in_dim3A_7 {strides = array<i32>} : memref<10240x128xf32, #tpu.memory_space<vmem>>, vector<10240x128xf32>,
    %get3A_10 = arith.constant 0 : index
    %get3A_11 = arith.constant 0 : index
    %get3A_12 = vector.load %arg0[%get3A_10, %get3A_11] : memref<10240x128xf32, #tpu.memory_space<vmem>>, vector<10240x128xf32>
    %mul3A = arith.mulf %get3A_12, %broadcast_in_dim3A_7 : vector<10240x128xf32>
    %swap3A_13 = arith.constant 0 : index
    %swap3A_14 = arith.constant 0 : index
    %swap3A_15 = vector.load %arg3[%swap3A_13, %swap3A_14] : memref<10240x128xf32, #tpu.memory_space<vmem>>, vector<10240x128xf32>
    tpu.vector_store %arg3[%swap3A_13, %swap3A_14], %mul3A {strides = array<i32>} : memref<10240x128xf32, #tpu.memory_space<vmem>>, vector<10240x128xf32>,
    return
  }
}

module attributes {stable_mosaic.version = 14 : i64} {
  func.func @_layer_body(%arg0: memref<2x10240x128xf32, #tpu.memory_space<vmem>>, %arg1: memref<10240x128xf32, #tpu.memory_space<vmem>>, %arg2: memref<10240x128xf32, #tpu.memory_space<vmem>>, %arg3: memref<128x128xf32, #tpu.memory_space<vmem>>, %arg4: memref<1x128xf32, #tpu.memory_space<vmem>>, %arg5: memref<1x128xf32, #tpu.memory_space<vmem>>, %arg6: memref<1x128xf32, #tpu.memory_space<vmem>>, %arg7: memref<10240x128xf32, #tpu.memory_space<vmem>>, %arg8: memref<10240x128xf32, #tpu.memory_space<vmem>>) attributes {dimension_semantics = [], scalar_prefetch = 0 : i64, scratch_operands = 0 : i64, tpu.core_type = #tpu.core_type<tc>} {
    %get3A = arith.constant 0 : index
    %get3A_0 = arith.constant 0 : index
    %get3A_1 = vector.load %arg1[%get3A, %get3A_0] : memref<10240x128xf32, #tpu.memory_space<vmem>>, vector<10240x128xf32>
    %get3A_2 = arith.constant 0 : index
    %get3A_3 = arith.constant 0 : index
    %get3A_4 = arith.constant 0 : index
    %get3A_5 = vector.load %arg0[%get3A_2, %get3A_3, %get3A_4] : memref<2x10240x128xf32, #tpu.memory_space<vmem>>, vector<1x10240x128xf32>
    %get3A_6 = vector.shape_cast %get3A_5 : vector<1x10240x128xf32> to vector<10240x128xf32>
    %get3A_7 = arith.constant 1 : index
    %get3A_8 = arith.constant 0 : index
    %get3A_9 = arith.constant 0 : index
    %get3A_10 = vector.load %arg0[%get3A_7, %get3A_8, %get3A_9] : memref<2x10240x128xf32, #tpu.memory_space<vmem>>, vector<1x10240x128xf32>
    %get3A_11 = vector.shape_cast %get3A_10 : vector<1x10240x128xf32> to vector<10240x128xf32>
    %add3A = arith.addf %get3A_6, %get3A_11 : vector<10240x128xf32>
    %get3A_12 = arith.constant 0 : index
    %get3A_13 = arith.constant 0 : index
    %get3A_14 = vector.load %arg2[%get3A_12, %get3A_13] : memref<10240x128xf32, #tpu.memory_space<vmem>>, vector<10240x128xf32>
    %mul3A = arith.mulf %get3A_14, %get3A_1 : vector<10240x128xf32>
    %add3A_15 = arith.addf %add3A, %mul3A : vector<10240x128xf32>
    %mul3A_16 = arith.mulf %add3A_15, %get3A_1 : vector<10240x128xf32>
    %get3A_17 = arith.constant 0 : index
    %get3A_18 = arith.constant 0 : index
    %get3A_19 = vector.load %arg3[%get3A_17, %get3A_18] : memref<128x128xf32, #tpu.memory_space<vmem>>, vector<128x128xf32>
    %dot_general3A = arith.constant dense<0.000000e+00> : vector<10240x128xf32>
    %dot_general3A_20 = tpu.matmul %mul3A_16, %get3A_19, %dot_general3A {dimension_numbers = #tpu.dot_dimension_numbers<[1], [0], [0], [1], [0, 0, 1, 1], [], []>, transpose_lhs_hint = false} : vector<10240x128xf32>, vector<128x128xf32>, vector<10240x128xf32> -> vector<10240x128xf32>
    %get3A_21 = arith.constant 0 : index
    %get3A_22 = arith.constant 0 : index
    %get3A_23 = vector.load %arg4[%get3A_21, %get3A_22] : memref<1x128xf32, #tpu.memory_space<vmem>>, vector<1x128xf32>
    %add3A_24 = vector.broadcast %get3A_23 : vector<1x128xf32> to vector<10240x128xf32>
    %add3A_25 = arith.addf %dot_general3A_20, %add3A_24 : vector<10240x128xf32>
    %iota3A = tpu.iota {dimensions = array<i32: 0>} : vector<10240x1xi32>
    %lt3A = arith.constant 10000 : i32
    %lt3A_26 = vector.broadcast %lt3A : i32 to vector<10240x1xi32>
    %lt3A_27 = arith.cmpi slt, %iota3A, %lt3A_26 : vector<10240x1xi32>
    %jit3A = arith.constant 0.000000e+00 : f32
    %broadcast_in_dim3A = vector.shape_cast %lt3A_27 : vector<10240x1xi1> to vector<10240x1xi1>
    %broadcast_in_dim3A_28 = vector.broadcast %broadcast_in_dim3A : vector<10240x1xi1> to vector<10240x128xi1>
    %broadcast_in_dim3A_29 = vector.broadcast %jit3A : f32 to vector<10240x128xf32>
    %select_n3A = arith.select %broadcast_in_dim3A_28, %add3A_25, %broadcast_in_dim3A_29 : vector<10240x128xi1>, vector<10240x128xf32>
    %reduce_sum3A = arith.constant dense<0.000000e+00> : vector<128xf32>
    %reduce_sum3A_30 = vector.multi_reduction <add>, %select_n3A, %reduce_sum3A [0] : vector<10240x128xf32> to vector<128xf32>
    %broadcast_in_dim3A_31 = vector.shape_cast %reduce_sum3A_30 : vector<128xf32> to vector<1x128xf32>
    %mul3A_32 = arith.constant 9.99999974E-5 : f32
    %mul3A_33 = vector.broadcast %mul3A_32 : f32 to vector<1x128xf32>
    %mul3A_34 = arith.mulf %broadcast_in_dim3A_31, %mul3A_33 : vector<1x128xf32>
    %sub3A = vector.broadcast %mul3A_34 : vector<1x128xf32> to vector<10240x128xf32>
    %sub3A_35 = arith.subf %add3A_25, %sub3A : vector<10240x128xf32>
    %jit3A_36 = arith.constant 0.000000e+00 : f32
    %broadcast_in_dim3A_37 = vector.shape_cast %lt3A_27 : vector<10240x1xi1> to vector<10240x1xi1>
    %broadcast_in_dim3A_38 = vector.broadcast %broadcast_in_dim3A_37 : vector<10240x1xi1> to vector<10240x128xi1>
    %broadcast_in_dim3A_39 = vector.broadcast %jit3A_36 : f32 to vector<10240x128xf32>
    %select_n3A_40 = arith.select %broadcast_in_dim3A_38, %sub3A_35, %broadcast_in_dim3A_39 : vector<10240x128xi1>, vector<10240x128xf32>
    %mul3A_41 = arith.mulf %select_n3A_40, %select_n3A_40 : vector<10240x128xf32>
    %reduce_sum3A_42 = arith.constant dense<0.000000e+00> : vector<128xf32>
    %reduce_sum3A_43 = vector.multi_reduction <add>, %mul3A_41, %reduce_sum3A_42 [0] : vector<10240x128xf32> to vector<128xf32>
    %broadcast_in_dim3A_44 = vector.shape_cast %reduce_sum3A_43 : vector<128xf32> to vector<1x128xf32>
    %mul3A_45 = arith.constant 9.99999974E-5 : f32
    %mul3A_46 = vector.broadcast %mul3A_45 : f32 to vector<1x128xf32>
    %mul3A_47 = arith.mulf %broadcast_in_dim3A_44, %mul3A_46 : vector<1x128xf32>
    %sub3A_48 = vector.broadcast %mul3A_34 : vector<1x128xf32> to vector<10240x128xf32>
    %sub3A_49 = arith.subf %add3A_25, %sub3A_48 : vector<10240x128xf32>
    %add3A_50 = arith.constant 9.99999974E-6 : f32
    %add3A_51 = vector.broadcast %add3A_50 : f32 to vector<1x128xf32>
    %add3A_52 = arith.addf %mul3A_47, %add3A_51 : vector<1x128xf32>
    %rsqrt3A = math.rsqrt %add3A_52 : vector<1x128xf32>
    %mul3A_53 = vector.broadcast %rsqrt3A : vector<1x128xf32> to vector<10240x128xf32>
    %mul3A_54 = arith.mulf %sub3A_49, %mul3A_53 : vector<10240x128xf32>
    %get3A_55 = arith.constant 0 : index
    %get3A_56 = arith.constant 0 : index
    %get3A_57 = vector.load %arg5[%get3A_55, %get3A_56] : memref<1x128xf32, #tpu.memory_space<vmem>>, vector<1x128xf32>
    %mul3A_58 = vector.broadcast %get3A_57 : vector<1x128xf32> to vector<10240x128xf32>
    %mul3A_59 = arith.mulf %mul3A_54, %mul3A_58 : vector<10240x128xf32>
    %get3A_60 = arith.constant 0 : index
    %get3A_61 = arith.constant 0 : index
    %get3A_62 = vector.load %arg6[%get3A_60, %get3A_61] : memref<1x128xf32, #tpu.memory_space<vmem>>, vector<1x128xf32>
    %add3A_63 = vector.broadcast %get3A_62 : vector<1x128xf32> to vector<10240x128xf32>
    %add3A_64 = arith.addf %mul3A_59, %add3A_63 : vector<10240x128xf32>
    %max3A = arith.constant 0.000000e+00 : f32
    %max3A_65 = vector.broadcast %max3A : f32 to vector<10240x128xf32>
    %max3A_66 = arith.maximumf %add3A_64, %max3A_65 : vector<10240x128xf32>
    %get3A_67 = arith.constant 0 : index
    %get3A_68 = arith.constant 0 : index
    %get3A_69 = vector.load %arg2[%get3A_67, %get3A_68] : memref<10240x128xf32, #tpu.memory_space<vmem>>, vector<10240x128xf32>
    %add3A_70 = arith.addf %max3A_66, %get3A_69 : vector<10240x128xf32>
    %jit3A_71 = arith.constant 0.000000e+00 : f32
    %broadcast_in_dim3A_72 = vector.shape_cast %lt3A_27 : vector<10240x1xi1> to vector<10240x1xi1>
    %broadcast_in_dim3A_73 = vector.broadcast %broadcast_in_dim3A_72 : vector<10240x1xi1> to vector<10240x128xi1>
    %broadcast_in_dim3A_74 = vector.broadcast %jit3A_71 : f32 to vector<10240x128xf32>
    %select_n3A_75 = arith.select %broadcast_in_dim3A_73, %add3A_70, %broadcast_in_dim3A_74 : vector<10240x128xi1>, vector<10240x128xf32>
    %swap3A = arith.constant 0 : index
    %swap3A_76 = arith.constant 0 : index
    %swap3A_77 = vector.load %arg7[%swap3A, %swap3A_76] : memref<10240x128xf32, #tpu.memory_space<vmem>>, vector<10240x128xf32>
    tpu.vector_store %arg7[%swap3A, %swap3A_76], %select_n3A_75 {strides = array<i32>} : memref<10240x128xf32, #tpu.memory_space<vmem>>, vector<10240x128xf32>,
    %mul3A_78 = arith.mulf %select_n3A_75, %get3A_1 : vector<10240x128xf32>
    %swap3A_79 = arith.constant 0 : index
    %swap3A_80 = arith.constant 0 : index
    %swap3A_81 = vector.load %arg8[%swap3A_79, %swap3A_80] : memref<10240x128xf32, #tpu.memory_space<vmem>>, vector<10240x128xf32>
    tpu.vector_store %arg8[%swap3A_79, %swap3A_80], %mul3A_78 {strides = array<i32>} : memref<10240x128xf32, #tpu.memory_space<vmem>>, vector<10240x128xf32>,
    return
  }
}

module attributes {stable_mosaic.version = 14 : i64} {
  func.func @_layer_body(%arg0: memref<2x10240x128xf32, #tpu.memory_space<vmem>>, %arg1: memref<10240x128xf32, #tpu.memory_space<vmem>>, %arg2: memref<10240x128xf32, #tpu.memory_space<vmem>>, %arg3: memref<128x128xf32, #tpu.memory_space<vmem>>, %arg4: memref<1x128xf32, #tpu.memory_space<vmem>>, %arg5: memref<1x128xf32, #tpu.memory_space<vmem>>, %arg6: memref<1x128xf32, #tpu.memory_space<vmem>>, %arg7: memref<10240x128xf32, #tpu.memory_space<vmem>>, %arg8: memref<10240x128xf32, #tpu.memory_space<vmem>>) attributes {dimension_semantics = [], scalar_prefetch = 0 : i64, scratch_operands = 0 : i64, tpu.core_type = #tpu.core_type<tc>} {
    %get3A = arith.constant 0 : index
    %get3A_0 = arith.constant 0 : index
    %get3A_1 = vector.load %arg1[%get3A, %get3A_0] : memref<10240x128xf32, #tpu.memory_space<vmem>>, vector<10240x128xf32>
    %get3A_2 = arith.constant 0 : index
    %get3A_3 = arith.constant 0 : index
    %get3A_4 = arith.constant 0 : index
    %get3A_5 = vector.load %arg0[%get3A_2, %get3A_3, %get3A_4] : memref<2x10240x128xf32, #tpu.memory_space<vmem>>, vector<1x10240x128xf32>
    %get3A_6 = vector.shape_cast %get3A_5 : vector<1x10240x128xf32> to vector<10240x128xf32>
    %get3A_7 = arith.constant 1 : index
    %get3A_8 = arith.constant 0 : index
    %get3A_9 = arith.constant 0 : index
    %get3A_10 = vector.load %arg0[%get3A_7, %get3A_8, %get3A_9] : memref<2x10240x128xf32, #tpu.memory_space<vmem>>, vector<1x10240x128xf32>
    %get3A_11 = vector.shape_cast %get3A_10 : vector<1x10240x128xf32> to vector<10240x128xf32>
    %add3A = arith.addf %get3A_6, %get3A_11 : vector<10240x128xf32>
    %get3A_12 = arith.constant 0 : index
    %get3A_13 = arith.constant 0 : index
    %get3A_14 = vector.load %arg2[%get3A_12, %get3A_13] : memref<10240x128xf32, #tpu.memory_space<vmem>>, vector<10240x128xf32>
    %mul3A = arith.mulf %get3A_14, %get3A_1 : vector<10240x128xf32>
    %add3A_15 = arith.addf %add3A, %mul3A : vector<10240x128xf32>
    %mul3A_16 = arith.mulf %add3A_15, %get3A_1 : vector<10240x128xf32>
    %get3A_17 = arith.constant 0 : index
    %get3A_18 = arith.constant 0 : index
    %get3A_19 = vector.load %arg3[%get3A_17, %get3A_18] : memref<128x128xf32, #tpu.memory_space<vmem>>, vector<128x128xf32>
    %dot_general3A = arith.constant dense<0.000000e+00> : vector<10240x128xf32>
    %dot_general3A_20 = tpu.matmul %mul3A_16, %get3A_19, %dot_general3A {dimension_numbers = #tpu.dot_dimension_numbers<[1], [0], [0], [1], [0, 0, 1, 1], [], []>, transpose_lhs_hint = false} : vector<10240x128xf32>, vector<128x128xf32>, vector<10240x128xf32> -> vector<10240x128xf32>
    %get3A_21 = arith.constant 0 : index
    %get3A_22 = arith.constant 0 : index
    %get3A_23 = vector.load %arg4[%get3A_21, %get3A_22] : memref<1x128xf32, #tpu.memory_space<vmem>>, vector<1x128xf32>
    %add3A_24 = vector.broadcast %get3A_23 : vector<1x128xf32> to vector<10240x128xf32>
    %add3A_25 = arith.addf %dot_general3A_20, %add3A_24 : vector<10240x128xf32>
    %iota3A = tpu.iota {dimensions = array<i32: 0>} : vector<10240x1xi32>
    %lt3A = arith.constant 10000 : i32
    %lt3A_26 = vector.broadcast %lt3A : i32 to vector<10240x1xi32>
    %lt3A_27 = arith.cmpi slt, %iota3A, %lt3A_26 : vector<10240x1xi32>
    %jit3A = arith.constant 0.000000e+00 : f32
    %broadcast_in_dim3A = vector.shape_cast %lt3A_27 : vector<10240x1xi1> to vector<10240x1xi1>
    %broadcast_in_dim3A_28 = vector.broadcast %broadcast_in_dim3A : vector<10240x1xi1> to vector<10240x128xi1>
    %broadcast_in_dim3A_29 = vector.broadcast %jit3A : f32 to vector<10240x128xf32>
    %select_n3A = arith.select %broadcast_in_dim3A_28, %add3A_25, %broadcast_in_dim3A_29 : vector<10240x128xi1>, vector<10240x128xf32>
    %reduce_sum3A = arith.constant dense<0.000000e+00> : vector<128xf32>
    %reduce_sum3A_30 = vector.multi_reduction <add>, %select_n3A, %reduce_sum3A [0] : vector<10240x128xf32> to vector<128xf32>
    %broadcast_in_dim3A_31 = vector.shape_cast %reduce_sum3A_30 : vector<128xf32> to vector<1x128xf32>
    %mul3A_32 = arith.constant 9.99999974E-5 : f32
    %mul3A_33 = vector.broadcast %mul3A_32 : f32 to vector<1x128xf32>
    %mul3A_34 = arith.mulf %broadcast_in_dim3A_31, %mul3A_33 : vector<1x128xf32>
    %sub3A = vector.broadcast %mul3A_34 : vector<1x128xf32> to vector<10240x128xf32>
    %sub3A_35 = arith.subf %add3A_25, %sub3A : vector<10240x128xf32>
    %jit3A_36 = arith.constant 0.000000e+00 : f32
    %broadcast_in_dim3A_37 = vector.shape_cast %lt3A_27 : vector<10240x1xi1> to vector<10240x1xi1>
    %broadcast_in_dim3A_38 = vector.broadcast %broadcast_in_dim3A_37 : vector<10240x1xi1> to vector<10240x128xi1>
    %broadcast_in_dim3A_39 = vector.broadcast %jit3A_36 : f32 to vector<10240x128xf32>
    %select_n3A_40 = arith.select %broadcast_in_dim3A_38, %sub3A_35, %broadcast_in_dim3A_39 : vector<10240x128xi1>, vector<10240x128xf32>
    %mul3A_41 = arith.mulf %select_n3A_40, %select_n3A_40 : vector<10240x128xf32>
    %reduce_sum3A_42 = arith.constant dense<0.000000e+00> : vector<128xf32>
    %reduce_sum3A_43 = vector.multi_reduction <add>, %mul3A_41, %reduce_sum3A_42 [0] : vector<10240x128xf32> to vector<128xf32>
    %broadcast_in_dim3A_44 = vector.shape_cast %reduce_sum3A_43 : vector<128xf32> to vector<1x128xf32>
    %mul3A_45 = arith.constant 9.99999974E-5 : f32
    %mul3A_46 = vector.broadcast %mul3A_45 : f32 to vector<1x128xf32>
    %mul3A_47 = arith.mulf %broadcast_in_dim3A_44, %mul3A_46 : vector<1x128xf32>
    %sub3A_48 = vector.broadcast %mul3A_34 : vector<1x128xf32> to vector<10240x128xf32>
    %sub3A_49 = arith.subf %add3A_25, %sub3A_48 : vector<10240x128xf32>
    %add3A_50 = arith.constant 9.99999974E-6 : f32
    %add3A_51 = vector.broadcast %add3A_50 : f32 to vector<1x128xf32>
    %add3A_52 = arith.addf %mul3A_47, %add3A_51 : vector<1x128xf32>
    %rsqrt3A = math.rsqrt %add3A_52 : vector<1x128xf32>
    %mul3A_53 = vector.broadcast %rsqrt3A : vector<1x128xf32> to vector<10240x128xf32>
    %mul3A_54 = arith.mulf %sub3A_49, %mul3A_53 : vector<10240x128xf32>
    %get3A_55 = arith.constant 0 : index
    %get3A_56 = arith.constant 0 : index
    %get3A_57 = vector.load %arg5[%get3A_55, %get3A_56] : memref<1x128xf32, #tpu.memory_space<vmem>>, vector<1x128xf32>
    %mul3A_58 = vector.broadcast %get3A_57 : vector<1x128xf32> to vector<10240x128xf32>
    %mul3A_59 = arith.mulf %mul3A_54, %mul3A_58 : vector<10240x128xf32>
    %get3A_60 = arith.constant 0 : index
    %get3A_61 = arith.constant 0 : index
    %get3A_62 = vector.load %arg6[%get3A_60, %get3A_61] : memref<1x128xf32, #tpu.memory_space<vmem>>, vector<1x128xf32>
    %add3A_63 = vector.broadcast %get3A_62 : vector<1x128xf32> to vector<10240x128xf32>
    %add3A_64 = arith.addf %mul3A_59, %add3A_63 : vector<10240x128xf32>
    %max3A = arith.constant 0.000000e+00 : f32
    %max3A_65 = vector.broadcast %max3A : f32 to vector<10240x128xf32>
    %max3A_66 = arith.maximumf %add3A_64, %max3A_65 : vector<10240x128xf32>
    %get3A_67 = arith.constant 0 : index
    %get3A_68 = arith.constant 0 : index
    %get3A_69 = vector.load %arg2[%get3A_67, %get3A_68] : memref<10240x128xf32, #tpu.memory_space<vmem>>, vector<10240x128xf32>
    %add3A_70 = arith.addf %max3A_66, %get3A_69 : vector<10240x128xf32>
    %jit3A_71 = arith.constant 0.000000e+00 : f32
    %broadcast_in_dim3A_72 = vector.shape_cast %lt3A_27 : vector<10240x1xi1> to vector<10240x1xi1>
    %broadcast_in_dim3A_73 = vector.broadcast %broadcast_in_dim3A_72 : vector<10240x1xi1> to vector<10240x128xi1>
    %broadcast_in_dim3A_74 = vector.broadcast %jit3A_71 : f32 to vector<10240x128xf32>
    %select_n3A_75 = arith.select %broadcast_in_dim3A_73, %add3A_70, %broadcast_in_dim3A_74 : vector<10240x128xi1>, vector<10240x128xf32>
    %swap3A = arith.constant 0 : index
    %swap3A_76 = arith.constant 0 : index
    %swap3A_77 = vector.load %arg7[%swap3A, %swap3A_76] : memref<10240x128xf32, #tpu.memory_space<vmem>>, vector<10240x128xf32>
    tpu.vector_store %arg7[%swap3A, %swap3A_76], %select_n3A_75 {strides = array<i32>} : memref<10240x128xf32, #tpu.memory_space<vmem>>, vector<10240x128xf32>,
    %mul3A_78 = arith.mulf %select_n3A_75, %get3A_1 : vector<10240x128xf32>
    %swap3A_79 = arith.constant 0 : index
    %swap3A_80 = arith.constant 0 : index
    %swap3A_81 = vector.load %arg8[%swap3A_79, %swap3A_80] : memref<10240x128xf32, #tpu.memory_space<vmem>>, vector<10240x128xf32>
    tpu.vector_store %arg8[%swap3A_79, %swap3A_80], %mul3A_78 {strides = array<i32>} : memref<10240x128xf32, #tpu.memory_space<vmem>>, vector<10240x128xf32>,
    return
  }
}

module attributes {stable_mosaic.version = 14 : i64} {
  func.func @_head_body(%arg0: memref<10240x128xf32, #tpu.memory_space<vmem>>, %arg1: memref<10240xi32, #tpu.memory_space<vmem>>, %arg2: memref<128x64xf32, #tpu.memory_space<vmem>>, %arg3: memref<1x64xf32, #tpu.memory_space<vmem>>, %arg4: memref<64x32xf32, #tpu.memory_space<vmem>>, %arg5: memref<1x32xf32, #tpu.memory_space<vmem>>, %arg6: memref<32x1xf32, #tpu.memory_space<vmem>>, %arg7: memref<1x1xf32, #tpu.memory_space<vmem>>, %arg8: memref<64x1xf32, #tpu.memory_space<vmem>>) attributes {dimension_semantics = [], scalar_prefetch = 0 : i64, scratch_operands = 0 : i64, tpu.core_type = #tpu.core_type<tc>} {
    %get3A = arith.constant 0 : index
    %get3A_0 = vector.load %arg1[%get3A] : memref<10240xi32, #tpu.memory_space<vmem>>, vector<10240xi32>
    %reshape3A = vector.shape_cast %get3A_0 : vector<10240xi32> to vector<10240x1xi32>
    %iota3A = tpu.iota {dimensions = array<i32: 1>} : vector<10240x64xi32>
    %eq3A = vector.broadcast %reshape3A : vector<10240x1xi32> to vector<10240x64xi32>
    %eq3A_1 = arith.cmpi eq, %eq3A, %iota3A : vector<10240x64xi32>
    %jit3A = arith.constant 1.000000e+00 : f32
    %jit3A_2 = arith.constant 0.000000e+00 : f32
    %broadcast_in_dim3A = vector.broadcast %jit3A : f32 to vector<10240x64xf32>
    %broadcast_in_dim3A_3 = vector.broadcast %jit3A_2 : f32 to vector<10240x64xf32>
    %select_n3A = arith.select %eq3A_1, %broadcast_in_dim3A, %broadcast_in_dim3A_3 : vector<10240x64xi1>, vector<10240x64xf32>
    %get3A_4 = arith.constant 0 : index
    %get3A_5 = arith.constant 0 : index
    %get3A_6 = vector.load %arg0[%get3A_4, %get3A_5] : memref<10240x128xf32, #tpu.memory_space<vmem>>, vector<10240x128xf32>
    %dot_general3A = arith.constant dense<0.000000e+00> : vector<64x128xf32>
    %dot_general3A_7 = tpu.matmul %select_n3A, %get3A_6, %dot_general3A {dimension_numbers = #tpu.dot_dimension_numbers<[0], [0], [1], [1], [0, 1, 1, 1], [], []>, precision = #tpu.contract_precision<fp32>, transpose_lhs_hint = false} : vector<10240x64xf32>, vector<10240x128xf32>, vector<64x128xf32> -> vector<64x128xf32>
    %broadcast_in_dim3A_8 = arith.constant 1.000000e+00 : f32
    %broadcast_in_dim3A_9 = vector.broadcast %broadcast_in_dim3A_8 : f32 to vector<10240x1xf32>
    %dot_general3A_10 = arith.constant dense<0.000000e+00> : vector<64x1xf32>
    %dot_general3A_11 = tpu.matmul %select_n3A, %broadcast_in_dim3A_9, %dot_general3A_10 {dimension_numbers = #tpu.dot_dimension_numbers<[0], [0], [1], [1], [0, 1, 1, 1], [], []>, precision = #tpu.contract_precision<fp32>, transpose_lhs_hint = false} : vector<10240x64xf32>, vector<10240x1xf32>, vector<64x1xf32> -> vector<64x1xf32>
    %max3A = arith.constant 1.000000e+00 : f32
    %max3A_12 = vector.broadcast %max3A : f32 to vector<64x1xf32>
    %max3A_13 = arith.maximumf %dot_general3A_11, %max3A_12 : vector<64x1xf32>
    %div3A = vector.broadcast %max3A_13 : vector<64x1xf32> to vector<64x128xf32>
    %div3A_14 = arith.divf %dot_general3A_7, %div3A : vector<64x128xf32>
    %get3A_15 = arith.constant 0 : index
    %get3A_16 = arith.constant 0 : index
    %get3A_17 = vector.load %arg2[%get3A_15, %get3A_16] : memref<128x64xf32, #tpu.memory_space<vmem>>, vector<128x64xf32>
    %dot_general3A_18 = arith.constant dense<0.000000e+00> : vector<64x64xf32>
    %dot_general3A_19 = tpu.matmul %div3A_14, %get3A_17, %dot_general3A_18 {dimension_numbers = #tpu.dot_dimension_numbers<[1], [0], [0], [1], [0, 0, 1, 1], [], []>, transpose_lhs_hint = false} : vector<64x128xf32>, vector<128x64xf32>, vector<64x64xf32> -> vector<64x64xf32>
    %get3A_20 = arith.constant 0 : index
    %get3A_21 = arith.constant 0 : index
    %get3A_22 = vector.load %arg3[%get3A_20, %get3A_21] : memref<1x64xf32, #tpu.memory_space<vmem>>, vector<1x64xf32>
    %add3A = vector.broadcast %get3A_22 : vector<1x64xf32> to vector<64x64xf32>
    %add3A_23 = arith.addf %dot_general3A_19, %add3A : vector<64x64xf32>
    %max3A_24 = arith.constant 0.000000e+00 : f32
    %max3A_25 = vector.broadcast %max3A_24 : f32 to vector<64x64xf32>
    %max3A_26 = arith.maximumf %add3A_23, %max3A_25 : vector<64x64xf32>
    %get3A_27 = arith.constant 0 : index
    %get3A_28 = arith.constant 0 : index
    %get3A_29 = vector.load %arg4[%get3A_27, %get3A_28] : memref<64x32xf32, #tpu.memory_space<vmem>>, vector<64x32xf32>
    %dot_general3A_30 = arith.constant dense<0.000000e+00> : vector<64x32xf32>
    %dot_general3A_31 = tpu.matmul %max3A_26, %get3A_29, %dot_general3A_30 {dimension_numbers = #tpu.dot_dimension_numbers<[1], [0], [0], [1], [0, 0, 1, 1], [], []>, transpose_lhs_hint = false} : vector<64x64xf32>, vector<64x32xf32>, vector<64x32xf32> -> vector<64x32xf32>
    %get3A_32 = arith.constant 0 : index
    %get3A_33 = arith.constant 0 : index
    %get3A_34 = vector.load %arg5[%get3A_32, %get3A_33] : memref<1x32xf32, #tpu.memory_space<vmem>>, vector<1x32xf32>
    %add3A_35 = vector.broadcast %get3A_34 : vector<1x32xf32> to vector<64x32xf32>
    %add3A_36 = arith.addf %dot_general3A_31, %add3A_35 : vector<64x32xf32>
    %max3A_37 = arith.constant 0.000000e+00 : f32
    %max3A_38 = vector.broadcast %max3A_37 : f32 to vector<64x32xf32>
    %max3A_39 = arith.maximumf %add3A_36, %max3A_38 : vector<64x32xf32>
    %get3A_40 = arith.constant 0 : index
    %get3A_41 = arith.constant 0 : index
    %get3A_42 = vector.load %arg6[%get3A_40, %get3A_41] : memref<32x1xf32, #tpu.memory_space<vmem>>, vector<32x1xf32>
    %dot_general3A_43 = arith.constant dense<0.000000e+00> : vector<64x1xf32>
    %dot_general3A_44 = tpu.matmul %max3A_39, %get3A_42, %dot_general3A_43 {dimension_numbers = #tpu.dot_dimension_numbers<[1], [0], [0], [1], [0, 0, 1, 1], [], []>, transpose_lhs_hint = false} : vector<64x32xf32>, vector<32x1xf32>, vector<64x1xf32> -> vector<64x1xf32>
    %get3A_45 = arith.constant 0 : index
    %get3A_46 = arith.constant 0 : index
    %get3A_47 = vector.load %arg7[%get3A_45, %get3A_46] : memref<1x1xf32, #tpu.memory_space<vmem>>, vector<1x1xf32>
    %add3A_48 = vector.broadcast %get3A_47 : vector<1x1xf32> to vector<64x1xf32>
    %add3A_49 = arith.addf %dot_general3A_44, %add3A_48 : vector<64x1xf32>
    %swap3A = arith.constant 0 : index
    %swap3A_50 = arith.constant 0 : index
    %swap3A_51 = vector.load %arg8[%swap3A, %swap3A_50] : memref<64x1xf32, #tpu.memory_space<vmem>>, vector<64x1xf32>
    tpu.vector_store %arg8[%swap3A, %swap3A_50], %add3A_49 {strides = array<i32>} : memref<64x1xf32, #tpu.memory_space<vmem>>, vector<64x1xf32>,
    return
  }
}

</mosaic_0001>

<sc_bundles>
// kernel: kernel.14.cloned.1.call-start
scs
__scs_entry_jumppad:
0x0: {  	(pc) =	sbr.rel $0x88, $3  }
0x1: {  	(tag) =	ssettag $0x0;
	lr =	simm.s32 $0x1  }
0x2: {  	[smem:$0x3F93] =	sst lr;
	_ =	strace $0xD0000000  }
0x3: {  	_ = 	snop  }
0x4: {  	_ = 	snop  }
0x5: {  	_ = 	snop  }
0x6: {  	_ = 	snop  }
0x7: {  	_ = 	snop  }
__scs_overlays_trampoline_lowered:
0x8: {  	[smem:$0x3FA2] =	sst s0  }
0x9: {  	[smem:$0x3FA3] =	sst s1  }
0xa: {  	[smem:$0x3FA4] =	sst s2  }
0xb: {  	[smem:$0x3FA5] =	sst s3  }
0xc: {  	[smem:$0x3FA6] =	sst s4  }
0xd: {  	[smem:$0x3FA7] =	sst s5  }
0xe: {  	[smem:$0x3FA8] =	sst s6  }
0xf: {  	[smem:$0x3FA9] =	sst s7  }
0x10: {  	[smem:$0x3FAA] =	sst s8  }
0x11: {  	[smem:$0x3FAB] =	sst s9;
	s0 =	simm.s32 @!p0 $0x0  }
0x12: {  	s1 =	sld [smem:$0x3F91];
	s0 =	simm.s32 @p0 $0x1  }
0x13: {  	[smem:$0x3FAC] =	sst s0;
	s0 =	simm.s32 @!p1 $0x0  }
0x14: {  	s2 =	sld [smem:$0x3F90];
	s0 =	simm.s32 @p1 $0x1  }
0x15: {  	[smem:$0x3FAD] =	sst s0;
	s0 =	simm.s32 @!p2 $0x0  }
0x16: {  	s3 =	sld [smem:$0x3FDB];
	s0 =	simm.s32 @p2 $0x1  }
0x17: {  	s4 =	simm.s32 $0x1BF5;
	[smem:$0x3FAF] =	sst s0  }
0x18: {  	s0 =	sld [smem:$0x3F92];
	_ =	swait.ge [sflag:s4], $0x0  }
0x19: {  	s7 =	sld [smem:$0x3F93]  }
0x1a: {  	s8 =	sadd.s32 $0xFFFFE003, lr  }
0x1b: {  	s9 =	sadd.s32 $0xFFFFFEF7, lr;
	s5 =	simm.s32 $0xFFFFFFFF;
	p2 =	slt.u32 s8, $0xFFFFF086  }
0x1c: {  	p1 =	slt.u32 s9, $0xF7A;
	s5 =	simm.s32 @!p2 $0x0  }
0x1d: {  	s5 =	simm.s32 @p1 $0x1;
	p0 =	seq.s32 s7, s2  }
0x1e: {  	s7 =	smul.u32 @!p0 $0xF7A, s2;
	p2 =	seq.s32 @!p0 s5, $0x0  }
0x1f: {  	s9 =	smul.u32 $0xF7A, s1;
	s8 =	simm.s32 @!p0 $0x1BF5;
	p2 =	por !p2, p0  }
0x20: {  	[sflag:s8] =	ssyncset.s32 @!p0 $0xFFFFF086;
	s6 =	sadd.s32 @!p0 s3, s7;
	s7 =	simm.s32 @!p0 $0x108  }
0x21: {  	s3 =	sadd.s32 s3, s9;
	s6 =	sadd.s32 @!p0 $0x88, s6;
	s7 =	simm.s32 @p2 $0x1082  }
0x22: {  	[simem:s7], [sflag:s8] =	dma.local @!p0 [hbm:s6], $0xF7A  }
0x23: {  	s9 =	sor.u32 $0xD0000000, s2;
	s6 =	simm.s32 $0x108;
	_ =	swait.ge @!p0 [sflag:s8], $0x0  }
0x24: {  	s3 =	sadd.s32 $0x88, s3;
	s6 =	simm.s32 @!p1 $0x1082;
	[sflag:s4] =	ssyncset.s32 $0xFFFFF086  }
0x25: {  	[simem:s6], [sflag:s4] =	dma.local [hbm:s3], $0xF7A  }
0x26: {  	[smem:$0x3F93] =	sst s1;
	(tag) =	ssettag s2;
	_ =	strace s9  }
0x27: {  	s1 =	sld [smem:$0x3FA3]  }
0x28: {  	s2 =	sld [smem:$0x3FA4]  }
0x29: {  	s4 =	sld [smem:$0x3FA6]  }
0x2a: {  	p0 =	seq.s32 s5, $0x0;
	s5 =	sld [smem:$0x3FA7]  }
0x2b: {  	s6 =	sld [smem:$0x3FA8]  }
0x2c: {  	s7 =	sld [smem:$0x3FA9]  }
0x2d: {  	s3 =	simm.s32 $0x108;
	s8 =	sld [smem:$0x3FAA]  }
0x2e: {  	s3 =	simm.s32 @!p0 $0x1082;
	s9 =	sld [smem:$0x3FAB]  }
0x2f: {  	lr =	sadd.s32 s0, s3;
	s0 =	sld [smem:$0x3FA2]  }
0x30: {  	s3 =	sld [smem:$0x3FA5]  }
0x31: {  	[smem:$0x3FAE] =	sst s10  }
0x32: {  	s10 =	sld [smem:$0x3FAC];
	_ =	sdelay $0x3  }
0x33: {  	p0 =	seq.s32 s10, $0x1;
	s10 =	sld [smem:$0x3FAE];
	_ =	sdelay $0x3  }
0x34: {  	[smem:$0x3FAE] =	sst s10  }
0x35: {  	s10 =	sld [smem:$0x3FAD];
	_ =	sdelay $0x3  }
0x36: {  	p1 =	seq.s32 s10, $0x1;
	s10 =	sld [smem:$0x3FAE];
	_ =	sdelay $0x3  }
0x37: {  	[smem:$0x3FAE] =	sst s10  }
0x38: {  	s10 =	sld [smem:$0x3FAF]  }
0x39: {  	_ = 	snop;
	(pc) =	sbr.ind lr, $3  }
0x3a: {  	_ = 	snop  }
0x3b: {  	_ = 	snop  }
0x3c: {  	p2 =	seq.s32 s10, $0x1;
	s10 =	sld [smem:$0x3FAE]  }
0x3d: {  	_ =	shalt  }
0x3e: {  	_ =	shalt  }
0x3f: {  	_ =	shalt  }
0x40: {  	_ =	shalt  }
0x41: {  	_ =	shalt  }
0x42: {  	_ =	shalt  }
0x43: {  	_ =	shalt  }
0x44: {  	_ =	shalt  }
0x45: {  	_ =	shalt  }
0x46: {  	_ =	shalt  }
0x47: {  	_ =	shalt  }
0x48: {  	_ =	shalt  }
0x49: {  	_ =	shalt  }
0x4a: {  	_ =	shalt  }
0x4b: {  	_ =	shalt  }
0x4c: {  	_ =	shalt  }
0x4d: {  	_ =	shalt  }
0x4e: {  	_ =	shalt  }
0x4f: {  	_ =	shalt  }
0x50: {  	_ =	shalt  }
0x51: {  	_ =	shalt  }
0x52: {  	_ =	shalt  }
0x53: {  	_ =	shalt  }
0x54: {  	_ =	shalt  }
0x55: {  	_ =	shalt  }
0x56: {  	_ =	shalt  }
0x57: {  	_ =	shalt  }
0x58: {  	_ =	shalt  }
0x59: {  	_ =	shalt  }
0x5a: {  	_ =	shalt  }
0x5b: {  	_ =	shalt  }
0x5c: {  	_ =	shalt  }
0x5d: {  	_ =	shalt  }
0x5e: {  	_ =	shalt  }
0x5f: {  	_ =	shalt  }
0x60: {  	_ =	shalt  }
0x61: {  	_ =	shalt  }
0x62: {  	_ =	shalt  }
0x63: {  	_ =	shalt  }
0x64: {  	_ =	shalt  }
0x65: {  	_ =	shalt  }
0x66: {  	_ =	shalt  }
0x67: {  	_ =	shalt  }
0x68: {  	_ =	shalt  }
0x69: {  	_ =	shalt  }
0x6a: {  	_ =	shalt  }
0x6b: {  	_ =	shalt  }
0x6c: {  	_ =	shalt  }
0x6d: {  	_ =	shalt  }
0x6e: {  	_ =	shalt  }
0x6f: {  	_ =	shalt  }
0x70: {  	_ =	shalt  }
0x71: {  	_ =	shalt  }
0x72: {  	_ =	shalt  }
0x73: {  	_ =	shalt  }
0x74: {  	_ =	shalt  }
0x75: {  	_ =	shalt  }
0x76: {  	_ =	shalt  }
0x77: {  	_ =	shalt  }
0x78: {  	_ =	shalt  }
0x79: {  	_ =	shalt  }
0x7a: {  	_ =	shalt  }
0x7b: {  	_ =	shalt  }
0x7c: {  	_ =	shalt  }
0x7d: {  	_ =	shalt  }
0x7e: {  	_ =	shalt  }
0x7f: {  	_ =	shalt  }
0x80: {  	_ =	shalt  }
0x81: {  	_ =	shalt  }
0x82: {  	_ =	shalt  }
0x83: {  	_ =	shalt  }
0x84: {  	_ =	shalt  }
0x85: {  	_ =	shalt  }
0x86: {  	_ =	shalt  }
0x87: {  	_ =	shalt  }
.Lfunc_end0:
.L_simem_size_0:
called_computation_lowered:
.L_overlay_start_0:
0x88: {  	s2 =	sld [smem:$0x3FD9]  }
0x89: {  	s3 =	sld [smem:$0x3FFE];
	_ =	sdelay $0x1  }
0x8a: {  	s1 =	srdreg.scid  }
0x8b: {  	s0 =	sand.u32 $0x1, s1  }
0x8c: {  	s16 =	sshll.u32 s0, $0xA;
	s2 =	sadd.s32 s3, s2  }
0x8d: {  	s2 =	sadd.s32 s2, s16  }
0x8e: {  	[smem:$0x3FBA] =	sst s2  }
0x8f: {  	_ = 	snop  }
0x90: {  	(tm) =	ssettm $0x1  }
0x91: {  	s17 =	sld [smem:$0x3FFB];
	_ =	sdelay $0x3  }
0x92: {  	_ =	strace s17  }
0x93: {  	s2 =	sld [smem:$0x3FFC];
	_ =	sdelay $0x3  }
0x94: {  	_ =	strace s2  }
0x95: {  	s2 =	sld [smem:$0x3FFD];
	_ =	sdelay $0x3  }
0x96: {  	_ =	strace s2  }
0x97: {  	_ =	strace $0x8FFFFFFF  }
0x98: {  	s18 =	sld [smem:$0x3FDB];
	_ =	sdelay $0x1  }
0x99: {  	s19 =	simm.s32 $_scs_section_size  }
0x9a: {  	s4 =	simm.s32 $_size__tile_overlayer_lowered;
	s5 =	simm.s32 $_tile_overlayer_lowered  }
0x9b: {  	s22 =	simm.s32 $0x1BFF;
	s21 =	sshll.u32 s5, $0x1;
	s2 =	sadd.s32 s19, s18  }
0x9c: {  	s6 =	simm.s32 $0x0;
	s20 =	sshll.u32 s4, $0x1;
	s4 =	sadd.s32 s21, s2  }
0x9d: {  	[timem:s6], [sflag:s22] =	dma.local [hbm:s4], s20  }
0x9e: {  	_ =	swait.ge [sflag:s22], s20  }
0x9f: {  	s3 =	ssub.s32 $0x0, s20;
	[sflag:s22] =	ssyncset.done $0x0  }
0xa0: {  	[sflag:s22] =	ssyncadd.s32 s3;
	_ =	sdelay $0x1  }
0xa1: {  	s23 =	simm.s32 $0x1B8B  }
0xa2: {  	_ =	swait.ge [sflag:s23], $0x1  }
0xa3: {  	[sflag:s23] =	ssyncset.done $0x0  }
0xa4: {  	s25 =	simm.s32 $0x1B8E;
	s24 =	sld [smem:$0x3FFE];
	[sflag:s23] =	ssyncadd.s32 $0xFFFFFFFF  }
0xa5: {  	s26 =	simm.s32 $execute0_lowered;
	[smem:$0x3FD2] =	sst s25  }
0xa6: {  	s4 =	sshll.u32 s26, $0x1;
	_ =	strace $0x80000046;
	[dreg:$0x1] =	wrdreg $0xFFFFFFFF  }
0xa7: {  	s28 =	simm.s32 $_size_execute0_lowered;
	s2 =	sadd.s32 s2, s4;
	[dreg:$0x0] =	wrdreg $0x0  }
0xa8: {  	s4 =	sshll.u32 s28, $0x1;
	[dreg:$0x2] =	wrdreg s2  }
0xa9: {  	[dreg:$0x3] =	wrdreg s4  }
0xaa: {  	[dreg:$0x4] =	wrdreg $0xC0  }
0xab: {  	_ =	task [dreg:s6], $0x5FFFF  }
0xac: {  	[dreg:$0x1] =	wrdreg $0xFFFFFFFF  }
0xad: {  	[dreg:$0x0] =	wrdreg $0x60  }
0xae: {  	[dreg:$0x2] =	wrdreg s24  }
0xaf: {  	[dreg:$0x3] =	wrdreg $0x9  }
0xb0: {  	_ =	task.clear_ibuf [dreg:s6], $0x4FFFF;
	_ =	strace $0x90000046  }
0xb1: {  	s29 =	simm.s32 $0x9;
	_ =	strace $0x80000048  }
0xb2: {  	_ =	swait.ge [sflag:s29], $0x1  }
0xb3: {  	[sflag:s29] =	ssyncadd.s32 $0xFFFFFFFF  }
0xb4: {  	_ =	strace $0x90000048  }
0xb5: {  	_ =	sfence  }
0xb6: {  	s30 =	sld [smem:$0x0];
	_ =	sdelay $0x2  }
0xb7: {  	s31 =	sshll.u32 s1, $0xD;
	s1 =	sshrl.u32 s1, $0x2  }
0xb8: {  	s3 =	sand.u32 $0x4000, s31;
	s1 =	sadd.s32 s1, s30  }
0xb9: {  	s0 =	sor.u32 s3, s0;
	s1 =	sshll.u32 s1, $0x11  }
0xba: {  	s0 =	sor.u32 s1, s0  }
0xbb: {  	s0 =	sadd.s32 $0x8F2B, s0  }
0xbc: {  	[sflag:s0] =	ssyncadd.remote.s32 $0x1  }
0xbd: {  	_ =	sfence.sel $0xFFFF  }
0xbe: {  	[dreg:$0x0] =	wrdreg $0xFFFFFFFF;
	(pc) =	sbr.abs _section_cstart, $3  }
0xbf: {  	[dreg:$0x1] =	wrdreg $0xFFFFFFFF  }
0xc0: {  	_ =	task.clear_ibuf [dreg:s6], $0x2FFFF;
	_ =	strace $0x9FFFFFFF  }
0xc1: {  	(tm) =	ssettm $0x7FFFFFFF  }
tec
execute0_lowered:
.L_overlay_start_1:
0x0: {  	(tag) =	ssettag $0x1  }
0x1: {  	s0 =	srdreg.scid  }
0x2: {  	s5 =	rddreg [dreg:$0x0];
	s3 =	sand.u32 $0x1, s0  }
0x3: {  	s2 =	simm.s32 $0x0;
	s0 =	stileid.u32;
	s1 =	sshll.u32 s3, $0x4  }
0x4: {  	s8 =	simm.s32 $0x80;
	s9 =	simm.s32 $0x400;
	s4 =	sor.u32 s0, s1  }
0x5: {  	s10 =	simm.s32 $0x0;
	[smem:$0x7FF] =	sst s2;
	s1 =	sshrl.u32 s4, $0x3  }
0x6: {  	s7 =	sshll.u32 s0, $0x7;
	s3 =	ssub.s32 $0x2, s3;
	s6 =	smul.u32 $0x14000, s1  }
0x7: {  	s7 =	sand.u32 $0x380, s7;
	s31 =	sshrl.u32 s3, $0x1;
	s4 =	smul.u32 $0x500, s4  }
0x8: {  	s1 =	rddreg [dreg:$0x1];
	_ =	strace $0x80000047;
	s6 =	sor.u32 s7, s6  }
0x9: {  	s4 =	sadd.s32 s4, s5;
	s7 =	simm.s32 $0x2800;
	s6 =	sshrl.u32 s6, $0x3  }
0xa: {  	s5 =	sadd.s32 s6, s5;
	s6 =	ssub.s32 s3, s31;
	s3 =	sadd.s32 $0x4000, s4  }
0xb: {  	v0 =	vimm.f32 $0.0e+00;
	v1 =	vimm.f32 $1.000000000e+00;
	s4 =	sadd.s32 $0x18000, s5;
	s5 =	smax.u32 s6, $0x1;
	s6 =	simm.s32 $0x1  }
.LBB2_1:
0xc: {  	[tilespmem:s2], [sflag:$0x1] =	stream.linear.gather [hbm4b:s3+s2], $0x2800, $0x38;
	[tilespmem:$0x5000] =	vst v63  }
0xd: {  	_ =	swait.ge [sflag:s6], $0x2800  }
0xe: {  	[sflag:s6] =	ssyncset.done $0x0  }
0xf: {  	s11 =	simm.s32 $0x0;
	[sflag:s6] =	ssyncadd.s32 $0xFFFFD800  }
.LBB2_2:
0x10: {  	p0 =	sne.s32 s11, $0x9FC0  }
.Ltmp0:
0x11: {  	_ = 	snop;
	(pc) =	sbr.rel @p0 .LBB2_2-.Ltmp0, $3  }
0x12: {  	_ =	sdelay $0x1  }
0x13: {  	s12 =	sshra.s32 s11, $0x2  }
0x14: {  	s11 =	sadd.s32 $0x40, s11;
	[tilespmem:s12+$0x2800] =	vst v0  }
0x15: {  	s11 =	simm.s32 $0x0  }
0x16: {  	s12 =	sand.u32 $0xFE00, s11  }
0x17: {  	s11 =	sand.u32 $0x70, s11;
	s12 =	sshrl.u32 s12, $0x2  }
0x18: {  	s11 =	sor.u32 s11, s12  }
0x19: {  	v2 =	vld [tilespmem:s11+$0x0];
	_ =	sdelay $0x4  }
0x1a: {  	s13 =	simm.s32 $0x40  }
0x1b: {  	s13 =	sand.u32 $0xFE00, s13;
	s12 =	simm.s32 $0x80;
	s11 =	simm.s32 $0x10  }
.LBB2_4:
0x1c: {  	p0 =	sne.s32 s12, $0x9FC0;
	s14 =	sand.u32 $0x70, s11;
	s13 =	sshrl.u32 s13, $0x2  }
0x1d: {  	s13 =	sor.u32 s14, s13;
	[tilespmem:v2+s7+$0x0] =	vst.idx.add.f32.msk $0xffff, v1  }
0x1e: {  	v2 =	vld [tilespmem:s13+$0x0];
	_ =	sdelay $0x1  }
.Ltmp1:
0x1f: {  	(pc) =	sbr.rel @p0 .LBB2_4-.Ltmp1, $2  }
0x20: {  	_ =	sdelay $0x2  }
0x21: {  	s11 =	sadd.s32 $0x10, s11;
	s13 =	sand.u32 $0xFE00, s12;
	s12 =	sadd.s32 $0x40, s12  }
0x22: {  	_ =	sdelay $0x2  }
0x23: {  	s11 =	sand.u32 $0x70, s11;
	s12 =	sshrl.u32 s13, $0x2  }
0x24: {  	[tilespmem:v2+s7+$0x0] =	vst.idx.add.f32.msk $0xffff, v1;
	s11 =	sor.u32 s11, s12  }
0x25: {  	v2 =	vld [tilespmem:s11+$0x0];
	_ =	sdelay $0x5  }
0x26: {  	s10 =	sadd.s32 $0x1, s10  }
0x27: {  	p0 =	sne.s32 s10, s5  }
.Ltmp2:
0x28: {  	[tilespmem:v2+s7+$0x0] =	vst.idx.add.f32.msk $0xffff, v1;
	(pc) =	sbr.rel @p0 .LBB2_1-.Ltmp2, $4  }
0x29: {  	[hbm4b:s4+s8] =	stream.strided.scatter [tilespmem:s7], [sflag:$0x1], $0x2800, s9, s8, $0x38;
	[tilespmem:$0x5000] =	vst v63  }
0x2a: {  	_ =	swait.ge [sflag:s6], $0x2800  }
0x2b: {  	[sflag:s6] =	ssyncset.done $0x0  }
0x2c: {  	[sflag:s6] =	ssyncadd.s32 $0xFFFFD800  }
0x2d: {  	_ =	sfence.sel $0x180000  }
0x2e: {  	[bflag:$0x0] =	sbarrier.arrive $0xFFFF  }
0x2f: {  	p0 =	sne.s32 s0, $0x0;
	_ =	strace $0x90000047  }
0x30: {  	s0 =	sadd.s32 @!p0 $0x100000, s1;
	[bflag:$0x2] =	sbarrier.arrive $0xFFFF  }
0x31: {  	[sflag:s0] =	ssyncadd.tile.s32 @!p0 $0x1;
	_ =	shalt  }
.Lfunc_end2:
_tile_overlayer_lowered:
.L_overlay_start_2:
0x32: {  	(tag) =	ssettag $0x2  }
0x33: {  	s0 =	rddreg [dreg:$0x0];
	s2 =	stileid.u32  }
0x34: {  	s1 =	rddreg [dreg:$0x1];
	p0 =	sne.s32 s2, $0x0  }
0x35: {  	s3 =	rddreg [dreg:$0x2];
	[bflag:$0x3] =	sbarrier.arrive $0xFFFF;
	s2 =	simm.s32 @!p0 $0x1C01  }
0x36: {  	[timem:s3], [sflag:s2] =	dma.local @!p0 [hbm:s0], s1  }
0x37: {  	s0 =	simm.s32 @!p0 $0x1  }
0x38: {  	_ =	swait.ge @!p0 [sflag:s0], s1  }
0x39: {  	s1 =	ssub.s32 @!p0 $0x0, s1;
	[sflag:s0] =	ssyncset.done @!p0 $0x0  }
0x3a: {  	[sflag:s0] =	ssyncadd.s32 @!p0 s1  }
0x3b: {  	[bflag:$0x3] =	sbarrier.arrive $0xFFFF  }
0x3c: {  	_ =	shalt  }

// kernel: kernel.17.cloned.1.call-start
scs
__scs_entry_jumppad:
0x0: {  	(pc) =	sbr.rel $0x88, $3  }
0x1: {  	(tag) =	ssettag $0x0;
	lr =	simm.s32 $0x1  }
0x2: {  	[smem:$0x3F93] =	sst lr;
	_ =	strace $0xD0000000  }
0x3: {  	_ = 	snop  }
0x4: {  	_ = 	snop  }
0x5: {  	_ = 	snop  }
0x6: {  	_ = 	snop  }
0x7: {  	_ = 	snop  }
__scs_overlays_trampoline_lowered:
0x8: {  	[smem:$0x3FA2] =	sst s0  }
0x9: {  	[smem:$0x3FA3] =	sst s1  }
0xa: {  	[smem:$0x3FA4] =	sst s2  }
0xb: {  	[smem:$0x3FA5] =	sst s3  }
0xc: {  	[smem:$0x3FA6] =	sst s4  }
0xd: {  	[smem:$0x3FA7] =	sst s5  }
0xe: {  	[smem:$0x3FA8] =	sst s6  }
0xf: {  	[smem:$0x3FA9] =	sst s7  }
0x10: {  	[smem:$0x3FAA] =	sst s8  }
0x11: {  	[smem:$0x3FAB] =	sst s9;
	s0 =	simm.s32 @!p0 $0x0  }
0x12: {  	s1 =	sld [smem:$0x3F91];
	s0 =	simm.s32 @p0 $0x1  }
0x13: {  	[smem:$0x3FAC] =	sst s0;
	s0 =	simm.s32 @!p1 $0x0  }
0x14: {  	s2 =	sld [smem:$0x3F90];
	s0 =	simm.s32 @p1 $0x1  }
0x15: {  	[smem:$0x3FAD] =	sst s0;
	s0 =	simm.s32 @!p2 $0x0  }
0x16: {  	s3 =	sld [smem:$0x3FDB];
	s0 =	simm.s32 @p2 $0x1  }
0x17: {  	s4 =	simm.s32 $0x1BF5;
	[smem:$0x3FAF] =	sst s0  }
0x18: {  	s0 =	sld [smem:$0x3F92];
	_ =	swait.ge [sflag:s4], $0x0  }
0x19: {  	s7 =	sld [smem:$0x3F93]  }
0x1a: {  	s8 =	sadd.s32 $0xFFFFE003, lr  }
0x1b: {  	s9 =	sadd.s32 $0xFFFFFEF7, lr;
	s5 =	simm.s32 $0xFFFFFFFF;
	p2 =	slt.u32 s8, $0xFFFFF086  }
0x1c: {  	p1 =	slt.u32 s9, $0xF7A;
	s5 =	simm.s32 @!p2 $0x0  }
0x1d: {  	s5 =	simm.s32 @p1 $0x1;
	p0 =	seq.s32 s7, s2  }
0x1e: {  	s7 =	smul.u32 @!p0 $0xF7A, s2;
	p2 =	seq.s32 @!p0 s5, $0x0  }
0x1f: {  	s9 =	smul.u32 $0xF7A, s1;
	s8 =	simm.s32 @!p0 $0x1BF5;
	p2 =	por !p2, p0  }
0x20: {  	[sflag:s8] =	ssyncset.s32 @!p0 $0xFFFFF086;
	s6 =	sadd.s32 @!p0 s3, s7;
	s7 =	simm.s32 @!p0 $0x108  }
0x21: {  	s3 =	sadd.s32 s3, s9;
	s6 =	sadd.s32 @!p0 $0x88, s6;
	s7 =	simm.s32 @p2 $0x1082  }
0x22: {  	[simem:s7], [sflag:s8] =	dma.local @!p0 [hbm:s6], $0xF7A  }
0x23: {  	s9 =	sor.u32 $0xD0000000, s2;
	s6 =	simm.s32 $0x108;
	_ =	swait.ge @!p0 [sflag:s8], $0x0  }
0x24: {  	s3 =	sadd.s32 $0x88, s3;
	s6 =	simm.s32 @!p1 $0x1082;
	[sflag:s4] =	ssyncset.s32 $0xFFFFF086  }
0x25: {  	[simem:s6], [sflag:s4] =	dma.local [hbm:s3], $0xF7A  }
0x26: {  	[smem:$0x3F93] =	sst s1;
	(tag) =	ssettag s2;
	_ =	strace s9  }
0x27: {  	s1 =	sld [smem:$0x3FA3]  }
0x28: {  	s2 =	sld [smem:$0x3FA4]  }
0x29: {  	s4 =	sld [smem:$0x3FA6]  }
0x2a: {  	p0 =	seq.s32 s5, $0x0;
	s5 =	sld [smem:$0x3FA7]  }
0x2b: {  	s6 =	sld [smem:$0x3FA8]  }
0x2c: {  	s7 =	sld [smem:$0x3FA9]  }
0x2d: {  	s3 =	simm.s32 $0x108;
	s8 =	sld [smem:$0x3FAA]  }
0x2e: {  	s3 =	simm.s32 @!p0 $0x1082;
	s9 =	sld [smem:$0x3FAB]  }
0x2f: {  	lr =	sadd.s32 s0, s3;
	s0 =	sld [smem:$0x3FA2]  }
0x30: {  	s3 =	sld [smem:$0x3FA5]  }
0x31: {  	[smem:$0x3FAE] =	sst s10  }
0x32: {  	s10 =	sld [smem:$0x3FAC];
	_ =	sdelay $0x3  }
0x33: {  	p0 =	seq.s32 s10, $0x1;
	s10 =	sld [smem:$0x3FAE];
	_ =	sdelay $0x3  }
0x34: {  	[smem:$0x3FAE] =	sst s10  }
0x35: {  	s10 =	sld [smem:$0x3FAD];
	_ =	sdelay $0x3  }
0x36: {  	p1 =	seq.s32 s10, $0x1;
	s10 =	sld [smem:$0x3FAE];
	_ =	sdelay $0x3  }
0x37: {  	[smem:$0x3FAE] =	sst s10  }
0x38: {  	s10 =	sld [smem:$0x3FAF]  }
0x39: {  	_ = 	snop;
	(pc) =	sbr.ind lr, $3  }
0x3a: {  	_ = 	snop  }
0x3b: {  	_ = 	snop  }
0x3c: {  	p2 =	seq.s32 s10, $0x1;
	s10 =	sld [smem:$0x3FAE]  }
0x3d: {  	_ =	shalt  }
0x3e: {  	_ =	shalt  }
0x3f: {  	_ =	shalt  }
0x40: {  	_ =	shalt  }
0x41: {  	_ =	shalt  }
0x42: {  	_ =	shalt  }
0x43: {  	_ =	shalt  }
0x44: {  	_ =	shalt  }
0x45: {  	_ =	shalt  }
0x46: {  	_ =	shalt  }
0x47: {  	_ =	shalt  }
0x48: {  	_ =	shalt  }
0x49: {  	_ =	shalt  }
0x4a: {  	_ =	shalt  }
0x4b: {  	_ =	shalt  }
0x4c: {  	_ =	shalt  }
0x4d: {  	_ =	shalt  }
0x4e: {  	_ =	shalt  }
0x4f: {  	_ =	shalt  }
0x50: {  	_ =	shalt  }
0x51: {  	_ =	shalt  }
0x52: {  	_ =	shalt  }
0x53: {  	_ =	shalt  }
0x54: {  	_ =	shalt  }
0x55: {  	_ =	shalt  }
0x56: {  	_ =	shalt  }
0x57: {  	_ =	shalt  }
0x58: {  	_ =	shalt  }
0x59: {  	_ =	shalt  }
0x5a: {  	_ =	shalt  }
0x5b: {  	_ =	shalt  }
0x5c: {  	_ =	shalt  }
0x5d: {  	_ =	shalt  }
0x5e: {  	_ =	shalt  }
0x5f: {  	_ =	shalt  }
0x60: {  	_ =	shalt  }
0x61: {  	_ =	shalt  }
0x62: {  	_ =	shalt  }
0x63: {  	_ =	shalt  }
0x64: {  	_ =	shalt  }
0x65: {  	_ =	shalt  }
0x66: {  	_ =	shalt  }
0x67: {  	_ =	shalt  }
0x68: {  	_ =	shalt  }
0x69: {  	_ =	shalt  }
0x6a: {  	_ =	shalt  }
0x6b: {  	_ =	shalt  }
0x6c: {  	_ =	shalt  }
0x6d: {  	_ =	shalt  }
0x6e: {  	_ =	shalt  }
0x6f: {  	_ =	shalt  }
0x70: {  	_ =	shalt  }
0x71: {  	_ =	shalt  }
0x72: {  	_ =	shalt  }
0x73: {  	_ =	shalt  }
0x74: {  	_ =	shalt  }
0x75: {  	_ =	shalt  }
0x76: {  	_ =	shalt  }
0x77: {  	_ =	shalt  }
0x78: {  	_ =	shalt  }
0x79: {  	_ =	shalt  }
0x7a: {  	_ =	shalt  }
0x7b: {  	_ =	shalt  }
0x7c: {  	_ =	shalt  }
0x7d: {  	_ =	shalt  }
0x7e: {  	_ =	shalt  }
0x7f: {  	_ =	shalt  }
0x80: {  	_ =	shalt  }
0x81: {  	_ =	shalt  }
0x82: {  	_ =	shalt  }
0x83: {  	_ =	shalt  }
0x84: {  	_ =	shalt  }
0x85: {  	_ =	shalt  }
0x86: {  	_ =	shalt  }
0x87: {  	_ =	shalt  }
.Lfunc_end0:
.L_simem_size_0:
called_computation.1_lowered:
.L_overlay_start_0:
0x88: {  	s2 =	sld [smem:$0x3FD9]  }
0x89: {  	s3 =	sld [smem:$0x3FFE];
	_ =	sdelay $0x1  }
0x8a: {  	s1 =	srdreg.scid  }
0x8b: {  	s0 =	sand.u32 $0x1, s1  }
0x8c: {  	s16 =	sshll.u32 s0, $0xA;
	s2 =	sadd.s32 s3, s2  }
0x8d: {  	s2 =	sadd.s32 s2, s16  }
0x8e: {  	[smem:$0x3FBA] =	sst s2  }
0x8f: {  	_ = 	snop  }
0x90: {  	(tm) =	ssettm $0x1  }
0x91: {  	s17 =	sld [smem:$0x3FFB];
	_ =	sdelay $0x3  }
0x92: {  	_ =	strace s17  }
0x93: {  	s2 =	sld [smem:$0x3FFC];
	_ =	sdelay $0x3  }
0x94: {  	_ =	strace s2  }
0x95: {  	s2 =	sld [smem:$0x3FFD];
	_ =	sdelay $0x3  }
0x96: {  	_ =	strace s2  }
0x97: {  	_ =	strace $0x8FFFFFFF  }
0x98: {  	s18 =	sld [smem:$0x3FDB];
	_ =	sdelay $0x1  }
0x99: {  	s19 =	simm.s32 $_scs_section_size  }
0x9a: {  	s4 =	simm.s32 $_size__tile_overlayer_lowered;
	s5 =	simm.s32 $_tile_overlayer_lowered  }
0x9b: {  	s22 =	simm.s32 $0x1BFF;
	s21 =	sshll.u32 s5, $0x1;
	s2 =	sadd.s32 s19, s18  }
0x9c: {  	s6 =	simm.s32 $0x0;
	s20 =	sshll.u32 s4, $0x1;
	s4 =	sadd.s32 s21, s2  }
0x9d: {  	[timem:s6], [sflag:s22] =	dma.local [hbm:s4], s20  }
0x9e: {  	_ =	swait.ge [sflag:s22], s20  }
0x9f: {  	s3 =	ssub.s32 $0x0, s20;
	[sflag:s22] =	ssyncset.done $0x0  }
0xa0: {  	[sflag:s22] =	ssyncadd.s32 s3;
	_ =	sdelay $0x1  }
0xa1: {  	s23 =	simm.s32 $0x1B8B  }
0xa2: {  	_ =	swait.ge [sflag:s23], $0x1  }
0xa3: {  	[sflag:s23] =	ssyncset.done $0x0  }
0xa4: {  	s25 =	simm.s32 $0x1B8E;
	s24 =	sld [smem:$0x3FFE];
	[sflag:s23] =	ssyncadd.s32 $0xFFFFFFFF  }
0xa5: {  	s26 =	simm.s32 $execute0_lowered;
	[smem:$0x3FD2] =	sst s25  }
0xa6: {  	s4 =	sshll.u32 s26, $0x1;
	_ =	strace $0x80000049;
	[dreg:$0x1] =	wrdreg $0xFFFFFFFF  }
0xa7: {  	s28 =	simm.s32 $_size_execute0_lowered;
	s2 =	sadd.s32 s2, s4;
	[dreg:$0x0] =	wrdreg $0x0  }
0xa8: {  	s4 =	sshll.u32 s28, $0x1;
	[dreg:$0x2] =	wrdreg s2  }
0xa9: {  	[dreg:$0x3] =	wrdreg s4  }
0xaa: {  	[dreg:$0x4] =	wrdreg $0xC0  }
0xab: {  	_ =	task [dreg:s6], $0x5FFFF  }
0xac: {  	[dreg:$0x1] =	wrdreg $0xFFFFFFFF  }
0xad: {  	[dreg:$0x0] =	wrdreg $0x60  }
0xae: {  	[dreg:$0x2] =	wrdreg s24  }
0xaf: {  	[dreg:$0x3] =	wrdreg $0x90800  }
0xb0: {  	[dreg:$0x4] =	wrdreg $0x9  }
0xb1: {  	_ =	task.clear_ibuf [dreg:s6], $0x5FFFF;
	_ =	strace $0x90000049  }
0xb2: {  	s29 =	simm.s32 $0x9;
	_ =	strace $0x8000004B  }
0xb3: {  	_ =	swait.ge [sflag:s29], $0x1  }
0xb4: {  	[sflag:s29] =	ssyncadd.s32 $0xFFFFFFFF  }
0xb5: {  	_ =	strace $0x9000004B  }
0xb6: {  	_ =	sfence  }
0xb7: {  	s30 =	sld [smem:$0x0];
	_ =	sdelay $0x2  }
0xb8: {  	s31 =	sshll.u32 s1, $0xD;
	s1 =	sshrl.u32 s1, $0x2  }
0xb9: {  	s3 =	sand.u32 $0x4000, s31;
	s1 =	sadd.s32 s1, s30  }
0xba: {  	s0 =	sor.u32 s3, s0;
	s1 =	sshll.u32 s1, $0x11  }
0xbb: {  	s0 =	sor.u32 s1, s0  }
0xbc: {  	s0 =	sadd.s32 $0x8F2B, s0  }
0xbd: {  	[sflag:s0] =	ssyncadd.remote.s32 $0x1  }
0xbe: {  	_ =	sfence.sel $0xFFFF  }
0xbf: {  	[dreg:$0x0] =	wrdreg $0xFFFFFFFF;
	(pc) =	sbr.abs _section_cstart, $3  }
0xc0: {  	[dreg:$0x1] =	wrdreg $0xFFFFFFFF  }
0xc1: {  	_ =	task.clear_ibuf [dreg:s6], $0x2FFFF;
	_ =	strace $0x9FFFFFFF  }
0xc2: {  	(tm) =	ssettm $0x7FFFFFFF  }
0xc3: {  	_ =	shalt  }
tec
execute0_lowered:
.L_overlay_start_1:
0x0: {  	(tag) =	ssettag $0x1  }
0x1: {  	s5 =	rddreg [dreg:$0x0]  }
0x2: {  	s2 =	rddreg [dreg:$0x1];
	s3 =	srdreg.scid  }
0x3: {  	s0 =	rddreg [dreg:$0x2];
	s1 =	stileid.u32;
	s14 =	simm.s32 $0x1  }
0x4: {  	s15 =	simm.s32 $0x2800;
	s16 =	simm.s32 $0x5080;
	s17 =	simm.s32 $0x80  }
0x5: {  	s18 =	simm.s32 $0x5000;
	s21 =	simm.s32 $0x0;
	s9 =	smul.u32 $0x14000, s1  }
0x6: {  	s6 =	sand.u32 $0x1, s3;
	s3 =	simm.s32 $0x0;
	s30 =	smul.u32 $0x50000, s1  }
0x7: {  	s4 =	sshll.u32 s1, $0x1;
	s19 =	sshll.u32 s1, $0x6;
	s7 =	smul.u32 $0x140000, s6  }
0x8: {  	[smem:$0x7FF] =	sst s3;
	s8 =	sor.u32 s6, s4;
	s4 =	sadd.s32 $0x18000, s5  }
0x9: {  	s6 =	ssub.s32 $0x2, s6;
	s19 =	sor.u32 $0x1C01, s19;
	_ =	strace $0x8000004A  }
0xa: {  	s8 =	smul.u32 $0x500, s8;
	s10 =	sshrl.u32 s6, $0x1;
	s7 =	sadd.s32 s9, s7  }
0xb: {  	s31 =	sshrl.u32 s30, $0x2;
	s13 =	ssub.s32 s6, s10;
	s7 =	sshrl.u32 s7, $0x3  }
0xc: {  	s8 =	sadd.s32 s8, s5;
	s13 =	smax.u32 s13, $0x1;
	s12 =	sadd.s32 s7, s5  }
0xd: {  	s5 =	sadd.s32 $0xE000, s8;
	s6 =	sadd.s32 $0x4000, s8;
	s7 =	sadd.s32 s31, s2  }
0xe: {  	s8 =	sadd.s32 $0x4000, s7;
	s9 =	sadd.s32 $0x8000, s7;
	s10 =	sadd.s32 $0xC000, s7  }
0xf: {  	v0 =	vimm.f32 $0.0e+00;
	s11 =	sadd.s32 $0x10000, s7;
	s12 =	sadd.s32 $0x40000, s12;
	s20 =	sshrl.u32 s7, $0x3  }
.LBB2_1:
0x10: {  	[tilespmem:s3], [sflag:$0x1] =	stream.linear.gather [hbm4b:s5+s3], $0x2800, $0x38;
	[tilespmem:$0x1D080] =	vst v63  }
0x11: {  	_ =	swait.ge [sflag:s14], $0x2800  }
0x12: {  	[sflag:s14] =	ssyncset.done $0x0  }
0x13: {  	[sflag:s14] =	ssyncadd.s32 $0xFFFFD800  }
0x14: {  	[tilespmem:s15], [sflag:$0x1] =	stream.linear.gather [hbm4b:s6+s3], $0x2800, $0x38;
	[tilespmem:$0x1D080] =	vst v63  }
0x15: {  	s22 =	sand.u32 $0xFE00, s3;
	s23 =	sand.u32 $0x70, s3;
	_ =	swait.ge [sflag:s14], $0x2800  }
0x16: {  	s24 =	sshrl.u32 s22, $0x2;
	s22 =	simm.s32 $0x40;
	[sflag:s14] =	ssyncset.done $0x0  }
0x17: {  	s24 =	sor.u32 s23, s24;
	s23 =	simm.s32 $0x0;
	[sflag:s14] =	ssyncadd.s32 $0xFFFFD800  }
.LBB2_2:
0x18: {  	p0 =	sne.s32 s22, $0xFFC0  }
0x19: {  	[tilespmem:s24+$0x5080] =	vst v0;
	s23 =	sadd.s32 $0x10, s23;
	s24 =	smov.u32 s22;
	s22 =	sadd.s32 $0x40, s22  }
.Ltmp0:
0x1a: {  	(pc) =	sbr.rel @p0 .LBB2_2-.Ltmp0, $4  }
0x1b: {  	_ = 	snop  }
0x1c: {  	s24 =	sand.u32 $0xFE00, s24  }
0x1d: {  	s25 =	sand.u32 $0x70, s23;
	s24 =	sshrl.u32 s24, $0x2  }
0x1e: {  	s24 =	sor.u32 s25, s24  }
0x1f: {  	[tilespmem:s24+$0x5080] =	vst v0  }
0x20: {  	[spmem:s7] =	stream.linear.scatter [tilespmem:s16], [sflag:$0x1], $0x4000, $0x38;
	[tilespmem:$0x1D080] =	vst v63  }
0x21: {  	_ =	swait.ge [sflag:s14], $0x4000  }
0x22: {  	[sflag:s14] =	ssyncset.done $0x0  }
0x23: {  	[sflag:s14] =	ssyncadd.s32 $0xFFFFC000  }
0x24: {  	[spmem:s8] =	stream.linear.scatter [tilespmem:s16], [sflag:$0x1], $0x4000, $0x38;
	[tilespmem:$0x1D080] =	vst v63  }
0x25: {  	_ =	swait.ge [sflag:s14], $0x4000  }
0x26: {  	[sflag:s14] =	ssyncset.done $0x0  }
0x27: {  	[sflag:s14] =	ssyncadd.s32 $0xFFFFC000  }
0x28: {  	[spmem:s9] =	stream.linear.scatter [tilespmem:s16], [sflag:$0x1], $0x4000, $0x38;
	[tilespmem:$0x1D080] =	vst v63  }
0x29: {  	_ =	swait.ge [sflag:s14], $0x4000  }
0x2a: {  	[sflag:s14] =	ssyncset.done $0x0  }
0x2b: {  	[sflag:s14] =	ssyncadd.s32 $0xFFFFC000  }
0x2c: {  	[spmem:s10] =	stream.linear.scatter [tilespmem:s16], [sflag:$0x1], $0x4000, $0x38;
	[tilespmem:$0x1D080] =	vst v63  }
0x2d: {  	_ =	swait.ge [sflag:s14], $0x4000  }
0x2e: {  	[sflag:s14] =	ssyncset.done $0x0  }
0x2f: {  	[sflag:s14] =	ssyncadd.s32 $0xFFFFC000  }
0x30: {  	[spmem:s11] =	stream.linear.scatter [tilespmem:s16], [sflag:$0x1], $0x4000, $0x38;
	[tilespmem:$0x1D080] =	vst v63  }
0x31: {  	_ =	swait.ge [sflag:s14], $0x4000  }
0x32: {  	[sflag:s14] =	ssyncset.done $0x0  }
0x33: {  	[sflag:s14] =	ssyncadd.s32 $0xFFFFC000  }
0x34: {  	s22 =	simm.s32 $0x0;
	[bflag:$0x0] =	sbarrier.arrive $0xFFFF  }
0x35: {  	v1 =	vld [tilespmem:s22+$0x2800];
	_ =	sdelay $0x4  }
0x36: {  	[tilespmem:$0x5000] =	vst v1  }
0x37: {  	v1 =	vld [tilespmem:s22+$0x2810];
	_ =	sdelay $0x4  }
0x38: {  	[tilespmem:$0x5010] =	vst v1  }
0x39: {  	v1 =	vld [tilespmem:s22+$0x2820];
	_ =	sdelay $0x4  }
0x3a: {  	[tilespmem:$0x5020] =	vst v1  }
0x3b: {  	v1 =	vld [tilespmem:s22+$0x2830];
	_ =	sdelay $0x4  }
0x3c: {  	[tilespmem:$0x5030] =	vst v1  }
0x3d: {  	v1 =	vld [tilespmem:s22+$0x2840];
	_ =	sdelay $0x4  }
0x3e: {  	[tilespmem:$0x5040] =	vst v1  }
0x3f: {  	v1 =	vld [tilespmem:s22+$0x2850];
	_ =	sdelay $0x4  }
0x40: {  	[tilespmem:$0x5050] =	vst v1  }
0x41: {  	v1 =	vld [tilespmem:s22+$0x2860];
	_ =	sdelay $0x4  }
0x42: {  	[tilespmem:$0x5060] =	vst v1  }
0x43: {  	v1 =	vld [tilespmem:s22+$0x2870];
	_ =	sdelay $0x4  }
0x44: {  	[tilespmem:$0x5070] =	vst v1  }
0x45: {  	[tilespmem:s16], [sflag:$0x1] =	stream.indirect.gather [hbm4b:s4+s17], $0x80, s22, s17, $0xb8;
	[tilespmem:$0x1D080] =	vst v63  }
0x46: {  	_ =	swait.ge [sflag:s14], $0x4000  }
0x47: {  	[sflag:s14] =	ssyncset.done $0x0  }
0x48: {  	[sflag:s14] =	ssyncadd.s32 $0xFFFFC000  }
0x49: {  	[spmem:s2] =	stream.indirect.scatter.add.f32 [tilespmem:s16], [sflag:$0x1], $0x80, s18, s17, $0xb8;
	[tilespmem:$0x1D080] =	vst v63  }
0x4a: {  	_ =	swait.ge [sflag:s14], $0x4000  }
0x4b: {  	s25 =	simm.s32 $0x400;
	s22 =	simm.s32 $0x200;
	[sflag:s14] =	ssyncset.done $0x0  }
.LBB2_4:
0x4c: {  	s24 =	sshra.s32 s22, $0x2  }
0x4d: {  	[sflag:s14] =	ssyncadd.s32 $0xFFFFC000;
	s22 =	smov.u32 s25;
	s23 =	sadd.s32 $0x200, s25  }
0x4e: {  	p0 =	sne.s32 s25, $0x9E00;
	v1 =	vld [tilespmem:s24+$0x2800];
	_ =	sdelay $0x4  }
0x4f: {  	[tilespmem:$0x5000] =	vst v1  }
0x50: {  	v1 =	vld [tilespmem:s24+$0x2810];
	_ =	sdelay $0x4  }
0x51: {  	[tilespmem:$0x5010] =	vst v1  }
0x52: {  	v1 =	vld [tilespmem:s24+$0x2820];
	_ =	sdelay $0x4  }
0x53: {  	[tilespmem:$0x5020] =	vst v1  }
0x54: {  	v1 =	vld [tilespmem:s24+$0x2830];
	_ =	sdelay $0x4  }
0x55: {  	[tilespmem:$0x5030] =	vst v1  }
0x56: {  	v1 =	vld [tilespmem:s24+$0x2840];
	_ =	sdelay $0x4  }
0x57: {  	[tilespmem:$0x5040] =	vst v1  }
0x58: {  	v1 =	vld [tilespmem:s24+$0x2850];
	_ =	sdelay $0x4  }
0x59: {  	[tilespmem:$0x5050] =	vst v1  }
0x5a: {  	v1 =	vld [tilespmem:s24+$0x2860];
	_ =	sdelay $0x4  }
0x5b: {  	[tilespmem:$0x5060] =	vst v1  }
0x5c: {  	v1 =	vld [tilespmem:s24+$0x2870];
	_ =	sdelay $0x4  }
0x5d: {  	[tilespmem:$0x5070] =	vst v1  }
0x5e: {  	[tilespmem:s16], [sflag:$0x1] =	stream.indirect.gather [hbm4b:s4+s17], $0x80, s24, s17, $0xb8;
	[tilespmem:$0x1D080] =	vst v63  }
0x5f: {  	_ =	swait.ge [sflag:s14], $0x4000  }
.Ltmp1:
0x60: {  	[sflag:s14] =	ssyncset.done $0x0;
	(pc) =	sbr.rel @p0 .LBB2_4-.Ltmp1, $4  }
0x61: {  	[sflag:s14] =	ssyncadd.s32 $0xFFFFC000  }
0x62: {  	[spmem:s2] =	stream.indirect.scatter.add.f32 [tilespmem:s16], [sflag:$0x1], $0x80, s18, s17, $0xb8;
	[tilespmem:$0x1D080] =	vst v63  }
0x63: {  	_ =	swait.ge [sflag:s14], $0x4000  }
0x64: {  	s25 =	smov.u32 s23;
	[sflag:s14] =	ssyncset.done $0x0  }
0x65: {  	s22 =	sshra.s32 s22, $0x2;
	[sflag:s14] =	ssyncadd.s32 $0xFFFFC000  }
0x66: {  	v1 =	vld [tilespmem:s22+$0x2800];
	_ =	sdelay $0x4  }
0x67: {  	[tilespmem:$0x5000] =	vst v1  }
0x68: {  	v1 =	vld [tilespmem:s22+$0x2810];
	_ =	sdelay $0x4  }
0x69: {  	[tilespmem:$0x5010] =	vst v1  }
0x6a: {  	v1 =	vld [tilespmem:s22+$0x2820];
	_ =	sdelay $0x4  }
0x6b: {  	[tilespmem:$0x5020] =	vst v1  }
0x6c: {  	v1 =	vld [tilespmem:s22+$0x2830];
	_ =	sdelay $0x4  }
0x6d: {  	[tilespmem:$0x5030] =	vst v1  }
0x6e: {  	v1 =	vld [tilespmem:s22+$0x2840];
	_ =	sdelay $0x4  }
0x6f: {  	[tilespmem:$0x5040] =	vst v1  }
0x70: {  	v1 =	vld [tilespmem:s22+$0x2850];
	_ =	sdelay $0x4  }
0x71: {  	[tilespmem:$0x5050] =	vst v1  }
0x72: {  	v1 =	vld [tilespmem:s22+$0x2860];
	_ =	sdelay $0x4  }
0x73: {  	[tilespmem:$0x5060] =	vst v1  }
0x74: {  	v1 =	vld [tilespmem:s22+$0x2870];
	_ =	sdelay $0x4  }
0x75: {  	[tilespmem:$0x5070] =	vst v1  }
0x76: {  	[tilespmem:s16], [sflag:$0x1] =	stream.indirect.gather [hbm4b:s4+s17], $0x80, s22, s17, $0xb8;
	[tilespmem:$0x1D080] =	vst v63  }
0x77: {  	_ =	swait.ge [sflag:s14], $0x4000  }
0x78: {  	[sflag:s14] =	ssyncset.done $0x0  }
0x79: {  	[sflag:s14] =	ssyncadd.s32 $0xFFFFC000  }
0x7a: {  	[spmem:s2] =	stream.indirect.scatter.add.f32 [tilespmem:s16], [sflag:$0x1], $0x80, s18, s17, $0xb8;
	[tilespmem:$0x1D080] =	vst v63  }
0x7b: {  	_ =	swait.ge [sflag:s14], $0x4000  }
0x7c: {  	s21 =	sadd.s32 $0x1, s21;
	[sflag:s14] =	ssyncset.done $0x0  }
0x7d: {  	p0 =	sne.s32 s21, s13;
	[sflag:s14] =	ssyncadd.s32 $0xFFFFC000  }
.Ltmp2:
0x7e: {  	[bflag:$0x0] =	sbarrier.arrive $0xFFFF;
	(pc) =	sbr.rel @p0 .LBB2_1-.Ltmp2, $4  }
0x7f: {  	[hbm:s12], [sflag:s19] =	dma.local [spmem:s20], $0x2800  }
0x80: {  	_ =	swait.ge [sflag:s14], $0x2800  }
0x81: {  	[sflag:s14] =	ssyncset.done $0x0  }
0x82: {  	[sflag:s14] =	ssyncadd.s32 $0xFFFFD800  }
0x83: {  	_ =	sfence.sel $0x180000  }
0x84: {  	[bflag:$0x0] =	sbarrier.arrive $0xFFFF  }
0x85: {  	p0 =	sne.s32 s1, $0x0;
	_ =	strace $0x9000004A  }
0x86: {  	s0 =	sadd.s32 @!p0 $0x100000, s0;
	[bflag:$0x2] =	sbarrier.arrive $0xFFFF  }
0x87: {  	[sflag:s0] =	ssyncadd.tile.s32 @!p0 $0x1;
	_ =	shalt  }
.Lfunc_end2:
_tile_overlayer_lowered:
.L_overlay_start_2:
0x88: {  	(tag) =	ssettag $0x2  }
0x89: {  	s0 =	rddreg [dreg:$0x0];
	s2 =	stileid.u32  }
0x8a: {  	s1 =	rddreg [dreg:$0x1];
	p0 =	sne.s32 s2, $0x0  }
0x8b: {  	s3 =	rddreg [dreg:$0x2];
	[bflag:$0x3] =	sbarrier.arrive $0xFFFF;
	s2 =	simm.s32 @!p0 $0x1C01  }
0x8c: {  	[timem:s3], [sflag:s2] =	dma.local @!p0 [hbm:s0], s1  }
0x8d: {  	s0 =	simm.s32 @!p0 $0x1  }
0x8e: {  	_ =	swait.ge @!p0 [sflag:s0], s1  }
0x8f: {  	s1 =	ssub.s32 @!p0 $0x0, s1;
	[sflag:s0] =	ssyncset.done @!p0 $0x0  }
0x90: {  	[sflag:s0] =	ssyncadd.s32 @!p0 s1  }
0x91: {  	[bflag:$0x3] =	sbarrier.arrive $0xFFFF  }
0x92: {  	_ =	shalt  }

// kernel: kernel.20.cloned.1.call-start
scs
__scs_entry_jumppad:
0x0: {  	(pc) =	sbr.rel $0x88, $3  }
0x1: {  	(tag) =	ssettag $0x0;
	lr =	simm.s32 $0x1  }
0x2: {  	[smem:$0x3F93] =	sst lr;
	_ =	strace $0xD0000000  }
0x3: {  	_ = 	snop  }
0x4: {  	_ = 	snop  }
0x5: {  	_ = 	snop  }
0x6: {  	_ = 	snop  }
0x7: {  	_ = 	snop  }
__scs_overlays_trampoline_lowered:
0x8: {  	[smem:$0x3FA2] =	sst s0  }
0x9: {  	[smem:$0x3FA3] =	sst s1  }
0xa: {  	[smem:$0x3FA4] =	sst s2  }
0xb: {  	[smem:$0x3FA5] =	sst s3  }
0xc: {  	[smem:$0x3FA6] =	sst s4  }
0xd: {  	[smem:$0x3FA7] =	sst s5  }
0xe: {  	[smem:$0x3FA8] =	sst s6  }
0xf: {  	[smem:$0x3FA9] =	sst s7  }
0x10: {  	[smem:$0x3FAA] =	sst s8  }
0x11: {  	[smem:$0x3FAB] =	sst s9;
	s0 =	simm.s32 @!p0 $0x0  }
0x12: {  	s1 =	sld [smem:$0x3F91];
	s0 =	simm.s32 @p0 $0x1  }
0x13: {  	[smem:$0x3FAC] =	sst s0;
	s0 =	simm.s32 @!p1 $0x0  }
0x14: {  	s2 =	sld [smem:$0x3F90];
	s0 =	simm.s32 @p1 $0x1  }
0x15: {  	[smem:$0x3FAD] =	sst s0;
	s0 =	simm.s32 @!p2 $0x0  }
0x16: {  	s3 =	sld [smem:$0x3FDB];
	s0 =	simm.s32 @p2 $0x1  }
0x17: {  	s4 =	simm.s32 $0x1BF5;
	[smem:$0x3FAF] =	sst s0  }
0x18: {  	s0 =	sld [smem:$0x3F92];
	_ =	swait.ge [sflag:s4], $0x0  }
0x19: {  	s7 =	sld [smem:$0x3F93]  }
0x1a: {  	s8 =	sadd.s32 $0xFFFFE003, lr  }
0x1b: {  	s9 =	sadd.s32 $0xFFFFFEF7, lr;
	s5 =	simm.s32 $0xFFFFFFFF;
	p2 =	slt.u32 s8, $0xFFFFF086  }
0x1c: {  	p1 =	slt.u32 s9, $0xF7A;
	s5 =	simm.s32 @!p2 $0x0  }
0x1d: {  	s5 =	simm.s32 @p1 $0x1;
	p0 =	seq.s32 s7, s2  }
0x1e: {  	s7 =	smul.u32 @!p0 $0xF7A, s2;
	p2 =	seq.s32 @!p0 s5, $0x0  }
0x1f: {  	s9 =	smul.u32 $0xF7A, s1;
	s8 =	simm.s32 @!p0 $0x1BF5;
	p2 =	por !p2, p0  }
0x20: {  	[sflag:s8] =	ssyncset.s32 @!p0 $0xFFFFF086;
	s6 =	sadd.s32 @!p0 s3, s7;
	s7 =	simm.s32 @!p0 $0x108  }
0x21: {  	s3 =	sadd.s32 s3, s9;
	s6 =	sadd.s32 @!p0 $0x88, s6;
	s7 =	simm.s32 @p2 $0x1082  }
0x22: {  	[simem:s7], [sflag:s8] =	dma.local @!p0 [hbm:s6], $0xF7A  }
0x23: {  	s9 =	sor.u32 $0xD0000000, s2;
	s6 =	simm.s32 $0x108;
	_ =	swait.ge @!p0 [sflag:s8], $0x0  }
0x24: {  	s3 =	sadd.s32 $0x88, s3;
	s6 =	simm.s32 @!p1 $0x1082;
	[sflag:s4] =	ssyncset.s32 $0xFFFFF086  }
0x25: {  	[simem:s6], [sflag:s4] =	dma.local [hbm:s3], $0xF7A  }
0x26: {  	[smem:$0x3F93] =	sst s1;
	(tag) =	ssettag s2;
	_ =	strace s9  }
0x27: {  	s1 =	sld [smem:$0x3FA3]  }
0x28: {  	s2 =	sld [smem:$0x3FA4]  }
0x29: {  	s4 =	sld [smem:$0x3FA6]  }
0x2a: {  	p0 =	seq.s32 s5, $0x0;
	s5 =	sld [smem:$0x3FA7]  }
0x2b: {  	s6 =	sld [smem:$0x3FA8]  }
0x2c: {  	s7 =	sld [smem:$0x3FA9]  }
0x2d: {  	s3 =	simm.s32 $0x108;
	s8 =	sld [smem:$0x3FAA]  }
0x2e: {  	s3 =	simm.s32 @!p0 $0x1082;
	s9 =	sld [smem:$0x3FAB]  }
0x2f: {  	lr =	sadd.s32 s0, s3;
	s0 =	sld [smem:$0x3FA2]  }
0x30: {  	s3 =	sld [smem:$0x3FA5]  }
0x31: {  	[smem:$0x3FAE] =	sst s10  }
0x32: {  	s10 =	sld [smem:$0x3FAC];
	_ =	sdelay $0x3  }
0x33: {  	p0 =	seq.s32 s10, $0x1;
	s10 =	sld [smem:$0x3FAE];
	_ =	sdelay $0x3  }
0x34: {  	[smem:$0x3FAE] =	sst s10  }
0x35: {  	s10 =	sld [smem:$0x3FAD];
	_ =	sdelay $0x3  }
0x36: {  	p1 =	seq.s32 s10, $0x1;
	s10 =	sld [smem:$0x3FAE];
	_ =	sdelay $0x3  }
0x37: {  	[smem:$0x3FAE] =	sst s10  }
0x38: {  	s10 =	sld [smem:$0x3FAF]  }
0x39: {  	_ = 	snop;
	(pc) =	sbr.ind lr, $3  }
0x3a: {  	_ = 	snop  }
0x3b: {  	_ = 	snop  }
0x3c: {  	p2 =	seq.s32 s10, $0x1;
	s10 =	sld [smem:$0x3FAE]  }
0x3d: {  	_ =	shalt  }
0x3e: {  	_ =	shalt  }
0x3f: {  	_ =	shalt  }
0x40: {  	_ =	shalt  }
0x41: {  	_ =	shalt  }
0x42: {  	_ =	shalt  }
0x43: {  	_ =	shalt  }
0x44: {  	_ =	shalt  }
0x45: {  	_ =	shalt  }
0x46: {  	_ =	shalt  }
0x47: {  	_ =	shalt  }
0x48: {  	_ =	shalt  }
0x49: {  	_ =	shalt  }
0x4a: {  	_ =	shalt  }
0x4b: {  	_ =	shalt  }
0x4c: {  	_ =	shalt  }
0x4d: {  	_ =	shalt  }
0x4e: {  	_ =	shalt  }
0x4f: {  	_ =	shalt  }
0x50: {  	_ =	shalt  }
0x51: {  	_ =	shalt  }
0x52: {  	_ =	shalt  }
0x53: {  	_ =	shalt  }
0x54: {  	_ =	shalt  }
0x55: {  	_ =	shalt  }
0x56: {  	_ =	shalt  }
0x57: {  	_ =	shalt  }
0x58: {  	_ =	shalt  }
0x59: {  	_ =	shalt  }
0x5a: {  	_ =	shalt  }
0x5b: {  	_ =	shalt  }
0x5c: {  	_ =	shalt  }
0x5d: {  	_ =	shalt  }
0x5e: {  	_ =	shalt  }
0x5f: {  	_ =	shalt  }
0x60: {  	_ =	shalt  }
0x61: {  	_ =	shalt  }
0x62: {  	_ =	shalt  }
0x63: {  	_ =	shalt  }
0x64: {  	_ =	shalt  }
0x65: {  	_ =	shalt  }
0x66: {  	_ =	shalt  }
0x67: {  	_ =	shalt  }
0x68: {  	_ =	shalt  }
0x69: {  	_ =	shalt  }
0x6a: {  	_ =	shalt  }
0x6b: {  	_ =	shalt  }
0x6c: {  	_ =	shalt  }
0x6d: {  	_ =	shalt  }
0x6e: {  	_ =	shalt  }
0x6f: {  	_ =	shalt  }
0x70: {  	_ =	shalt  }
0x71: {  	_ =	shalt  }
0x72: {  	_ =	shalt  }
0x73: {  	_ =	shalt  }
0x74: {  	_ =	shalt  }
0x75: {  	_ =	shalt  }
0x76: {  	_ =	shalt  }
0x77: {  	_ =	shalt  }
0x78: {  	_ =	shalt  }
0x79: {  	_ =	shalt  }
0x7a: {  	_ =	shalt  }
0x7b: {  	_ =	shalt  }
0x7c: {  	_ =	shalt  }
0x7d: {  	_ =	shalt  }
0x7e: {  	_ =	shalt  }
0x7f: {  	_ =	shalt  }
0x80: {  	_ =	shalt  }
0x81: {  	_ =	shalt  }
0x82: {  	_ =	shalt  }
0x83: {  	_ =	shalt  }
0x84: {  	_ =	shalt  }
0x85: {  	_ =	shalt  }
0x86: {  	_ =	shalt  }
0x87: {  	_ =	shalt  }
.Lfunc_end0:
.L_simem_size_0:
called_computation.2_lowered:
.L_overlay_start_0:
0x88: {  	s2 =	sld [smem:$0x3FD9]  }
0x89: {  	s3 =	sld [smem:$0x3FFE];
	_ =	sdelay $0x1  }
0x8a: {  	s1 =	srdreg.scid  }
0x8b: {  	s0 =	sand.u32 $0x1, s1  }
0x8c: {  	s16 =	sshll.u32 s0, $0xA;
	s2 =	sadd.s32 s3, s2  }
0x8d: {  	s2 =	sadd.s32 s2, s16  }
0x8e: {  	[smem:$0x3FBA] =	sst s2  }
0x8f: {  	_ = 	snop  }
0x90: {  	(tm) =	ssettm $0x1  }
0x91: {  	s17 =	sld [smem:$0x3FFB];
	_ =	sdelay $0x3  }
0x92: {  	_ =	strace s17  }
0x93: {  	s2 =	sld [smem:$0x3FFC];
	_ =	sdelay $0x3  }
0x94: {  	_ =	strace s2  }
0x95: {  	s2 =	sld [smem:$0x3FFD];
	_ =	sdelay $0x3  }
0x96: {  	_ =	strace s2  }
0x97: {  	_ =	strace $0x8FFFFFFF  }
0x98: {  	s18 =	sld [smem:$0x3FDB];
	_ =	sdelay $0x1  }
0x99: {  	s19 =	simm.s32 $_scs_section_size  }
0x9a: {  	s4 =	simm.s32 $_size__tile_overlayer_lowered;
	s5 =	simm.s32 $_tile_overlayer_lowered  }
0x9b: {  	s22 =	simm.s32 $0x1BFF;
	s21 =	sshll.u32 s5, $0x1;
	s2 =	sadd.s32 s19, s18  }
0x9c: {  	s6 =	simm.s32 $0x0;
	s20 =	sshll.u32 s4, $0x1;
	s4 =	sadd.s32 s21, s2  }
0x9d: {  	[timem:s6], [sflag:s22] =	dma.local [hbm:s4], s20  }
0x9e: {  	_ =	swait.ge [sflag:s22], s20  }
0x9f: {  	s3 =	ssub.s32 $0x0, s20;
	[sflag:s22] =	ssyncset.done $0x0  }
0xa0: {  	[sflag:s22] =	ssyncadd.s32 s3;
	_ =	sdelay $0x1  }
0xa1: {  	s23 =	simm.s32 $0x1B8B  }
0xa2: {  	_ =	swait.ge [sflag:s23], $0x1  }
0xa3: {  	[sflag:s23] =	ssyncset.done $0x0  }
0xa4: {  	s25 =	simm.s32 $0x1B8E;
	s24 =	sld [smem:$0x3FFE];
	[sflag:s23] =	ssyncadd.s32 $0xFFFFFFFF  }
0xa5: {  	s26 =	simm.s32 $execute0_lowered;
	[smem:$0x3FD2] =	sst s25  }
0xa6: {  	s4 =	sshll.u32 s26, $0x1;
	_ =	strace $0x8000004C;
	[dreg:$0x1] =	wrdreg $0xFFFFFFFF  }
0xa7: {  	s28 =	simm.s32 $_size_execute0_lowered;
	s2 =	sadd.s32 s2, s4;
	[dreg:$0x0] =	wrdreg $0x0  }
0xa8: {  	s4 =	sshll.u32 s28, $0x1;
	[dreg:$0x2] =	wrdreg s2  }
0xa9: {  	[dreg:$0x3] =	wrdreg s4  }
0xaa: {  	[dreg:$0x4] =	wrdreg $0xC0  }
0xab: {  	_ =	task [dreg:s6], $0x5FFFF  }
0xac: {  	[dreg:$0x1] =	wrdreg $0xFFFFFFFF  }
0xad: {  	[dreg:$0x0] =	wrdreg $0x60  }
0xae: {  	[dreg:$0x2] =	wrdreg s24  }
0xaf: {  	[dreg:$0x3] =	wrdreg $0x90800  }
0xb0: {  	[dreg:$0x4] =	wrdreg $0x9  }
0xb1: {  	_ =	task.clear_ibuf [dreg:s6], $0x5FFFF;
	_ =	strace $0x9000004C  }
0xb2: {  	s29 =	simm.s32 $0x9;
	_ =	strace $0x8000004E  }
0xb3: {  	_ =	swait.ge [sflag:s29], $0x1  }
0xb4: {  	[sflag:s29] =	ssyncadd.s32 $0xFFFFFFFF  }
0xb5: {  	_ =	strace $0x9000004E  }
0xb6: {  	_ =	sfence  }
0xb7: {  	s30 =	sld [smem:$0x0];
	_ =	sdelay $0x2  }
0xb8: {  	s31 =	sshll.u32 s1, $0xD;
	s1 =	sshrl.u32 s1, $0x2  }
0xb9: {  	s3 =	sand.u32 $0x4000, s31;
	s1 =	sadd.s32 s1, s30  }
0xba: {  	s0 =	sor.u32 s3, s0;
	s1 =	sshll.u32 s1, $0x11  }
0xbb: {  	s0 =	sor.u32 s1, s0  }
0xbc: {  	s0 =	sadd.s32 $0x8F2B, s0  }
0xbd: {  	[sflag:s0] =	ssyncadd.remote.s32 $0x1  }
0xbe: {  	_ =	sfence.sel $0xFFFF  }
0xbf: {  	[dreg:$0x0] =	wrdreg $0xFFFFFFFF;
	(pc) =	sbr.abs _section_cstart, $3  }
0xc0: {  	[dreg:$0x1] =	wrdreg $0xFFFFFFFF  }
0xc1: {  	_ =	task.clear_ibuf [dreg:s6], $0x2FFFF;
	_ =	strace $0x9FFFFFFF  }
0xc2: {  	(tm) =	ssettm $0x7FFFFFFF  }
0xc3: {  	_ =	shalt  }
tec
execute0_lowered:
.L_overlay_start_1:
0x0: {  	(tag) =	ssettag $0x1  }
0x1: {  	s5 =	rddreg [dreg:$0x0]  }
0x2: {  	s2 =	rddreg [dreg:$0x1];
	s3 =	srdreg.scid  }
0x3: {  	s0 =	rddreg [dreg:$0x2];
	s1 =	stileid.u32;
	s14 =	simm.s32 $0x1  }
0x4: {  	s15 =	simm.s32 $0x2800;
	s16 =	simm.s32 $0x5080;
	s17 =	simm.s32 $0x80  }
0x5: {  	s18 =	simm.s32 $0x5000;
	s21 =	simm.s32 $0x0;
	s9 =	smul.u32 $0x14000, s1  }
0x6: {  	s6 =	sand.u32 $0x1, s3;
	s3 =	simm.s32 $0x0;
	s30 =	smul.u32 $0x50000, s1  }
0x7: {  	s4 =	sshll.u32 s1, $0x1;
	s19 =	sshll.u32 s1, $0x6;
	s7 =	smul.u32 $0x140000, s6  }
0x8: {  	[smem:$0x7FF] =	sst s3;
	s8 =	sor.u32 s6, s4;
	s4 =	sadd.s32 $0x18000, s5  }
0x9: {  	s6 =	ssub.s32 $0x2, s6;
	s19 =	sor.u32 $0x1C01, s19;
	_ =	strace $0x8000004D  }
0xa: {  	s8 =	smul.u32 $0x500, s8;
	s10 =	sshrl.u32 s6, $0x1;
	s7 =	sadd.s32 s9, s7  }
0xb: {  	s31 =	sshrl.u32 s30, $0x2;
	s13 =	ssub.s32 s6, s10;
	s7 =	sshrl.u32 s7, $0x3  }
0xc: {  	s8 =	sadd.s32 s8, s5;
	s13 =	smax.u32 s13, $0x1;
	s12 =	sadd.s32 s7, s5  }
0xd: {  	s5 =	sadd.s32 $0xE000, s8;
	s6 =	sadd.s32 $0x4000, s8;
	s7 =	sadd.s32 s31, s2  }
0xe: {  	s8 =	sadd.s32 $0x4000, s7;
	s9 =	sadd.s32 $0x8000, s7;
	s10 =	sadd.s32 $0xC000, s7  }
0xf: {  	v0 =	vimm.f32 $0.0e+00;
	s11 =	sadd.s32 $0x10000, s7;
	s12 =	sadd.s32 $0x40000, s12;
	s20 =	sshrl.u32 s7, $0x3  }
.LBB2_1:
0x10: {  	[tilespmem:s3], [sflag:$0x1] =	stream.linear.gather [hbm4b:s5+s3], $0x2800, $0x38;
	[tilespmem:$0x1D080] =	vst v63  }
0x11: {  	_ =	swait.ge [sflag:s14], $0x2800  }
0x12: {  	[sflag:s14] =	ssyncset.done $0x0  }
0x13: {  	[sflag:s14] =	ssyncadd.s32 $0xFFFFD800  }
0x14: {  	[tilespmem:s15], [sflag:$0x1] =	stream.linear.gather [hbm4b:s6+s3], $0x2800, $0x38;
	[tilespmem:$0x1D080] =	vst v63  }
0x15: {  	s22 =	sand.u32 $0xFE00, s3;
	s23 =	sand.u32 $0x70, s3;
	_ =	swait.ge [sflag:s14], $0x2800  }
0x16: {  	s24 =	sshrl.u32 s22, $0x2;
	s22 =	simm.s32 $0x40;
	[sflag:s14] =	ssyncset.done $0x0  }
0x17: {  	s24 =	sor.u32 s23, s24;
	s23 =	simm.s32 $0x0;
	[sflag:s14] =	ssyncadd.s32 $0xFFFFD800  }
.LBB2_2:
0x18: {  	p0 =	sne.s32 s22, $0xFFC0  }
0x19: {  	[tilespmem:s24+$0x5080] =	vst v0;
	s23 =	sadd.s32 $0x10, s23;
	s24 =	smov.u32 s22;
	s22 =	sadd.s32 $0x40, s22  }
.Ltmp0:
0x1a: {  	(pc) =	sbr.rel @p0 .LBB2_2-.Ltmp0, $4  }
0x1b: {  	_ = 	snop  }
0x1c: {  	s24 =	sand.u32 $0xFE00, s24  }
0x1d: {  	s25 =	sand.u32 $0x70, s23;
	s24 =	sshrl.u32 s24, $0x2  }
0x1e: {  	s24 =	sor.u32 s25, s24  }
0x1f: {  	[tilespmem:s24+$0x5080] =	vst v0  }
0x20: {  	[spmem:s7] =	stream.linear.scatter [tilespmem:s16], [sflag:$0x1], $0x4000, $0x38;
	[tilespmem:$0x1D080] =	vst v63  }
0x21: {  	_ =	swait.ge [sflag:s14], $0x4000  }
0x22: {  	[sflag:s14] =	ssyncset.done $0x0  }
0x23: {  	[sflag:s14] =	ssyncadd.s32 $0xFFFFC000  }
0x24: {  	[spmem:s8] =	stream.linear.scatter [tilespmem:s16], [sflag:$0x1], $0x4000, $0x38;
	[tilespmem:$0x1D080] =	vst v63  }
0x25: {  	_ =	swait.ge [sflag:s14], $0x4000  }
0x26: {  	[sflag:s14] =	ssyncset.done $0x0  }
0x27: {  	[sflag:s14] =	ssyncadd.s32 $0xFFFFC000  }
0x28: {  	[spmem:s9] =	stream.linear.scatter [tilespmem:s16], [sflag:$0x1], $0x4000, $0x38;
	[tilespmem:$0x1D080] =	vst v63  }
0x29: {  	_ =	swait.ge [sflag:s14], $0x4000  }
0x2a: {  	[sflag:s14] =	ssyncset.done $0x0  }
0x2b: {  	[sflag:s14] =	ssyncadd.s32 $0xFFFFC000  }
0x2c: {  	[spmem:s10] =	stream.linear.scatter [tilespmem:s16], [sflag:$0x1], $0x4000, $0x38;
	[tilespmem:$0x1D080] =	vst v63  }
0x2d: {  	_ =	swait.ge [sflag:s14], $0x4000  }
0x2e: {  	[sflag:s14] =	ssyncset.done $0x0  }
0x2f: {  	[sflag:s14] =	ssyncadd.s32 $0xFFFFC000  }
0x30: {  	[spmem:s11] =	stream.linear.scatter [tilespmem:s16], [sflag:$0x1], $0x4000, $0x38;
	[tilespmem:$0x1D080] =	vst v63  }
0x31: {  	_ =	swait.ge [sflag:s14], $0x4000  }
0x32: {  	[sflag:s14] =	ssyncset.done $0x0  }
0x33: {  	[sflag:s14] =	ssyncadd.s32 $0xFFFFC000  }
0x34: {  	s22 =	simm.s32 $0x0;
	[bflag:$0x0] =	sbarrier.arrive $0xFFFF  }
0x35: {  	v1 =	vld [tilespmem:s22+$0x2800];
	_ =	sdelay $0x4  }
0x36: {  	[tilespmem:$0x5000] =	vst v1  }
0x37: {  	v1 =	vld [tilespmem:s22+$0x2810];
	_ =	sdelay $0x4  }
0x38: {  	[tilespmem:$0x5010] =	vst v1  }
0x39: {  	v1 =	vld [tilespmem:s22+$0x2820];
	_ =	sdelay $0x4  }
0x3a: {  	[tilespmem:$0x5020] =	vst v1  }
0x3b: {  	v1 =	vld [tilespmem:s22+$0x2830];
	_ =	sdelay $0x4  }
0x3c: {  	[tilespmem:$0x5030] =	vst v1  }
0x3d: {  	v1 =	vld [tilespmem:s22+$0x2840];
	_ =	sdelay $0x4  }
0x3e: {  	[tilespmem:$0x5040] =	vst v1  }
0x3f: {  	v1 =	vld [tilespmem:s22+$0x2850];
	_ =	sdelay $0x4  }
0x40: {  	[tilespmem:$0x5050] =	vst v1  }
0x41: {  	v1 =	vld [tilespmem:s22+$0x2860];
	_ =	sdelay $0x4  }
0x42: {  	[tilespmem:$0x5060] =	vst v1  }
0x43: {  	v1 =	vld [tilespmem:s22+$0x2870];
	_ =	sdelay $0x4  }
0x44: {  	[tilespmem:$0x5070] =	vst v1  }
0x45: {  	[tilespmem:s16], [sflag:$0x1] =	stream.indirect.gather [hbm4b:s4+s17], $0x80, s22, s17, $0xb8;
	[tilespmem:$0x1D080] =	vst v63  }
0x46: {  	_ =	swait.ge [sflag:s14], $0x4000  }
0x47: {  	[sflag:s14] =	ssyncset.done $0x0  }
0x48: {  	[sflag:s14] =	ssyncadd.s32 $0xFFFFC000  }
0x49: {  	[spmem:s2] =	stream.indirect.scatter.add.f32 [tilespmem:s16], [sflag:$0x1], $0x80, s18, s17, $0xb8;
	[tilespmem:$0x1D080] =	vst v63  }
0x4a: {  	_ =	swait.ge [sflag:s14], $0x4000  }
0x4b: {  	s25 =	simm.s32 $0x400;
	s22 =	simm.s32 $0x200;
	[sflag:s14] =	ssyncset.done $0x0  }
.LBB2_4:
0x4c: {  	s24 =	sshra.s32 s22, $0x2  }
0x4d: {  	[sflag:s14] =	ssyncadd.s32 $0xFFFFC000;
	s22 =	smov.u32 s25;
	s23 =	sadd.s32 $0x200, s25  }
0x4e: {  	p0 =	sne.s32 s25, $0x9E00;
	v1 =	vld [tilespmem:s24+$0x2800];
	_ =	sdelay $0x4  }
0x4f: {  	[tilespmem:$0x5000] =	vst v1  }
0x50: {  	v1 =	vld [tilespmem:s24+$0x2810];
	_ =	sdelay $0x4  }
0x51: {  	[tilespmem:$0x5010] =	vst v1  }
0x52: {  	v1 =	vld [tilespmem:s24+$0x2820];
	_ =	sdelay $0x4  }
0x53: {  	[tilespmem:$0x5020] =	vst v1  }
0x54: {  	v1 =	vld [tilespmem:s24+$0x2830];
	_ =	sdelay $0x4  }
0x55: {  	[tilespmem:$0x5030] =	vst v1  }
0x56: {  	v1 =	vld [tilespmem:s24+$0x2840];
	_ =	sdelay $0x4  }
0x57: {  	[tilespmem:$0x5040] =	vst v1  }
0x58: {  	v1 =	vld [tilespmem:s24+$0x2850];
	_ =	sdelay $0x4  }
0x59: {  	[tilespmem:$0x5050] =	vst v1  }
0x5a: {  	v1 =	vld [tilespmem:s24+$0x2860];
	_ =	sdelay $0x4  }
0x5b: {  	[tilespmem:$0x5060] =	vst v1  }
0x5c: {  	v1 =	vld [tilespmem:s24+$0x2870];
	_ =	sdelay $0x4  }
0x5d: {  	[tilespmem:$0x5070] =	vst v1  }
0x5e: {  	[tilespmem:s16], [sflag:$0x1] =	stream.indirect.gather [hbm4b:s4+s17], $0x80, s24, s17, $0xb8;
	[tilespmem:$0x1D080] =	vst v63  }
0x5f: {  	_ =	swait.ge [sflag:s14], $0x4000  }
.Ltmp1:
0x60: {  	[sflag:s14] =	ssyncset.done $0x0;
	(pc) =	sbr.rel @p0 .LBB2_4-.Ltmp1, $4  }
0x61: {  	[sflag:s14] =	ssyncadd.s32 $0xFFFFC000  }
0x62: {  	[spmem:s2] =	stream.indirect.scatter.add.f32 [tilespmem:s16], [sflag:$0x1], $0x80, s18, s17, $0xb8;
	[tilespmem:$0x1D080] =	vst v63  }
0x63: {  	_ =	swait.ge [sflag:s14], $0x4000  }
0x64: {  	s25 =	smov.u32 s23;
	[sflag:s14] =	ssyncset.done $0x0  }
0x65: {  	s22 =	sshra.s32 s22, $0x2;
	[sflag:s14] =	ssyncadd.s32 $0xFFFFC000  }
0x66: {  	v1 =	vld [tilespmem:s22+$0x2800];
	_ =	sdelay $0x4  }
0x67: {  	[tilespmem:$0x5000] =	vst v1  }
0x68: {  	v1 =	vld [tilespmem:s22+$0x2810];
	_ =	sdelay $0x4  }
0x69: {  	[tilespmem:$0x5010] =	vst v1  }
0x6a: {  	v1 =	vld [tilespmem:s22+$0x2820];
	_ =	sdelay $0x4  }
0x6b: {  	[tilespmem:$0x5020] =	vst v1  }
0x6c: {  	v1 =	vld [tilespmem:s22+$0x2830];
	_ =	sdelay $0x4  }
0x6d: {  	[tilespmem:$0x5030] =	vst v1  }
0x6e: {  	v1 =	vld [tilespmem:s22+$0x2840];
	_ =	sdelay $0x4  }
0x6f: {  	[tilespmem:$0x5040] =	vst v1  }
0x70: {  	v1 =	vld [tilespmem:s22+$0x2850];
	_ =	sdelay $0x4  }
0x71: {  	[tilespmem:$0x5050] =	vst v1  }
0x72: {  	v1 =	vld [tilespmem:s22+$0x2860];
	_ =	sdelay $0x4  }
0x73: {  	[tilespmem:$0x5060] =	vst v1  }
0x74: {  	v1 =	vld [tilespmem:s22+$0x2870];
	_ =	sdelay $0x4  }
0x75: {  	[tilespmem:$0x5070] =	vst v1  }
0x76: {  	[tilespmem:s16], [sflag:$0x1] =	stream.indirect.gather [hbm4b:s4+s17], $0x80, s22, s17, $0xb8;
	[tilespmem:$0x1D080] =	vst v63  }
0x77: {  	_ =	swait.ge [sflag:s14], $0x4000  }
0x78: {  	[sflag:s14] =	ssyncset.done $0x0  }
0x79: {  	[sflag:s14] =	ssyncadd.s32 $0xFFFFC000  }
0x7a: {  	[spmem:s2] =	stream.indirect.scatter.add.f32 [tilespmem:s16], [sflag:$0x1], $0x80, s18, s17, $0xb8;
	[tilespmem:$0x1D080] =	vst v63  }
0x7b: {  	_ =	swait.ge [sflag:s14], $0x4000  }
0x7c: {  	s21 =	sadd.s32 $0x1, s21;
	[sflag:s14] =	ssyncset.done $0x0  }
0x7d: {  	p0 =	sne.s32 s21, s13;
	[sflag:s14] =	ssyncadd.s32 $0xFFFFC000  }
.Ltmp2:
0x7e: {  	[bflag:$0x0] =	sbarrier.arrive $0xFFFF;
	(pc) =	sbr.rel @p0 .LBB2_1-.Ltmp2, $4  }
0x7f: {  	[hbm:s12], [sflag:s19] =	dma.local [spmem:s20], $0x2800  }
0x80: {  	_ =	swait.ge [sflag:s14], $0x2800  }
0x81: {  	[sflag:s14] =	ssyncset.done $0x0  }
0x82: {  	[sflag:s14] =	ssyncadd.s32 $0xFFFFD800  }
0x83: {  	_ =	sfence.sel $0x180000  }
0x84: {  	[bflag:$0x0] =	sbarrier.arrive $0xFFFF  }
0x85: {  	p0 =	sne.s32 s1, $0x0;
	_ =	strace $0x9000004D  }
0x86: {  	s0 =	sadd.s32 @!p0 $0x100000, s0;
	[bflag:$0x2] =	sbarrier.arrive $0xFFFF  }
0x87: {  	[sflag:s0] =	ssyncadd.tile.s32 @!p0 $0x1;
	_ =	shalt  }
.Lfunc_end2:
_tile_overlayer_lowered:
.L_overlay_start_2:
0x88: {  	(tag) =	ssettag $0x2  }
0x89: {  	s0 =	rddreg [dreg:$0x0];
	s2 =	stileid.u32  }
0x8a: {  	s1 =	rddreg [dreg:$0x1];
	p0 =	sne.s32 s2, $0x0  }
0x8b: {  	s3 =	rddreg [dreg:$0x2];
	[bflag:$0x3] =	sbarrier.arrive $0xFFFF;
	s2 =	simm.s32 @!p0 $0x1C01  }
0x8c: {  	[timem:s3], [sflag:s2] =	dma.local @!p0 [hbm:s0], s1  }
0x8d: {  	s0 =	simm.s32 @!p0 $0x1  }
0x8e: {  	_ =	swait.ge @!p0 [sflag:s0], s1  }
0x8f: {  	s1 =	ssub.s32 @!p0 $0x0, s1;
	[sflag:s0] =	ssyncset.done @!p0 $0x0  }
0x90: {  	[sflag:s0] =	ssyncadd.s32 @!p0 s1  }
0x91: {  	[bflag:$0x3] =	sbarrier.arrive $0xFFFF  }
0x92: {  	_ =	shalt  }

// kernel: kernel.23.cloned.1.call-start
scs
__scs_entry_jumppad:
0x0: {  	(pc) =	sbr.rel $0x88, $3  }
0x1: {  	(tag) =	ssettag $0x0;
	lr =	simm.s32 $0x1  }
0x2: {  	[smem:$0x3F93] =	sst lr;
	_ =	strace $0xD0000000  }
0x3: {  	_ = 	snop  }
0x4: {  	_ = 	snop  }
0x5: {  	_ = 	snop  }
0x6: {  	_ = 	snop  }
0x7: {  	_ = 	snop  }
__scs_overlays_trampoline_lowered:
0x8: {  	[smem:$0x3FA2] =	sst s0  }
0x9: {  	[smem:$0x3FA3] =	sst s1  }
0xa: {  	[smem:$0x3FA4] =	sst s2  }
0xb: {  	[smem:$0x3FA5] =	sst s3  }
0xc: {  	[smem:$0x3FA6] =	sst s4  }
0xd: {  	[smem:$0x3FA7] =	sst s5  }
0xe: {  	[smem:$0x3FA8] =	sst s6  }
0xf: {  	[smem:$0x3FA9] =	sst s7  }
0x10: {  	[smem:$0x3FAA] =	sst s8  }
0x11: {  	[smem:$0x3FAB] =	sst s9;
	s0 =	simm.s32 @!p0 $0x0  }
0x12: {  	s1 =	sld [smem:$0x3F91];
	s0 =	simm.s32 @p0 $0x1  }
0x13: {  	[smem:$0x3FAC] =	sst s0;
	s0 =	simm.s32 @!p1 $0x0  }
0x14: {  	s2 =	sld [smem:$0x3F90];
	s0 =	simm.s32 @p1 $0x1  }
0x15: {  	[smem:$0x3FAD] =	sst s0;
	s0 =	simm.s32 @!p2 $0x0  }
0x16: {  	s3 =	sld [smem:$0x3FDB];
	s0 =	simm.s32 @p2 $0x1  }
0x17: {  	s4 =	simm.s32 $0x1BF5;
	[smem:$0x3FAF] =	sst s0  }
0x18: {  	s0 =	sld [smem:$0x3F92];
	_ =	swait.ge [sflag:s4], $0x0  }
0x19: {  	s7 =	sld [smem:$0x3F93]  }
0x1a: {  	s8 =	sadd.s32 $0xFFFFE003, lr  }
0x1b: {  	s9 =	sadd.s32 $0xFFFFFEF7, lr;
	s5 =	simm.s32 $0xFFFFFFFF;
	p2 =	slt.u32 s8, $0xFFFFF086  }
0x1c: {  	p1 =	slt.u32 s9, $0xF7A;
	s5 =	simm.s32 @!p2 $0x0  }
0x1d: {  	s5 =	simm.s32 @p1 $0x1;
	p0 =	seq.s32 s7, s2  }
0x1e: {  	s7 =	smul.u32 @!p0 $0xF7A, s2;
	p2 =	seq.s32 @!p0 s5, $0x0  }
0x1f: {  	s9 =	smul.u32 $0xF7A, s1;
	s8 =	simm.s32 @!p0 $0x1BF5;
	p2 =	por !p2, p0  }
0x20: {  	[sflag:s8] =	ssyncset.s32 @!p0 $0xFFFFF086;
	s6 =	sadd.s32 @!p0 s3, s7;
	s7 =	simm.s32 @!p0 $0x108  }
0x21: {  	s3 =	sadd.s32 s3, s9;
	s6 =	sadd.s32 @!p0 $0x88, s6;
	s7 =	simm.s32 @p2 $0x1082  }
0x22: {  	[simem:s7], [sflag:s8] =	dma.local @!p0 [hbm:s6], $0xF7A  }
0x23: {  	s9 =	sor.u32 $0xD0000000, s2;
	s6 =	simm.s32 $0x108;
	_ =	swait.ge @!p0 [sflag:s8], $0x0  }
0x24: {  	s3 =	sadd.s32 $0x88, s3;
	s6 =	simm.s32 @!p1 $0x1082;
	[sflag:s4] =	ssyncset.s32 $0xFFFFF086  }
0x25: {  	[simem:s6], [sflag:s4] =	dma.local [hbm:s3], $0xF7A  }
0x26: {  	[smem:$0x3F93] =	sst s1;
	(tag) =	ssettag s2;
	_ =	strace s9  }
0x27: {  	s1 =	sld [smem:$0x3FA3]  }
0x28: {  	s2 =	sld [smem:$0x3FA4]  }
0x29: {  	s4 =	sld [smem:$0x3FA6]  }
0x2a: {  	p0 =	seq.s32 s5, $0x0;
	s5 =	sld [smem:$0x3FA7]  }
0x2b: {  	s6 =	sld [smem:$0x3FA8]  }
0x2c: {  	s7 =	sld [smem:$0x3FA9]  }
0x2d: {  	s3 =	simm.s32 $0x108;
	s8 =	sld [smem:$0x3FAA]  }
0x2e: {  	s3 =	simm.s32 @!p0 $0x1082;
	s9 =	sld [smem:$0x3FAB]  }
0x2f: {  	lr =	sadd.s32 s0, s3;
	s0 =	sld [smem:$0x3FA2]  }
0x30: {  	s3 =	sld [smem:$0x3FA5]  }
0x31: {  	[smem:$0x3FAE] =	sst s10  }
0x32: {  	s10 =	sld [smem:$0x3FAC];
	_ =	sdelay $0x3  }
0x33: {  	p0 =	seq.s32 s10, $0x1;
	s10 =	sld [smem:$0x3FAE];
	_ =	sdelay $0x3  }
0x34: {  	[smem:$0x3FAE] =	sst s10  }
0x35: {  	s10 =	sld [smem:$0x3FAD];
	_ =	sdelay $0x3  }
0x36: {  	p1 =	seq.s32 s10, $0x1;
	s10 =	sld [smem:$0x3FAE];
	_ =	sdelay $0x3  }
0x37: {  	[smem:$0x3FAE] =	sst s10  }
0x38: {  	s10 =	sld [smem:$0x3FAF]  }
0x39: {  	_ = 	snop;
	(pc) =	sbr.ind lr, $3  }
0x3a: {  	_ = 	snop  }
0x3b: {  	_ = 	snop  }
0x3c: {  	p2 =	seq.s32 s10, $0x1;
	s10 =	sld [smem:$0x3FAE]  }
0x3d: {  	_ =	shalt  }
0x3e: {  	_ =	shalt  }
0x3f: {  	_ =	shalt  }
0x40: {  	_ =	shalt  }
0x41: {  	_ =	shalt  }
0x42: {  	_ =	shalt  }
0x43: {  	_ =	shalt  }
0x44: {  	_ =	shalt  }
0x45: {  	_ =	shalt  }
0x46: {  	_ =	shalt  }
0x47: {  	_ =	shalt  }
0x48: {  	_ =	shalt  }
0x49: {  	_ =	shalt  }
0x4a: {  	_ =	shalt  }
0x4b: {  	_ =	shalt  }
0x4c: {  	_ =	shalt  }
0x4d: {  	_ =	shalt  }
0x4e: {  	_ =	shalt  }
0x4f: {  	_ =	shalt  }
0x50: {  	_ =	shalt  }
0x51: {  	_ =	shalt  }
0x52: {  	_ =	shalt  }
0x53: {  	_ =	shalt  }
0x54: {  	_ =	shalt  }
0x55: {  	_ =	shalt  }
0x56: {  	_ =	shalt  }
0x57: {  	_ =	shalt  }
0x58: {  	_ =	shalt  }
0x59: {  	_ =	shalt  }
0x5a: {  	_ =	shalt  }
0x5b: {  	_ =	shalt  }
0x5c: {  	_ =	shalt  }
0x5d: {  	_ =	shalt  }
0x5e: {  	_ =	shalt  }
0x5f: {  	_ =	shalt  }
0x60: {  	_ =	shalt  }
0x61: {  	_ =	shalt  }
0x62: {  	_ =	shalt  }
0x63: {  	_ =	shalt  }
0x64: {  	_ =	shalt  }
0x65: {  	_ =	shalt  }
0x66: {  	_ =	shalt  }
0x67: {  	_ =	shalt  }
0x68: {  	_ =	shalt  }
0x69: {  	_ =	shalt  }
0x6a: {  	_ =	shalt  }
0x6b: {  	_ =	shalt  }
0x6c: {  	_ =	shalt  }
0x6d: {  	_ =	shalt  }
0x6e: {  	_ =	shalt  }
0x6f: {  	_ =	shalt  }
0x70: {  	_ =	shalt  }
0x71: {  	_ =	shalt  }
0x72: {  	_ =	shalt  }
0x73: {  	_ =	shalt  }
0x74: {  	_ =	shalt  }
0x75: {  	_ =	shalt  }
0x76: {  	_ =	shalt  }
0x77: {  	_ =	shalt  }
0x78: {  	_ =	shalt  }
0x79: {  	_ =	shalt  }
0x7a: {  	_ =	shalt  }
0x7b: {  	_ =	shalt  }
0x7c: {  	_ =	shalt  }
0x7d: {  	_ =	shalt  }
0x7e: {  	_ =	shalt  }
0x7f: {  	_ =	shalt  }
0x80: {  	_ =	shalt  }
0x81: {  	_ =	shalt  }
0x82: {  	_ =	shalt  }
0x83: {  	_ =	shalt  }
0x84: {  	_ =	shalt  }
0x85: {  	_ =	shalt  }
0x86: {  	_ =	shalt  }
0x87: {  	_ =	shalt  }
.Lfunc_end0:
.L_simem_size_0:
called_computation.3_lowered:
.L_overlay_start_0:
0x88: {  	s2 =	sld [smem:$0x3FD9]  }
0x89: {  	s3 =	sld [smem:$0x3FFE];
	_ =	sdelay $0x1  }
0x8a: {  	s1 =	srdreg.scid  }
0x8b: {  	s0 =	sand.u32 $0x1, s1  }
0x8c: {  	s16 =	sshll.u32 s0, $0xA;
	s2 =	sadd.s32 s3, s2  }
0x8d: {  	s2 =	sadd.s32 s2, s16  }
0x8e: {  	[smem:$0x3FBA] =	sst s2  }
0x8f: {  	_ = 	snop  }
0x90: {  	(tm) =	ssettm $0x1  }
0x91: {  	s17 =	sld [smem:$0x3FFB];
	_ =	sdelay $0x3  }
0x92: {  	_ =	strace s17  }
0x93: {  	s2 =	sld [smem:$0x3FFC];
	_ =	sdelay $0x3  }
0x94: {  	_ =	strace s2  }
0x95: {  	s2 =	sld [smem:$0x3FFD];
	_ =	sdelay $0x3  }
0x96: {  	_ =	strace s2  }
0x97: {  	_ =	strace $0x8FFFFFFF  }
0x98: {  	s18 =	sld [smem:$0x3FDB];
	_ =	sdelay $0x1  }
0x99: {  	s19 =	simm.s32 $_scs_section_size  }
0x9a: {  	s4 =	simm.s32 $_size__tile_overlayer_lowered;
	s5 =	simm.s32 $_tile_overlayer_lowered  }
0x9b: {  	s22 =	simm.s32 $0x1BFF;
	s21 =	sshll.u32 s5, $0x1;
	s2 =	sadd.s32 s19, s18  }
0x9c: {  	s6 =	simm.s32 $0x0;
	s20 =	sshll.u32 s4, $0x1;
	s4 =	sadd.s32 s21, s2  }
0x9d: {  	[timem:s6], [sflag:s22] =	dma.local [hbm:s4], s20  }
0x9e: {  	_ =	swait.ge [sflag:s22], s20  }
0x9f: {  	s3 =	ssub.s32 $0x0, s20;
	[sflag:s22] =	ssyncset.done $0x0  }
0xa0: {  	[sflag:s22] =	ssyncadd.s32 s3;
	_ =	sdelay $0x1  }
0xa1: {  	s23 =	simm.s32 $0x1B8B  }
0xa2: {  	_ =	swait.ge [sflag:s23], $0x1  }
0xa3: {  	[sflag:s23] =	ssyncset.done $0x0  }
0xa4: {  	s25 =	simm.s32 $0x1B8E;
	s24 =	sld [smem:$0x3FFE];
	[sflag:s23] =	ssyncadd.s32 $0xFFFFFFFF  }
0xa5: {  	s26 =	simm.s32 $execute0_lowered;
	[smem:$0x3FD2] =	sst s25  }
0xa6: {  	s4 =	sshll.u32 s26, $0x1;
	_ =	strace $0x8000004F;
	[dreg:$0x1] =	wrdreg $0xFFFFFFFF  }
0xa7: {  	s28 =	simm.s32 $_size_execute0_lowered;
	s2 =	sadd.s32 s2, s4;
	[dreg:$0x0] =	wrdreg $0x0  }
0xa8: {  	s4 =	sshll.u32 s28, $0x1;
	[dreg:$0x2] =	wrdreg s2  }
0xa9: {  	[dreg:$0x3] =	wrdreg s4  }
0xaa: {  	[dreg:$0x4] =	wrdreg $0xC0  }
0xab: {  	_ =	task [dreg:s6], $0x5FFFF  }
0xac: {  	[dreg:$0x1] =	wrdreg $0xFFFFFFFF  }
0xad: {  	[dreg:$0x0] =	wrdreg $0x60  }
0xae: {  	[dreg:$0x2] =	wrdreg s24  }
0xaf: {  	[dreg:$0x3] =	wrdreg $0x90800  }
0xb0: {  	[dreg:$0x4] =	wrdreg $0x9  }
0xb1: {  	_ =	task.clear_ibuf [dreg:s6], $0x5FFFF;
	_ =	strace $0x9000004F  }
0xb2: {  	s29 =	simm.s32 $0x9;
	_ =	strace $0x80000051  }
0xb3: {  	_ =	swait.ge [sflag:s29], $0x1  }
0xb4: {  	[sflag:s29] =	ssyncadd.s32 $0xFFFFFFFF  }
0xb5: {  	_ =	strace $0x90000051  }
0xb6: {  	_ =	sfence  }
0xb7: {  	s30 =	sld [smem:$0x0];
	_ =	sdelay $0x2  }
0xb8: {  	s31 =	sshll.u32 s1, $0xD;
	s1 =	sshrl.u32 s1, $0x2  }
0xb9: {  	s3 =	sand.u32 $0x4000, s31;
	s1 =	sadd.s32 s1, s30  }
0xba: {  	s0 =	sor.u32 s3, s0;
	s1 =	sshll.u32 s1, $0x11  }
0xbb: {  	s0 =	sor.u32 s1, s0  }
0xbc: {  	s0 =	sadd.s32 $0x8F2B, s0  }
0xbd: {  	[sflag:s0] =	ssyncadd.remote.s32 $0x1  }
0xbe: {  	_ =	sfence.sel $0xFFFF  }
0xbf: {  	[dreg:$0x0] =	wrdreg $0xFFFFFFFF;
	(pc) =	sbr.abs _section_cstart, $3  }
0xc0: {  	[dreg:$0x1] =	wrdreg $0xFFFFFFFF  }
0xc1: {  	_ =	task.clear_ibuf [dreg:s6], $0x2FFFF;
	_ =	strace $0x9FFFFFFF  }
0xc2: {  	(tm) =	ssettm $0x7FFFFFFF  }
0xc3: {  	_ =	shalt  }
tec
execute0_lowered:
.L_overlay_start_1:
0x0: {  	(tag) =	ssettag $0x1  }
0x1: {  	s5 =	rddreg [dreg:$0x0]  }
0x2: {  	s2 =	rddreg [dreg:$0x1];
	s3 =	srdreg.scid  }
0x3: {  	s0 =	rddreg [dreg:$0x2];
	s1 =	stileid.u32;
	s14 =	simm.s32 $0x1  }
0x4: {  	s15 =	simm.s32 $0x2800;
	s16 =	simm.s32 $0x5080;
	s17 =	simm.s32 $0x80  }
0x5: {  	s18 =	simm.s32 $0x5000;
	s21 =	simm.s32 $0x0;
	s9 =	smul.u32 $0x14000, s1  }
0x6: {  	s6 =	sand.u32 $0x1, s3;
	s3 =	simm.s32 $0x0;
	s30 =	smul.u32 $0x50000, s1  }
0x7: {  	s4 =	sshll.u32 s1, $0x1;
	s19 =	sshll.u32 s1, $0x6;
	s7 =	smul.u32 $0x140000, s6  }
0x8: {  	[smem:$0x7FF] =	sst s3;
	s8 =	sor.u32 s6, s4;
	s4 =	sadd.s32 $0x18000, s5  }
0x9: {  	s6 =	ssub.s32 $0x2, s6;
	s19 =	sor.u32 $0x1C01, s19;
	_ =	strace $0x80000050  }
0xa: {  	s8 =	smul.u32 $0x500, s8;
	s10 =	sshrl.u32 s6, $0x1;
	s7 =	sadd.s32 s9, s7  }
0xb: {  	s31 =	sshrl.u32 s30, $0x2;
	s13 =	ssub.s32 s6, s10;
	s7 =	sshrl.u32 s7, $0x3  }
0xc: {  	s8 =	sadd.s32 s8, s5;
	s13 =	smax.u32 s13, $0x1;
	s12 =	sadd.s32 s7, s5  }
0xd: {  	s5 =	sadd.s32 $0xE000, s8;
	s6 =	sadd.s32 $0x4000, s8;
	s7 =	sadd.s32 s31, s2  }
0xe: {  	s8 =	sadd.s32 $0x4000, s7;
	s9 =	sadd.s32 $0x8000, s7;
	s10 =	sadd.s32 $0xC000, s7  }
0xf: {  	v0 =	vimm.f32 $0.0e+00;
	s11 =	sadd.s32 $0x10000, s7;
	s12 =	sadd.s32 $0x40000, s12;
	s20 =	sshrl.u32 s7, $0x3  }
.LBB2_1:
0x10: {  	[tilespmem:s3], [sflag:$0x1] =	stream.linear.gather [hbm4b:s5+s3], $0x2800, $0x38;
	[tilespmem:$0x1D080] =	vst v63  }
0x11: {  	_ =	swait.ge [sflag:s14], $0x2800  }
0x12: {  	[sflag:s14] =	ssyncset.done $0x0  }
0x13: {  	[sflag:s14] =	ssyncadd.s32 $0xFFFFD800  }
0x14: {  	[tilespmem:s15], [sflag:$0x1] =	stream.linear.gather [hbm4b:s6+s3], $0x2800, $0x38;
	[tilespmem:$0x1D080] =	vst v63  }
0x15: {  	s22 =	sand.u32 $0xFE00, s3;
	s23 =	sand.u32 $0x70, s3;
	_ =	swait.ge [sflag:s14], $0x2800  }
0x16: {  	s24 =	sshrl.u32 s22, $0x2;
	s22 =	simm.s32 $0x40;
	[sflag:s14] =	ssyncset.done $0x0  }
0x17: {  	s24 =	sor.u32 s23, s24;
	s23 =	simm.s32 $0x0;
	[sflag:s14] =	ssyncadd.s32 $0xFFFFD800  }
.LBB2_2:
0x18: {  	p0 =	sne.s32 s22, $0xFFC0  }
0x19: {  	[tilespmem:s24+$0x5080] =	vst v0;
	s23 =	sadd.s32 $0x10, s23;
	s24 =	smov.u32 s22;
	s22 =	sadd.s32 $0x40, s22  }
.Ltmp0:
0x1a: {  	(pc) =	sbr.rel @p0 .LBB2_2-.Ltmp0, $4  }
0x1b: {  	_ = 	snop  }
0x1c: {  	s24 =	sand.u32 $0xFE00, s24  }
0x1d: {  	s25 =	sand.u32 $0x70, s23;
	s24 =	sshrl.u32 s24, $0x2  }
0x1e: {  	s24 =	sor.u32 s25, s24  }
0x1f: {  	[tilespmem:s24+$0x5080] =	vst v0  }
0x20: {  	[spmem:s7] =	stream.linear.scatter [tilespmem:s16], [sflag:$0x1], $0x4000, $0x38;
	[tilespmem:$0x1D080] =	vst v63  }
0x21: {  	_ =	swait.ge [sflag:s14], $0x4000  }
0x22: {  	[sflag:s14] =	ssyncset.done $0x0  }
0x23: {  	[sflag:s14] =	ssyncadd.s32 $0xFFFFC000  }
0x24: {  	[spmem:s8] =	stream.linear.scatter [tilespmem:s16], [sflag:$0x1], $0x4000, $0x38;
	[tilespmem:$0x1D080] =	vst v63  }
0x25: {  	_ =	swait.ge [sflag:s14], $0x4000  }
0x26: {  	[sflag:s14] =	ssyncset.done $0x0  }
0x27: {  	[sflag:s14] =	ssyncadd.s32 $0xFFFFC000  }
0x28: {  	[spmem:s9] =	stream.linear.scatter [tilespmem:s16], [sflag:$0x1], $0x4000, $0x38;
	[tilespmem:$0x1D080] =	vst v63  }
0x29: {  	_ =	swait.ge [sflag:s14], $0x4000  }
0x2a: {  	[sflag:s14] =	ssyncset.done $0x0  }
0x2b: {  	[sflag:s14] =	ssyncadd.s32 $0xFFFFC000  }
0x2c: {  	[spmem:s10] =	stream.linear.scatter [tilespmem:s16], [sflag:$0x1], $0x4000, $0x38;
	[tilespmem:$0x1D080] =	vst v63  }
0x2d: {  	_ =	swait.ge [sflag:s14], $0x4000  }
0x2e: {  	[sflag:s14] =	ssyncset.done $0x0  }
0x2f: {  	[sflag:s14] =	ssyncadd.s32 $0xFFFFC000  }
0x30: {  	[spmem:s11] =	stream.linear.scatter [tilespmem:s16], [sflag:$0x1], $0x4000, $0x38;
	[tilespmem:$0x1D080] =	vst v63  }
0x31: {  	_ =	swait.ge [sflag:s14], $0x4000  }
0x32: {  	[sflag:s14] =	ssyncset.done $0x0  }
0x33: {  	[sflag:s14] =	ssyncadd.s32 $0xFFFFC000  }
0x34: {  	s22 =	simm.s32 $0x0;
	[bflag:$0x0] =	sbarrier.arrive $0xFFFF  }
0x35: {  	v1 =	vld [tilespmem:s22+$0x2800];
	_ =	sdelay $0x4  }
0x36: {  	[tilespmem:$0x5000] =	vst v1  }
0x37: {  	v1 =	vld [tilespmem:s22+$0x2810];
	_ =	sdelay $0x4  }
0x38: {  	[tilespmem:$0x5010] =	vst v1  }
0x39: {  	v1 =	vld [tilespmem:s22+$0x2820];
	_ =	sdelay $0x4  }
0x3a: {  	[tilespmem:$0x5020] =	vst v1  }
0x3b: {  	v1 =	vld [tilespmem:s22+$0x2830];
	_ =	sdelay $0x4  }
0x3c: {  	[tilespmem:$0x5030] =	vst v1  }
0x3d: {  	v1 =	vld [tilespmem:s22+$0x2840];
	_ =	sdelay $0x4  }
0x3e: {  	[tilespmem:$0x5040] =	vst v1  }
0x3f: {  	v1 =	vld [tilespmem:s22+$0x2850];
	_ =	sdelay $0x4  }
0x40: {  	[tilespmem:$0x5050] =	vst v1  }
0x41: {  	v1 =	vld [tilespmem:s22+$0x2860];
	_ =	sdelay $0x4  }
0x42: {  	[tilespmem:$0x5060] =	vst v1  }
0x43: {  	v1 =	vld [tilespmem:s22+$0x2870];
	_ =	sdelay $0x4  }
0x44: {  	[tilespmem:$0x5070] =	vst v1  }
0x45: {  	[tilespmem:s16], [sflag:$0x1] =	stream.indirect.gather [hbm4b:s4+s17], $0x80, s22, s17, $0xb8;
	[tilespmem:$0x1D080] =	vst v63  }
0x46: {  	_ =	swait.ge [sflag:s14], $0x4000  }
0x47: {  	[sflag:s14] =	ssyncset.done $0x0  }
0x48: {  	[sflag:s14] =	ssyncadd.s32 $0xFFFFC000  }
0x49: {  	[spmem:s2] =	stream.indirect.scatter.add.f32 [tilespmem:s16], [sflag:$0x1], $0x80, s18, s17, $0xb8;
	[tilespmem:$0x1D080] =	vst v63  }
0x4a: {  	_ =	swait.ge [sflag:s14], $0x4000  }
0x4b: {  	s25 =	simm.s32 $0x400;
	s22 =	simm.s32 $0x200;
	[sflag:s14] =	ssyncset.done $0x0  }
.LBB2_4:
0x4c: {  	s24 =	sshra.s32 s22, $0x2  }
0x4d: {  	[sflag:s14] =	ssyncadd.s32 $0xFFFFC000;
	s22 =	smov.u32 s25;
	s23 =	sadd.s32 $0x200, s25  }
0x4e: {  	p0 =	sne.s32 s25, $0x9E00;
	v1 =	vld [tilespmem:s24+$0x2800];
	_ =	sdelay $0x4  }
0x4f: {  	[tilespmem:$0x5000] =	vst v1  }
0x50: {  	v1 =	vld [tilespmem:s24+$0x2810];
	_ =	sdelay $0x4  }
0x51: {  	[tilespmem:$0x5010] =	vst v1  }
0x52: {  	v1 =	vld [tilespmem:s24+$0x2820];
	_ =	sdelay $0x4  }
0x53: {  	[tilespmem:$0x5020] =	vst v1  }
0x54: {  	v1 =	vld [tilespmem:s24+$0x2830];
	_ =	sdelay $0x4  }
0x55: {  	[tilespmem:$0x5030] =	vst v1  }
0x56: {  	v1 =	vld [tilespmem:s24+$0x2840];
	_ =	sdelay $0x4  }
0x57: {  	[tilespmem:$0x5040] =	vst v1  }
0x58: {  	v1 =	vld [tilespmem:s24+$0x2850];
	_ =	sdelay $0x4  }
0x59: {  	[tilespmem:$0x5050] =	vst v1  }
0x5a: {  	v1 =	vld [tilespmem:s24+$0x2860];
	_ =	sdelay $0x4  }
0x5b: {  	[tilespmem:$0x5060] =	vst v1  }
0x5c: {  	v1 =	vld [tilespmem:s24+$0x2870];
	_ =	sdelay $0x4  }
0x5d: {  	[tilespmem:$0x5070] =	vst v1  }
0x5e: {  	[tilespmem:s16], [sflag:$0x1] =	stream.indirect.gather [hbm4b:s4+s17], $0x80, s24, s17, $0xb8;
	[tilespmem:$0x1D080] =	vst v63  }
0x5f: {  	_ =	swait.ge [sflag:s14], $0x4000  }
.Ltmp1:
0x60: {  	[sflag:s14] =	ssyncset.done $0x0;
	(pc) =	sbr.rel @p0 .LBB2_4-.Ltmp1, $4  }
0x61: {  	[sflag:s14] =	ssyncadd.s32 $0xFFFFC000  }
0x62: {  	[spmem:s2] =	stream.indirect.scatter.add.f32 [tilespmem:s16], [sflag:$0x1], $0x80, s18, s17, $0xb8;
	[tilespmem:$0x1D080] =	vst v63  }
0x63: {  	_ =	swait.ge [sflag:s14], $0x4000  }
0x64: {  	s25 =	smov.u32 s23;
	[sflag:s14] =	ssyncset.done $0x0  }
0x65: {  	s22 =	sshra.s32 s22, $0x2;
	[sflag:s14] =	ssyncadd.s32 $0xFFFFC000  }
0x66: {  	v1 =	vld [tilespmem:s22+$0x2800];
	_ =	sdelay $0x4  }
0x67: {  	[tilespmem:$0x5000] =	vst v1  }
0x68: {  	v1 =	vld [tilespmem:s22+$0x2810];
	_ =	sdelay $0x4  }
0x69: {  	[tilespmem:$0x5010] =	vst v1  }
0x6a: {  	v1 =	vld [tilespmem:s22+$0x2820];
	_ =	sdelay $0x4  }
0x6b: {  	[tilespmem:$0x5020] =	vst v1  }
0x6c: {  	v1 =	vld [tilespmem:s22+$0x2830];
	_ =	sdelay $0x4  }
0x6d: {  	[tilespmem:$0x5030] =	vst v1  }
0x6e: {  	v1 =	vld [tilespmem:s22+$0x2840];
	_ =	sdelay $0x4  }
0x6f: {  	[tilespmem:$0x5040] =	vst v1  }
0x70: {  	v1 =	vld [tilespmem:s22+$0x2850];
	_ =	sdelay $0x4  }
0x71: {  	[tilespmem:$0x5050] =	vst v1  }
0x72: {  	v1 =	vld [tilespmem:s22+$0x2860];
	_ =	sdelay $0x4  }
0x73: {  	[tilespmem:$0x5060] =	vst v1  }
0x74: {  	v1 =	vld [tilespmem:s22+$0x2870];
	_ =	sdelay $0x4  }
0x75: {  	[tilespmem:$0x5070] =	vst v1  }
0x76: {  	[tilespmem:s16], [sflag:$0x1] =	stream.indirect.gather [hbm4b:s4+s17], $0x80, s22, s17, $0xb8;
	[tilespmem:$0x1D080] =	vst v63  }
0x77: {  	_ =	swait.ge [sflag:s14], $0x4000  }
0x78: {  	[sflag:s14] =	ssyncset.done $0x0  }
0x79: {  	[sflag:s14] =	ssyncadd.s32 $0xFFFFC000  }
0x7a: {  	[spmem:s2] =	stream.indirect.scatter.add.f32 [tilespmem:s16], [sflag:$0x1], $0x80, s18, s17, $0xb8;
	[tilespmem:$0x1D080] =	vst v63  }
0x7b: {  	_ =	swait.ge [sflag:s14], $0x4000  }
0x7c: {  	s21 =	sadd.s32 $0x1, s21;
	[sflag:s14] =	ssyncset.done $0x0  }
0x7d: {  	p0 =	sne.s32 s21, s13;
	[sflag:s14] =	ssyncadd.s32 $0xFFFFC000  }
.Ltmp2:
0x7e: {  	[bflag:$0x0] =	sbarrier.arrive $0xFFFF;
	(pc) =	sbr.rel @p0 .LBB2_1-.Ltmp2, $4  }
0x7f: {  	[hbm:s12], [sflag:s19] =	dma.local [spmem:s20], $0x2800  }
0x80: {  	_ =	swait.ge [sflag:s14], $0x2800  }
0x81: {  	[sflag:s14] =	ssyncset.done $0x0  }
0x82: {  	[sflag:s14] =	ssyncadd.s32 $0xFFFFD800  }
0x83: {  	_ =	sfence.sel $0x180000  }
0x84: {  	[bflag:$0x0] =	sbarrier.arrive $0xFFFF  }
0x85: {  	p0 =	sne.s32 s1, $0x0;
	_ =	strace $0x90000050  }
0x86: {  	s0 =	sadd.s32 @!p0 $0x100000, s0;
	[bflag:$0x2] =	sbarrier.arrive $0xFFFF  }
0x87: {  	[sflag:s0] =	ssyncadd.tile.s32 @!p0 $0x1;
	_ =	shalt  }
.Lfunc_end2:
_tile_overlayer_lowered:
.L_overlay_start_2:
0x88: {  	(tag) =	ssettag $0x2  }
0x89: {  	s0 =	rddreg [dreg:$0x0];
	s2 =	stileid.u32  }
0x8a: {  	s1 =	rddreg [dreg:$0x1];
	p0 =	sne.s32 s2, $0x0  }
0x8b: {  	s3 =	rddreg [dreg:$0x2];
	[bflag:$0x3] =	sbarrier.arrive $0xFFFF;
	s2 =	simm.s32 @!p0 $0x1C01  }
0x8c: {  	[timem:s3], [sflag:s2] =	dma.local @!p0 [hbm:s0], s1  }
0x8d: {  	s0 =	simm.s32 @!p0 $0x1  }
0x8e: {  	_ =	swait.ge @!p0 [sflag:s0], s1  }
0x8f: {  	s1 =	ssub.s32 @!p0 $0x0, s1;
	[sflag:s0] =	ssyncset.done @!p0 $0x0  }
0x90: {  	[sflag:s0] =	ssyncadd.s32 @!p0 s1  }
0x91: {  	[bflag:$0x3] =	sbarrier.arrive $0xFFFF  }
0x92: {  	_ =	shalt  }

// kernel: kernel.26.cloned.1.call-start
scs
__scs_entry_jumppad:
0x0: {  	(pc) =	sbr.rel $0x88, $3  }
0x1: {  	(tag) =	ssettag $0x0;
	lr =	simm.s32 $0x1  }
0x2: {  	[smem:$0x3F93] =	sst lr;
	_ =	strace $0xD0000000  }
0x3: {  	_ = 	snop  }
0x4: {  	_ = 	snop  }
0x5: {  	_ = 	snop  }
0x6: {  	_ = 	snop  }
0x7: {  	_ = 	snop  }
__scs_overlays_trampoline_lowered:
0x8: {  	[smem:$0x3FA2] =	sst s0  }
0x9: {  	[smem:$0x3FA3] =	sst s1  }
0xa: {  	[smem:$0x3FA4] =	sst s2  }
0xb: {  	[smem:$0x3FA5] =	sst s3  }
0xc: {  	[smem:$0x3FA6] =	sst s4  }
0xd: {  	[smem:$0x3FA7] =	sst s5  }
0xe: {  	[smem:$0x3FA8] =	sst s6  }
0xf: {  	[smem:$0x3FA9] =	sst s7  }
0x10: {  	[smem:$0x3FAA] =	sst s8  }
0x11: {  	[smem:$0x3FAB] =	sst s9;
	s0 =	simm.s32 @!p0 $0x0  }
0x12: {  	s1 =	sld [smem:$0x3F91];
	s0 =	simm.s32 @p0 $0x1  }
0x13: {  	[smem:$0x3FAC] =	sst s0;
	s0 =	simm.s32 @!p1 $0x0  }
0x14: {  	s2 =	sld [smem:$0x3F90];
	s0 =	simm.s32 @p1 $0x1  }
0x15: {  	[smem:$0x3FAD] =	sst s0;
	s0 =	simm.s32 @!p2 $0x0  }
0x16: {  	s3 =	sld [smem:$0x3FDB];
	s0 =	simm.s32 @p2 $0x1  }
0x17: {  	s4 =	simm.s32 $0x1BF5;
	[smem:$0x3FAF] =	sst s0  }
0x18: {  	s0 =	sld [smem:$0x3F92];
	_ =	swait.ge [sflag:s4], $0x0  }
0x19: {  	s7 =	sld [smem:$0x3F93]  }
0x1a: {  	s8 =	sadd.s32 $0xFFFFE003, lr  }
0x1b: {  	s9 =	sadd.s32 $0xFFFFFEF7, lr;
	s5 =	simm.s32 $0xFFFFFFFF;
	p2 =	slt.u32 s8, $0xFFFFF086  }
0x1c: {  	p1 =	slt.u32 s9, $0xF7A;
	s5 =	simm.s32 @!p2 $0x0  }
0x1d: {  	s5 =	simm.s32 @p1 $0x1;
	p0 =	seq.s32 s7, s2  }
0x1e: {  	s7 =	smul.u32 @!p0 $0xF7A, s2;
	p2 =	seq.s32 @!p0 s5, $0x0  }
0x1f: {  	s9 =	smul.u32 $0xF7A, s1;
	s8 =	simm.s32 @!p0 $0x1BF5;
	p2 =	por !p2, p0  }
0x20: {  	[sflag:s8] =	ssyncset.s32 @!p0 $0xFFFFF086;
	s6 =	sadd.s32 @!p0 s3, s7;
	s7 =	simm.s32 @!p0 $0x108  }
0x21: {  	s3 =	sadd.s32 s3, s9;
	s6 =	sadd.s32 @!p0 $0x88, s6;
	s7 =	simm.s32 @p2 $0x1082  }
0x22: {  	[simem:s7], [sflag:s8] =	dma.local @!p0 [hbm:s6], $0xF7A  }
0x23: {  	s9 =	sor.u32 $0xD0000000, s2;
	s6 =	simm.s32 $0x108;
	_ =	swait.ge @!p0 [sflag:s8], $0x0  }
0x24: {  	s3 =	sadd.s32 $0x88, s3;
	s6 =	simm.s32 @!p1 $0x1082;
	[sflag:s4] =	ssyncset.s32 $0xFFFFF086  }
0x25: {  	[simem:s6], [sflag:s4] =	dma.local [hbm:s3], $0xF7A  }
0x26: {  	[smem:$0x3F93] =	sst s1;
	(tag) =	ssettag s2;
	_ =	strace s9  }
0x27: {  	s1 =	sld [smem:$0x3FA3]  }
0x28: {  	s2 =	sld [smem:$0x3FA4]  }
0x29: {  	s4 =	sld [smem:$0x3FA6]  }
0x2a: {  	p0 =	seq.s32 s5, $0x0;
	s5 =	sld [smem:$0x3FA7]  }
0x2b: {  	s6 =	sld [smem:$0x3FA8]  }
0x2c: {  	s7 =	sld [smem:$0x3FA9]  }
0x2d: {  	s3 =	simm.s32 $0x108;
	s8 =	sld [smem:$0x3FAA]  }
0x2e: {  	s3 =	simm.s32 @!p0 $0x1082;
	s9 =	sld [smem:$0x3FAB]  }
0x2f: {  	lr =	sadd.s32 s0, s3;
	s0 =	sld [smem:$0x3FA2]  }
0x30: {  	s3 =	sld [smem:$0x3FA5]  }
0x31: {  	[smem:$0x3FAE] =	sst s10  }
0x32: {  	s10 =	sld [smem:$0x3FAC];
	_ =	sdelay $0x3  }
0x33: {  	p0 =	seq.s32 s10, $0x1;
	s10 =	sld [smem:$0x3FAE];
	_ =	sdelay $0x3  }
0x34: {  	[smem:$0x3FAE] =	sst s10  }
0x35: {  	s10 =	sld [smem:$0x3FAD];
	_ =	sdelay $0x3  }
0x36: {  	p1 =	seq.s32 s10, $0x1;
	s10 =	sld [smem:$0x3FAE];
	_ =	sdelay $0x3  }
0x37: {  	[smem:$0x3FAE] =	sst s10  }
0x38: {  	s10 =	sld [smem:$0x3FAF]  }
0x39: {  	_ = 	snop;
	(pc) =	sbr.ind lr, $3  }
0x3a: {  	_ = 	snop  }
0x3b: {  	_ = 	snop  }
0x3c: {  	p2 =	seq.s32 s10, $0x1;
	s10 =	sld [smem:$0x3FAE]  }
0x3d: {  	_ =	shalt  }
0x3e: {  	_ =	shalt  }
0x3f: {  	_ =	shalt  }
0x40: {  	_ =	shalt  }
0x41: {  	_ =	shalt  }
0x42: {  	_ =	shalt  }
0x43: {  	_ =	shalt  }
0x44: {  	_ =	shalt  }
0x45: {  	_ =	shalt  }
0x46: {  	_ =	shalt  }
0x47: {  	_ =	shalt  }
0x48: {  	_ =	shalt  }
0x49: {  	_ =	shalt  }
0x4a: {  	_ =	shalt  }
0x4b: {  	_ =	shalt  }
0x4c: {  	_ =	shalt  }
0x4d: {  	_ =	shalt  }
0x4e: {  	_ =	shalt  }
0x4f: {  	_ =	shalt  }
0x50: {  	_ =	shalt  }
0x51: {  	_ =	shalt  }
0x52: {  	_ =	shalt  }
0x53: {  	_ =	shalt  }
0x54: {  	_ =	shalt  }
0x55: {  	_ =	shalt  }
0x56: {  	_ =	shalt  }
0x57: {  	_ =	shalt  }
0x58: {  	_ =	shalt  }
0x59: {  	_ =	shalt  }
0x5a: {  	_ =	shalt  }
0x5b: {  	_ =	shalt  }
0x5c: {  	_ =	shalt  }
0x5d: {  	_ =	shalt  }
0x5e: {  	_ =	shalt  }
0x5f: {  	_ =	shalt  }
0x60: {  	_ =	shalt  }
0x61: {  	_ =	shalt  }
0x62: {  	_ =	shalt  }
0x63: {  	_ =	shalt  }
0x64: {  	_ =	shalt  }
0x65: {  	_ =	shalt  }
0x66: {  	_ =	shalt  }
0x67: {  	_ =	shalt  }
0x68: {  	_ =	shalt  }
0x69: {  	_ =	shalt  }
0x6a: {  	_ =	shalt  }
0x6b: {  	_ =	shalt  }
0x6c: {  	_ =	shalt  }
0x6d: {  	_ =	shalt  }
0x6e: {  	_ =	shalt  }
0x6f: {  	_ =	shalt  }
0x70: {  	_ =	shalt  }
0x71: {  	_ =	shalt  }
0x72: {  	_ =	shalt  }
0x73: {  	_ =	shalt  }
0x74: {  	_ =	shalt  }
0x75: {  	_ =	shalt  }
0x76: {  	_ =	shalt  }
0x77: {  	_ =	shalt  }
0x78: {  	_ =	shalt  }
0x79: {  	_ =	shalt  }
0x7a: {  	_ =	shalt  }
0x7b: {  	_ =	shalt  }
0x7c: {  	_ =	shalt  }
0x7d: {  	_ =	shalt  }
0x7e: {  	_ =	shalt  }
0x7f: {  	_ =	shalt  }
0x80: {  	_ =	shalt  }
0x81: {  	_ =	shalt  }
0x82: {  	_ =	shalt  }
0x83: {  	_ =	shalt  }
0x84: {  	_ =	shalt  }
0x85: {  	_ =	shalt  }
0x86: {  	_ =	shalt  }
0x87: {  	_ =	shalt  }
.Lfunc_end0:
.L_simem_size_0:
called_computation.4_lowered:
.L_overlay_start_0:
0x88: {  	s2 =	sld [smem:$0x3FD9]  }
0x89: {  	s3 =	sld [smem:$0x3FFE];
	_ =	sdelay $0x1  }
0x8a: {  	s1 =	srdreg.scid  }
0x8b: {  	s0 =	sand.u32 $0x1, s1  }
0x8c: {  	s16 =	sshll.u32 s0, $0xA;
	s2 =	sadd.s32 s3, s2  }
0x8d: {  	s2 =	sadd.s32 s2, s16  }
0x8e: {  	[smem:$0x3FBA] =	sst s2  }
0x8f: {  	_ = 	snop  }
0x90: {  	(tm) =	ssettm $0x1  }
0x91: {  	s17 =	sld [smem:$0x3FFB];
	_ =	sdelay $0x3  }
0x92: {  	_ =	strace s17  }
0x93: {  	s2 =	sld [smem:$0x3FFC];
	_ =	sdelay $0x3  }
0x94: {  	_ =	strace s2  }
0x95: {  	s2 =	sld [smem:$0x3FFD];
	_ =	sdelay $0x3  }
0x96: {  	_ =	strace s2  }
0x97: {  	_ =	strace $0x8FFFFFFF  }
0x98: {  	s18 =	sld [smem:$0x3FDB];
	_ =	sdelay $0x1  }
0x99: {  	s19 =	simm.s32 $_scs_section_size  }
0x9a: {  	s4 =	simm.s32 $_size__tile_overlayer_lowered;
	s5 =	simm.s32 $_tile_overlayer_lowered  }
0x9b: {  	s22 =	simm.s32 $0x1BFF;
	s21 =	sshll.u32 s5, $0x1;
	s2 =	sadd.s32 s19, s18  }
0x9c: {  	s6 =	simm.s32 $0x0;
	s20 =	sshll.u32 s4, $0x1;
	s4 =	sadd.s32 s21, s2  }
0x9d: {  	[timem:s6], [sflag:s22] =	dma.local [hbm:s4], s20  }
0x9e: {  	_ =	swait.ge [sflag:s22], s20  }
0x9f: {  	s3 =	ssub.s32 $0x0, s20;
	[sflag:s22] =	ssyncset.done $0x0  }
0xa0: {  	[sflag:s22] =	ssyncadd.s32 s3;
	_ =	sdelay $0x1  }
0xa1: {  	s23 =	simm.s32 $0x1B8B  }
0xa2: {  	_ =	swait.ge [sflag:s23], $0x1  }
0xa3: {  	[sflag:s23] =	ssyncset.done $0x0  }
0xa4: {  	s25 =	simm.s32 $0x1B8E;
	s24 =	sld [smem:$0x3FFE];
	[sflag:s23] =	ssyncadd.s32 $0xFFFFFFFF  }
0xa5: {  	s26 =	simm.s32 $execute0_lowered;
	[smem:$0x3FD2] =	sst s25  }
0xa6: {  	s4 =	sshll.u32 s26, $0x1;
	_ =	strace $0x80000052;
	[dreg:$0x1] =	wrdreg $0xFFFFFFFF  }
0xa7: {  	s28 =	simm.s32 $_size_execute0_lowered;
	s2 =	sadd.s32 s2, s4;
	[dreg:$0x0] =	wrdreg $0x0  }
0xa8: {  	s4 =	sshll.u32 s28, $0x1;
	[dreg:$0x2] =	wrdreg s2  }
0xa9: {  	[dreg:$0x3] =	wrdreg s4  }
0xaa: {  	[dreg:$0x4] =	wrdreg $0xC0  }
0xab: {  	_ =	task [dreg:s6], $0x5FFFF  }
0xac: {  	[dreg:$0x1] =	wrdreg $0xFFFFFFFF  }
0xad: {  	[dreg:$0x0] =	wrdreg $0x60  }
0xae: {  	[dreg:$0x2] =	wrdreg s24  }
0xaf: {  	[dreg:$0x3] =	wrdreg $0x90800  }
0xb0: {  	[dreg:$0x4] =	wrdreg $0x9  }
0xb1: {  	_ =	task.clear_ibuf [dreg:s6], $0x5FFFF;
	_ =	strace $0x90000052  }
0xb2: {  	s29 =	simm.s32 $0x9;
	_ =	strace $0x80000054  }
0xb3: {  	_ =	swait.ge [sflag:s29], $0x1  }
0xb4: {  	[sflag:s29] =	ssyncadd.s32 $0xFFFFFFFF  }
0xb5: {  	_ =	strace $0x90000054  }
0xb6: {  	_ =	sfence  }
0xb7: {  	s30 =	sld [smem:$0x0];
	_ =	sdelay $0x2  }
0xb8: {  	s31 =	sshll.u32 s1, $0xD;
	s1 =	sshrl.u32 s1, $0x2  }
0xb9: {  	s3 =	sand.u32 $0x4000, s31;
	s1 =	sadd.s32 s1, s30  }
0xba: {  	s0 =	sor.u32 s3, s0;
	s1 =	sshll.u32 s1, $0x11  }
0xbb: {  	s0 =	sor.u32 s1, s0  }
0xbc: {  	s0 =	sadd.s32 $0x8F2B, s0  }
0xbd: {  	[sflag:s0] =	ssyncadd.remote.s32 $0x1  }
0xbe: {  	_ =	sfence.sel $0xFFFF  }
0xbf: {  	[dreg:$0x0] =	wrdreg $0xFFFFFFFF;
	(pc) =	sbr.abs _section_cstart, $3  }
0xc0: {  	[dreg:$0x1] =	wrdreg $0xFFFFFFFF  }
0xc1: {  	_ =	task.clear_ibuf [dreg:s6], $0x2FFFF;
	_ =	strace $0x9FFFFFFF  }
0xc2: {  	(tm) =	ssettm $0x7FFFFFFF  }
0xc3: {  	_ =	shalt  }
tec
execute0_lowered:
.L_overlay_start_1:
0x0: {  	(tag) =	ssettag $0x1  }
0x1: {  	s5 =	rddreg [dreg:$0x0]  }
0x2: {  	s2 =	rddreg [dreg:$0x1];
	s3 =	srdreg.scid  }
0x3: {  	s0 =	rddreg [dreg:$0x2];
	s1 =	stileid.u32;
	s14 =	simm.s32 $0x1  }
0x4: {  	s15 =	simm.s32 $0x2800;
	s16 =	simm.s32 $0x5080;
	s17 =	simm.s32 $0x80  }
0x5: {  	s18 =	simm.s32 $0x5000;
	s21 =	simm.s32 $0x0;
	s9 =	smul.u32 $0x14000, s1  }
0x6: {  	s6 =	sand.u32 $0x1, s3;
	s3 =	simm.s32 $0x0;
	s30 =	smul.u32 $0x50000, s1  }
0x7: {  	s4 =	sshll.u32 s1, $0x1;
	s19 =	sshll.u32 s1, $0x6;
	s7 =	smul.u32 $0x140000, s6  }
0x8: {  	[smem:$0x7FF] =	sst s3;
	s8 =	sor.u32 s6, s4;
	s4 =	sadd.s32 $0x18000, s5  }
0x9: {  	s6 =	ssub.s32 $0x2, s6;
	s19 =	sor.u32 $0x1C01, s19;
	_ =	strace $0x80000053  }
0xa: {  	s8 =	smul.u32 $0x500, s8;
	s10 =	sshrl.u32 s6, $0x1;
	s7 =	sadd.s32 s9, s7  }
0xb: {  	s31 =	sshrl.u32 s30, $0x2;
	s13 =	ssub.s32 s6, s10;
	s7 =	sshrl.u32 s7, $0x3  }
0xc: {  	s8 =	sadd.s32 s8, s5;
	s13 =	smax.u32 s13, $0x1;
	s12 =	sadd.s32 s7, s5  }
0xd: {  	s5 =	sadd.s32 $0xE000, s8;
	s6 =	sadd.s32 $0x4000, s8;
	s7 =	sadd.s32 s31, s2  }
0xe: {  	s8 =	sadd.s32 $0x4000, s7;
	s9 =	sadd.s32 $0x8000, s7;
	s10 =	sadd.s32 $0xC000, s7  }
0xf: {  	v0 =	vimm.f32 $0.0e+00;
	s11 =	sadd.s32 $0x10000, s7;
	s12 =	sadd.s32 $0x40000, s12;
	s20 =	sshrl.u32 s7, $0x3  }
.LBB2_1:
0x10: {  	[tilespmem:s3], [sflag:$0x1] =	stream.linear.gather [hbm4b:s5+s3], $0x2800, $0x38;
	[tilespmem:$0x1D080] =	vst v63  }
0x11: {  	_ =	swait.ge [sflag:s14], $0x2800  }
0x12: {  	[sflag:s14] =	ssyncset.done $0x0  }
0x13: {  	[sflag:s14] =	ssyncadd.s32 $0xFFFFD800  }
0x14: {  	[tilespmem:s15], [sflag:$0x1] =	stream.linear.gather [hbm4b:s6+s3], $0x2800, $0x38;
	[tilespmem:$0x1D080] =	vst v63  }
0x15: {  	s22 =	sand.u32 $0xFE00, s3;
	s23 =	sand.u32 $0x70, s3;
	_ =	swait.ge [sflag:s14], $0x2800  }
0x16: {  	s24 =	sshrl.u32 s22, $0x2;
	s22 =	simm.s32 $0x40;
	[sflag:s14] =	ssyncset.done $0x0  }
0x17: {  	s24 =	sor.u32 s23, s24;
	s23 =	simm.s32 $0x0;
	[sflag:s14] =	ssyncadd.s32 $0xFFFFD800  }
.LBB2_2:
0x18: {  	p0 =	sne.s32 s22, $0xFFC0  }
0x19: {  	[tilespmem:s24+$0x5080] =	vst v0;
	s23 =	sadd.s32 $0x10, s23;
	s24 =	smov.u32 s22;
	s22 =	sadd.s32 $0x40, s22  }
.Ltmp0:
0x1a: {  	(pc) =	sbr.rel @p0 .LBB2_2-.Ltmp0, $4  }
0x1b: {  	_ = 	snop  }
0x1c: {  	s24 =	sand.u32 $0xFE00, s24  }
0x1d: {  	s25 =	sand.u32 $0x70, s23;
	s24 =	sshrl.u32 s24, $0x2  }
0x1e: {  	s24 =	sor.u32 s25, s24  }
0x1f: {  	[tilespmem:s24+$0x5080] =	vst v0  }
0x20: {  	[spmem:s7] =	stream.linear.scatter [tilespmem:s16], [sflag:$0x1], $0x4000, $0x38;
	[tilespmem:$0x1D080] =	vst v63  }
0x21: {  	_ =	swait.ge [sflag:s14], $0x4000  }
0x22: {  	[sflag:s14] =	ssyncset.done $0x0  }
0x23: {  	[sflag:s14] =	ssyncadd.s32 $0xFFFFC000  }
0x24: {  	[spmem:s8] =	stream.linear.scatter [tilespmem:s16], [sflag:$0x1], $0x4000, $0x38;
	[tilespmem:$0x1D080] =	vst v63  }
0x25: {  	_ =	swait.ge [sflag:s14], $0x4000  }
0x26: {  	[sflag:s14] =	ssyncset.done $0x0  }
0x27: {  	[sflag:s14] =	ssyncadd.s32 $0xFFFFC000  }
0x28: {  	[spmem:s9] =	stream.linear.scatter [tilespmem:s16], [sflag:$0x1], $0x4000, $0x38;
	[tilespmem:$0x1D080] =	vst v63  }
0x29: {  	_ =	swait.ge [sflag:s14], $0x4000  }
0x2a: {  	[sflag:s14] =	ssyncset.done $0x0  }
0x2b: {  	[sflag:s14] =	ssyncadd.s32 $0xFFFFC000  }
0x2c: {  	[spmem:s10] =	stream.linear.scatter [tilespmem:s16], [sflag:$0x1], $0x4000, $0x38;
	[tilespmem:$0x1D080] =	vst v63  }
0x2d: {  	_ =	swait.ge [sflag:s14], $0x4000  }
0x2e: {  	[sflag:s14] =	ssyncset.done $0x0  }
0x2f: {  	[sflag:s14] =	ssyncadd.s32 $0xFFFFC000  }
0x30: {  	[spmem:s11] =	stream.linear.scatter [tilespmem:s16], [sflag:$0x1], $0x4000, $0x38;
	[tilespmem:$0x1D080] =	vst v63  }
0x31: {  	_ =	swait.ge [sflag:s14], $0x4000  }
0x32: {  	[sflag:s14] =	ssyncset.done $0x0  }
0x33: {  	[sflag:s14] =	ssyncadd.s32 $0xFFFFC000  }
0x34: {  	s22 =	simm.s32 $0x0;
	[bflag:$0x0] =	sbarrier.arrive $0xFFFF  }
0x35: {  	v1 =	vld [tilespmem:s22+$0x2800];
	_ =	sdelay $0x4  }
0x36: {  	[tilespmem:$0x5000] =	vst v1  }
0x37: {  	v1 =	vld [tilespmem:s22+$0x2810];
	_ =	sdelay $0x4  }
0x38: {  	[tilespmem:$0x5010] =	vst v1  }
0x39: {  	v1 =	vld [tilespmem:s22+$0x2820];
	_ =	sdelay $0x4  }
0x3a: {  	[tilespmem:$0x5020] =	vst v1  }
0x3b: {  	v1 =	vld [tilespmem:s22+$0x2830];
	_ =	sdelay $0x4  }
0x3c: {  	[tilespmem:$0x5030] =	vst v1  }
0x3d: {  	v1 =	vld [tilespmem:s22+$0x2840];
	_ =	sdelay $0x4  }
0x3e: {  	[tilespmem:$0x5040] =	vst v1  }
0x3f: {  	v1 =	vld [tilespmem:s22+$0x2850];
	_ =	sdelay $0x4  }
0x40: {  	[tilespmem:$0x5050] =	vst v1  }
0x41: {  	v1 =	vld [tilespmem:s22+$0x2860];
	_ =	sdelay $0x4  }
0x42: {  	[tilespmem:$0x5060] =	vst v1  }
0x43: {  	v1 =	vld [tilespmem:s22+$0x2870];
	_ =	sdelay $0x4  }
0x44: {  	[tilespmem:$0x5070] =	vst v1  }
0x45: {  	[tilespmem:s16], [sflag:$0x1] =	stream.indirect.gather [hbm4b:s4+s17], $0x80, s22, s17, $0xb8;
	[tilespmem:$0x1D080] =	vst v63  }
0x46: {  	_ =	swait.ge [sflag:s14], $0x4000  }
0x47: {  	[sflag:s14] =	ssyncset.done $0x0  }
0x48: {  	[sflag:s14] =	ssyncadd.s32 $0xFFFFC000  }
0x49: {  	[spmem:s2] =	stream.indirect.scatter.add.f32 [tilespmem:s16], [sflag:$0x1], $0x80, s18, s17, $0xb8;
	[tilespmem:$0x1D080] =	vst v63  }
0x4a: {  	_ =	swait.ge [sflag:s14], $0x4000  }
0x4b: {  	s25 =	simm.s32 $0x400;
	s22 =	simm.s32 $0x200;
	[sflag:s14] =	ssyncset.done $0x0  }
.LBB2_4:
0x4c: {  	s24 =	sshra.s32 s22, $0x2  }
0x4d: {  	[sflag:s14] =	ssyncadd.s32 $0xFFFFC000;
	s22 =	smov.u32 s25;
	s23 =	sadd.s32 $0x200, s25  }
0x4e: {  	p0 =	sne.s32 s25, $0x9E00;
	v1 =	vld [tilespmem:s24+$0x2800];
	_ =	sdelay $0x4  }
0x4f: {  	[tilespmem:$0x5000] =	vst v1  }
0x50: {  	v1 =	vld [tilespmem:s24+$0x2810];
	_ =	sdelay $0x4  }
0x51: {  	[tilespmem:$0x5010] =	vst v1  }
0x52: {  	v1 =	vld [tilespmem:s24+$0x2820];
	_ =	sdelay $0x4  }
0x53: {  	[tilespmem:$0x5020] =	vst v1  }
0x54: {  	v1 =	vld [tilespmem:s24+$0x2830];
	_ =	sdelay $0x4  }
0x55: {  	[tilespmem:$0x5030] =	vst v1  }
0x56: {  	v1 =	vld [tilespmem:s24+$0x2840];
	_ =	sdelay $0x4  }
0x57: {  	[tilespmem:$0x5040] =	vst v1  }
0x58: {  	v1 =	vld [tilespmem:s24+$0x2850];
	_ =	sdelay $0x4  }
0x59: {  	[tilespmem:$0x5050] =	vst v1  }
0x5a: {  	v1 =	vld [tilespmem:s24+$0x2860];
	_ =	sdelay $0x4  }
0x5b: {  	[tilespmem:$0x5060] =	vst v1  }
0x5c: {  	v1 =	vld [tilespmem:s24+$0x2870];
	_ =	sdelay $0x4  }
0x5d: {  	[tilespmem:$0x5070] =	vst v1  }
0x5e: {  	[tilespmem:s16], [sflag:$0x1] =	stream.indirect.gather [hbm4b:s4+s17], $0x80, s24, s17, $0xb8;
	[tilespmem:$0x1D080] =	vst v63  }
0x5f: {  	_ =	swait.ge [sflag:s14], $0x4000  }
.Ltmp1:
0x60: {  	[sflag:s14] =	ssyncset.done $0x0;
	(pc) =	sbr.rel @p0 .LBB2_4-.Ltmp1, $4  }
0x61: {  	[sflag:s14] =	ssyncadd.s32 $0xFFFFC000  }
0x62: {  	[spmem:s2] =	stream.indirect.scatter.add.f32 [tilespmem:s16], [sflag:$0x1], $0x80, s18, s17, $0xb8;
	[tilespmem:$0x1D080] =	vst v63  }
0x63: {  	_ =	swait.ge [sflag:s14], $0x4000  }
0x64: {  	s25 =	smov.u32 s23;
	[sflag:s14] =	ssyncset.done $0x0  }
0x65: {  	s22 =	sshra.s32 s22, $0x2;
	[sflag:s14] =	ssyncadd.s32 $0xFFFFC000  }
0x66: {  	v1 =	vld [tilespmem:s22+$0x2800];
	_ =	sdelay $0x4  }
0x67: {  	[tilespmem:$0x5000] =	vst v1  }
0x68: {  	v1 =	vld [tilespmem:s22+$0x2810];
	_ =	sdelay $0x4  }
0x69: {  	[tilespmem:$0x5010] =	vst v1  }
0x6a: {  	v1 =	vld [tilespmem:s22+$0x2820];
	_ =	sdelay $0x4  }
0x6b: {  	[tilespmem:$0x5020] =	vst v1  }
0x6c: {  	v1 =	vld [tilespmem:s22+$0x2830];
	_ =	sdelay $0x4  }
0x6d: {  	[tilespmem:$0x5030] =	vst v1  }
0x6e: {  	v1 =	vld [tilespmem:s22+$0x2840];
	_ =	sdelay $0x4  }
0x6f: {  	[tilespmem:$0x5040] =	vst v1  }
0x70: {  	v1 =	vld [tilespmem:s22+$0x2850];
	_ =	sdelay $0x4  }
0x71: {  	[tilespmem:$0x5050] =	vst v1  }
0x72: {  	v1 =	vld [tilespmem:s22+$0x2860];
	_ =	sdelay $0x4  }
0x73: {  	[tilespmem:$0x5060] =	vst v1  }
0x74: {  	v1 =	vld [tilespmem:s22+$0x2870];
	_ =	sdelay $0x4  }
0x75: {  	[tilespmem:$0x5070] =	vst v1  }
0x76: {  	[tilespmem:s16], [sflag:$0x1] =	stream.indirect.gather [hbm4b:s4+s17], $0x80, s22, s17, $0xb8;
	[tilespmem:$0x1D080] =	vst v63  }
0x77: {  	_ =	swait.ge [sflag:s14], $0x4000  }
0x78: {  	[sflag:s14] =	ssyncset.done $0x0  }
0x79: {  	[sflag:s14] =	ssyncadd.s32 $0xFFFFC000  }
0x7a: {  	[spmem:s2] =	stream.indirect.scatter.add.f32 [tilespmem:s16], [sflag:$0x1], $0x80, s18, s17, $0xb8;
	[tilespmem:$0x1D080] =	vst v63  }
0x7b: {  	_ =	swait.ge [sflag:s14], $0x4000  }
0x7c: {  	s21 =	sadd.s32 $0x1, s21;
	[sflag:s14] =	ssyncset.done $0x0  }
0x7d: {  	p0 =	sne.s32 s21, s13;
	[sflag:s14] =	ssyncadd.s32 $0xFFFFC000  }
.Ltmp2:
0x7e: {  	[bflag:$0x0] =	sbarrier.arrive $0xFFFF;
	(pc) =	sbr.rel @p0 .LBB2_1-.Ltmp2, $4  }
0x7f: {  	[hbm:s12], [sflag:s19] =	dma.local [spmem:s20], $0x2800  }
0x80: {  	_ =	swait.ge [sflag:s14], $0x2800  }
0x81: {  	[sflag:s14] =	ssyncset.done $0x0  }
0x82: {  	[sflag:s14] =	ssyncadd.s32 $0xFFFFD800  }
0x83: {  	_ =	sfence.sel $0x180000  }
0x84: {  	[bflag:$0x0] =	sbarrier.arrive $0xFFFF  }
0x85: {  	p0 =	sne.s32 s1, $0x0;
	_ =	strace $0x90000053  }
0x86: {  	s0 =	sadd.s32 @!p0 $0x100000, s0;
	[bflag:$0x2] =	sbarrier.arrive $0xFFFF  }
0x87: {  	[sflag:s0] =	ssyncadd.tile.s32 @!p0 $0x1;
	_ =	shalt  }
.Lfunc_end2:
_tile_overlayer_lowered:
.L_overlay_start_2:
0x88: {  	(tag) =	ssettag $0x2  }
0x89: {  	s0 =	rddreg [dreg:$0x0];
	s2 =	stileid.u32  }
0x8a: {  	s1 =	rddreg [dreg:$0x1];
	p0 =	sne.s32 s2, $0x0  }
0x8b: {  	s3 =	rddreg [dreg:$0x2];
	[bflag:$0x3] =	sbarrier.arrive $0xFFFF;
	s2 =	simm.s32 @!p0 $0x1C01  }
0x8c: {  	[timem:s3], [sflag:s2] =	dma.local @!p0 [hbm:s0], s1  }
0x8d: {  	s0 =	simm.s32 @!p0 $0x1  }
0x8e: {  	_ =	swait.ge @!p0 [sflag:s0], s1  }
0x8f: {  	s1 =	ssub.s32 @!p0 $0x0, s1;
	[sflag:s0] =	ssyncset.done @!p0 $0x0  }
0x90: {  	[sflag:s0] =	ssyncadd.s32 @!p0 s1  }
0x91: {  	[bflag:$0x3] =	sbarrier.arrive $0xFFFF  }
0x92: {  	_ =	shalt  }

</sc_bundles>
